<compile_context>
chip_gen: v7x
topology: tpu7x:2x2x1
jax: 0.10.2.dev20260603
libtpu: 0.0.44.dev20260713+nightly
codegen_flags: <defaults>
</compile_context>

<pallas_src>
import functools

import jax
import jax.numpy as jnp
from jax import lax
from jax.experimental import pallas as pl
from jax.experimental.pallas import tpu as pltpu
from jax.experimental.pallas import tpu_sc as plsc

_LANES = 16
_B = 64
_DEPTH = 7
_AHEAD = 5
_CPW = 98
_SPAN = _B * _CPW
_NW = 32


def _body(x_hbm, upx_hbm, idx_hbm, out_hbm, idx_all, *rest, m, n_col):
    gath = rest[:_DEPTH]
    upx = rest[_DEPTH:2 * _DEPTH]
    sg = rest[2 * _DEPTH:3 * _DEPTH]
    su = rest[3 * _DEPTH:4 * _DEPTH]
    so = rest[4 * _DEPTH:5 * _DEPTH]
    sg2 = rest[5 * _DEPTH:6 * _DEPTH]
    ngrp = n_col // _LANES

    wid = lax.axis_index("s") * 2 + lax.axis_index("c")
    pb = jnp.minimum(wid * _SPAN, m - _SPAN)
    pltpu.sync_copy(idx_hbm.at[pl.ds(pb, _SPAN)], idx_all)

    half = _B // 2

    def in_copies(k, b):
        idx_lo = idx_all.at[pl.ds(k * _B, half)]
        idx_hi = idx_all.at[pl.ds(k * _B + half, half)]
        return (
            pltpu.make_async_copy(
                x_hbm.at[idx_lo], gath[b].at[pl.ds(0, half)], sg[b]),
            pltpu.make_async_copy(
                x_hbm.at[idx_hi], gath[b].at[pl.ds(half, half)], sg2[b]),
            pltpu.make_async_copy(
                upx_hbm.at[pl.ds(pb + k * _B, _B)], upx[b], su[b]),
        )

    def out_copy(k, b):
        return pltpu.make_async_copy(
            upx[b], out_hbm.at[pl.ds(pb + k * _B, _B)], so[b])

    for b in range(_AHEAD):
        for cp in in_copies(b, b):
            cp.start()

    @pl.loop(0, _CPW, step=_DEPTH)
    def _ring(k0):
        for db in range(_DEPTH):
            b = db
            k = k0 + db
            for cp in in_copies(k, b):
                cp.wait()

            @plsc.parallel_loop(0, _B, unroll=2)
            def _row(r):
                g = [gath[b][r, pl.ds(j * _LANES, _LANES)]
                     for j in range(ngrp)]
                for j in range(ngrp):
                    plsc.addupdate(
                        upx[b].at[r, pl.ds(j * _LANES, _LANES)], g[j])

            out_copy(k, b).start()
            b2 = (db + _AHEAD) % _DEPTH

            @pl.when(k + _AHEAD < _CPW)
            def _():
                @pl.when(k >= _DEPTH - _AHEAD)
                def _():
                    out_copy(k - (_DEPTH - _AHEAD), b2).wait()

                for cp in in_copies(k + _AHEAD, b2):
                    cp.start()

    for j in range(_DEPTH):
        k_last = _CPW - _DEPTH + j
        out_copy(k_last, k_last % _DEPTH).wait()


def _tc_probe_body(a_ref, o_ref):
    o_ref[...] = jnp.broadcast_to(
        jnp.sum(a_ref[...], axis=0, keepdims=True), o_ref.shape)


def kernel(x, up_x, unq_inv):
    m, n_col = up_x.shape
    idx = unq_inv.astype(jnp.int32)
    assert _SPAN * _NW >= m and _SPAN <= m

    d = pl.pallas_call(
        _tc_probe_body,
        grid=(200,),
        in_specs=[pl.BlockSpec((m // 200, n_col), lambda i: (i, 0))],
        out_specs=pl.BlockSpec((8, n_col), lambda i: (i, 0)),
        out_shape=jax.ShapeDtypeStruct((1600, n_col), jnp.float32),
    )(up_x)

    mesh = plsc.VectorSubcoreMesh(core_axis_name="c", subcore_axis_name="s")
    body = functools.partial(_body, m=m, n_col=n_col)
    run = pl.kernel(
        body,
        out_type=jax.ShapeDtypeStruct((m, n_col), jnp.float32),
        mesh=mesh,
        scratch_types=(
            [pltpu.VMEM((_SPAN,), jnp.int32)]
            + [pltpu.VMEM((_B, n_col), jnp.float32)] * (2 * _DEPTH)
            + [pltpu.SemaphoreType.DMA] * (4 * _DEPTH)
        ),
    )
    y = run(x, up_x, idx)
    return y.at[0, 0].add(0.0 * d[0, 0])

# --- scband reference (transcript-rebuilt; emitter-appended) ---
"""Pipeline reference for scband-voxel-expanding-46505905881639 (READ-ONLY COPY).

The authoritative reference and input builder live on the scoring server;
editing this copy changes nothing except your own understanding.
"""

import jax, jax.numpy as jnp
import numpy as np


def setup_inputs(seed: int = 0) -> dict:
    key = jax.random.key(seed)
    k1, k2, k3 = jax.random.split(key, 3)
    n, m, c = 50000, 200000, 128
    x = jax.random.normal(k1, (n, c), dtype=jnp.float32)
    up_x = jax.random.normal(k2, (m, c), dtype=jnp.float32)
    unq_inv = jax.random.randint(k3, (m,), 0, n, dtype=jnp.int64)
    return {"x": x, "up_x": up_x, "unq_inv": unq_inv}


def reference(x, up_x, unq_inv):
    # torch.gather(x.features, 0, unq_inv.unsqueeze(1).repeat(1, c)) is a
    # row-gather of x at indices unq_inv; result added to up_x.features.
    x_copy = jnp.take(x, unq_inv, axis=0)
    return up_x + x_copy

if __name__ == "__main__":
    import jax
    _d = setup_inputs()
    print(jax.jit(kernel)(*tuple(_d.values())))

</pallas_src>

<mosaic_0001>
#map = affine_map<(d0, d1) -> (0, 0)>
#map1 = affine_map<(d0, d1) -> (0)>
module attributes {stable_mosaic.version = 14 : i64} {
  func.func @_body(%arg0: i32, %arg1: i32, %arg2: memref<50000x128xf32, #tpu.memory_space<hbm>>, %arg3: memref<200000x128xf32, #tpu.memory_space<hbm>>, %arg4: memref<200000xi32, #tpu.memory_space<hbm>>, %arg5: memref<200000x128xf32, #tpu.memory_space<hbm>>, %arg6: memref<6272xi32, #tpu.memory_space<vmem>>, %arg7: memref<64x128xf32, #tpu.memory_space<vmem>>, %arg8: memref<64x128xf32, #tpu.memory_space<vmem>>, %arg9: memref<64x128xf32, #tpu.memory_space<vmem>>, %arg10: memref<64x128xf32, #tpu.memory_space<vmem>>, %arg11: memref<64x128xf32, #tpu.memory_space<vmem>>, %arg12: memref<64x128xf32, #tpu.memory_space<vmem>>, %arg13: memref<64x128xf32, #tpu.memory_space<vmem>>, %arg14: memref<64x128xf32, #tpu.memory_space<vmem>>, %arg15: memref<64x128xf32, #tpu.memory_space<vmem>>, %arg16: memref<64x128xf32, #tpu.memory_space<vmem>>, %arg17: memref<64x128xf32, #tpu.memory_space<vmem>>, %arg18: memref<64x128xf32, #tpu.memory_space<vmem>>, %arg19: memref<64x128xf32, #tpu.memory_space<vmem>>, %arg20: memref<64x128xf32, #tpu.memory_space<vmem>>, %arg21: memref<!tpu.dma_semaphore, #tpu.memory_space<semaphore_mem>>, %arg22: memref<!tpu.dma_semaphore, #tpu.memory_space<semaphore_mem>>, %arg23: memref<!tpu.dma_semaphore, #tpu.memory_space<semaphore_mem>>, %arg24: memref<!tpu.dma_semaphore, #tpu.memory_space<semaphore_mem>>, %arg25: memref<!tpu.dma_semaphore, #tpu.memory_space<semaphore_mem>>, %arg26: memref<!tpu.dma_semaphore, #tpu.memory_space<semaphore_mem>>, %arg27: memref<!tpu.dma_semaphore, #tpu.memory_space<semaphore_mem>>, %arg28: memref<!tpu.dma_semaphore, #tpu.memory_space<semaphore_mem>>, %arg29: memref<!tpu.dma_semaphore, #tpu.memory_space<semaphore_mem>>, %arg30: memref<!tpu.dma_semaphore, #tpu.memory_space<semaphore_mem>>, %arg31: memref<!tpu.dma_semaphore, #tpu.memory_space<semaphore_mem>>, %arg32: memref<!tpu.dma_semaphore, #tpu.memory_space<semaphore_mem>>, %arg33: memref<!tpu.dma_semaphore, #tpu.memory_space<semaphore_mem>>, %arg34: memref<!tpu.dma_semaphore, #tpu.memory_space<semaphore_mem>>, %arg35: memref<!tpu.dma_semaphore, #tpu.memory_space<semaphore_mem>>, %arg36: memref<!tpu.dma_semaphore, #tpu.memory_space<semaphore_mem>>, %arg37: memref<!tpu.dma_semaphore, #tpu.memory_space<semaphore_mem>>, %arg38: memref<!tpu.dma_semaphore, #tpu.memory_space<semaphore_mem>>, %arg39: memref<!tpu.dma_semaphore, #tpu.memory_space<semaphore_mem>>, %arg40: memref<!tpu.dma_semaphore, #tpu.memory_space<semaphore_mem>>, %arg41: memref<!tpu.dma_semaphore, #tpu.memory_space<semaphore_mem>>, %arg42: memref<!tpu.dma_semaphore, #tpu.memory_space<semaphore_mem>>, %arg43: memref<!tpu.dma_semaphore, #tpu.memory_space<semaphore_mem>>, %arg44: memref<!tpu.dma_semaphore, #tpu.memory_space<semaphore_mem>>, %arg45: memref<!tpu.dma_semaphore, #tpu.memory_space<semaphore_mem>>, %arg46: memref<!tpu.dma_semaphore, #tpu.memory_space<semaphore_mem>>, %arg47: memref<!tpu.dma_semaphore, #tpu.memory_space<semaphore_mem>>, %arg48: memref<!tpu.dma_semaphore, #tpu.memory_space<semaphore_mem>>) attributes {dimension_semantics = [#tpu.dimension_semantics<core_parallel>, #tpu.dimension_semantics<subcore_parallel>], iteration_bounds = array<i64: 2, 16>, scalar_prefetch = 0 : i64, scratch_operands = 43 : i64, tpu.core_type = #tpu.core_type<sc_vector_subcore>, window_params = [{transform_indices = #map}, {transform_indices = #map}, {transform_indices = #map1}, {transform_indices = #map}]} {
    %mul3A = arith.constant 2 : i32
    %mul3A_0 = arith.muli %arg1, %mul3A : i32
    %add3A = arith.addi %mul3A_0, %arg0 : i32
    %mul3A_1 = arith.constant 6272 : i32
    %mul3A_2 = arith.muli %add3A, %mul3A_1 : i32
    %min3A = arith.constant 193728 : i32
    %min3A_3 = arith.minsi %mul3A_2, %min3A : i32
    "tpu.region"() ({
      %run_scoped3A = tpu.sem_alloc : memref<!tpu.dma_semaphore, #tpu.memory_space<semaphore_mem>>
      %dma_start3A_158 = tpu.memref_slice %arg4[%min3A_3] : memref<200000xi32, #tpu.memory_space<hbm>> -> memref<6272xi32, #tpu.memory_space<hbm>>
      %dma_start3A_159 = tpu.memref_slice %arg4[%min3A_3] : memref<200000xi32, #tpu.memory_space<hbm>> -> memref<6272xi32, #tpu.memory_space<hbm>>
      tpu.enqueue_dma source(%dma_start3A_159 : memref<6272xi32, #tpu.memory_space<hbm>>) target(%arg6 : memref<6272xi32, #tpu.memory_space<vmem>>) target_semaphore(%run_scoped3A : memref<!tpu.dma_semaphore, #tpu.memory_space<semaphore_mem>>)
      %dma_wait3A_160 = tpu.memref_slice %arg4[%min3A_3] : memref<200000xi32, #tpu.memory_space<hbm>> -> memref<6272xi32, #tpu.memory_space<hbm>>
      %dma_wait3A_161 = tpu.memref_slice %arg4[%min3A_3] : memref<200000xi32, #tpu.memory_space<hbm>> -> memref<6272xi32, #tpu.memory_space<hbm>>
      tpu.wait_dma2 semaphore(%run_scoped3A : memref<!tpu.dma_semaphore, #tpu.memory_space<semaphore_mem>>) src(%dma_wait3A_161 : memref<6272xi32, #tpu.memory_space<hbm>>) dst(%arg6 : memref<6272xi32, #tpu.memory_space<vmem>>)
      tpu.yield
    }) : () -> ()
    %add3A_4 = arith.constant 0 : i32
    %add3A_5 = arith.addi %min3A_3, %add3A_4 : i32
    %dma_start3A = arith.constant 0 : i32
    %dma_start3A_6 = arith.constant 0 : i32
    %dma_start3A_7 = tpu.memref_slice %arg7[%dma_start3A, %dma_start3A_6] : memref<64x128xf32, #tpu.memory_space<vmem>> -> memref<32x128xf32, #tpu.memory_space<vmem>>
    %dma_start3A_8 = arith.constant 0 : i32
    %dma_start3A_9 = tpu.memref_slice %arg6[%dma_start3A_8] : memref<6272xi32, #tpu.memory_space<vmem>> -> memref<32xi32, #tpu.memory_space<vmem>>
    %dma_start3A_10 = arith.constant 0 : i32
    %dma_start3A_11 = arith.constant 0 : i32
    %dma_start3A_12 = tpu.memref_slice %arg2[%dma_start3A_10, %dma_start3A_11] : memref<50000x128xf32, #tpu.memory_space<hbm>> -> memref<50000x128xf32, #tpu.memory_space<hbm>>
    tpu.enqueue_indirect_dma source(%dma_start3A_12 : memref<50000x128xf32, #tpu.memory_space<hbm>>) target(%dma_start3A_7 : memref<32x128xf32, #tpu.memory_space<vmem>>) offsets(%dma_start3A_9 : memref<32xi32, #tpu.memory_space<vmem>>) semaphore(%arg21 : memref<!tpu.dma_semaphore, #tpu.memory_space<semaphore_mem>>)
    %dma_start3A_13 = arith.constant 32 : i32
    %dma_start3A_14 = arith.constant 0 : i32
    %dma_start3A_15 = tpu.memref_slice %arg7[%dma_start3A_13, %dma_start3A_14] : memref<64x128xf32, #tpu.memory_space<vmem>> -> memref<32x128xf32, #tpu.memory_space<vmem>>
    %dma_start3A_16 = arith.constant 32 : i32
    %dma_start3A_17 = tpu.memref_slice %arg6[%dma_start3A_16] : memref<6272xi32, #tpu.memory_space<vmem>> -> memref<32xi32, #tpu.memory_space<vmem>>
    %dma_start3A_18 = arith.constant 0 : i32
    %dma_start3A_19 = arith.constant 0 : i32
    %dma_start3A_20 = tpu.memref_slice %arg2[%dma_start3A_18, %dma_start3A_19] : memref<50000x128xf32, #tpu.memory_space<hbm>> -> memref<50000x128xf32, #tpu.memory_space<hbm>>
    tpu.enqueue_indirect_dma source(%dma_start3A_20 : memref<50000x128xf32, #tpu.memory_space<hbm>>) target(%dma_start3A_15 : memref<32x128xf32, #tpu.memory_space<vmem>>) offsets(%dma_start3A_17 : memref<32xi32, #tpu.memory_space<vmem>>) semaphore(%arg42 : memref<!tpu.dma_semaphore, #tpu.memory_space<semaphore_mem>>)
    %dma_start3A_21 = arith.constant 0 : i32
    %dma_start3A_22 = tpu.memref_slice %arg3[%add3A_5, %dma_start3A_21] : memref<200000x128xf32, #tpu.memory_space<hbm>> -> memref<64x128xf32, #tpu.memory_space<hbm>>
    %dma_start3A_23 = arith.constant 0 : i32
    %dma_start3A_24 = tpu.memref_slice %arg3[%add3A_5, %dma_start3A_23] : memref<200000x128xf32, #tpu.memory_space<hbm>> -> memref<64x128xf32, #tpu.memory_space<hbm>>
    tpu.enqueue_dma source(%dma_start3A_24 : memref<64x128xf32, #tpu.memory_space<hbm>>) target(%arg14 : memref<64x128xf32, #tpu.memory_space<vmem>>) target_semaphore(%arg28 : memref<!tpu.dma_semaphore, #tpu.memory_space<semaphore_mem>>)
    %add3A_25 = arith.constant 64 : i32
    %add3A_26 = arith.addi %min3A_3, %add3A_25 : i32
    %dma_start3A_27 = arith.constant 0 : i32
    %dma_start3A_28 = arith.constant 0 : i32
    %dma_start3A_29 = tpu.memref_slice %arg8[%dma_start3A_27, %dma_start3A_28] : memref<64x128xf32, #tpu.memory_space<vmem>> -> memref<32x128xf32, #tpu.memory_space<vmem>>
    %dma_start3A_30 = arith.constant 64 : i32
    %dma_start3A_31 = tpu.memref_slice %arg6[%dma_start3A_30] : memref<6272xi32, #tpu.memory_space<vmem>> -> memref<32xi32, #tpu.memory_space<vmem>>
    %dma_start3A_32 = arith.constant 0 : i32
    %dma_start3A_33 = arith.constant 0 : i32
    %dma_start3A_34 = tpu.memref_slice %arg2[%dma_start3A_32, %dma_start3A_33] : memref<50000x128xf32, #tpu.memory_space<hbm>> -> memref<50000x128xf32, #tpu.memory_space<hbm>>
    tpu.enqueue_indirect_dma source(%dma_start3A_34 : memref<50000x128xf32, #tpu.memory_space<hbm>>) target(%dma_start3A_29 : memref<32x128xf32, #tpu.memory_space<vmem>>) offsets(%dma_start3A_31 : memref<32xi32, #tpu.memory_space<vmem>>) semaphore(%arg22 : memref<!tpu.dma_semaphore, #tpu.memory_space<semaphore_mem>>)
    %dma_start3A_35 = arith.constant 32 : i32
    %dma_start3A_36 = arith.constant 0 : i32
    %dma_start3A_37 = tpu.memref_slice %arg8[%dma_start3A_35, %dma_start3A_36] : memref<64x128xf32, #tpu.memory_space<vmem>> -> memref<32x128xf32, #tpu.memory_space<vmem>>
    %dma_start3A_38 = arith.constant 96 : i32
    %dma_start3A_39 = tpu.memref_slice %arg6[%dma_start3A_38] : memref<6272xi32, #tpu.memory_space<vmem>> -> memref<32xi32, #tpu.memory_space<vmem>>
    %dma_start3A_40 = arith.constant 0 : i32
    %dma_start3A_41 = arith.constant 0 : i32
    %dma_start3A_42 = tpu.memref_slice %arg2[%dma_start3A_40, %dma_start3A_41] : memref<50000x128xf32, #tpu.memory_space<hbm>> -> memref<50000x128xf32, #tpu.memory_space<hbm>>
    tpu.enqueue_indirect_dma source(%dma_start3A_42 : memref<50000x128xf32, #tpu.memory_space<hbm>>) target(%dma_start3A_37 : memref<32x128xf32, #tpu.memory_space<vmem>>) offsets(%dma_start3A_39 : memref<32xi32, #tpu.memory_space<vmem>>) semaphore(%arg43 : memref<!tpu.dma_semaphore, #tpu.memory_space<semaphore_mem>>)
    %dma_start3A_43 = arith.constant 0 : i32
    %dma_start3A_44 = tpu.memref_slice %arg3[%add3A_26, %dma_start3A_43] : memref<200000x128xf32, #tpu.memory_space<hbm>> -> memref<64x128xf32, #tpu.memory_space<hbm>>
    %dma_start3A_45 = arith.constant 0 : i32
    %dma_start3A_46 = tpu.memref_slice %arg3[%add3A_26, %dma_start3A_45] : memref<200000x128xf32, #tpu.memory_space<hbm>> -> memref<64x128xf32, #tpu.memory_space<hbm>>
    tpu.enqueue_dma source(%dma_start3A_46 : memref<64x128xf32, #tpu.memory_space<hbm>>) target(%arg15 : memref<64x128xf32, #tpu.memory_space<vmem>>) target_semaphore(%arg29 : memref<!tpu.dma_semaphore, #tpu.memory_space<semaphore_mem>>)
    %add3A_47 = arith.constant 128 : i32
    %add3A_48 = arith.addi %min3A_3, %add3A_47 : i32
    %dma_start3A_49 = arith.constant 0 : i32
    %dma_start3A_50 = arith.constant 0 : i32
    %dma_start3A_51 = tpu.memref_slice %arg9[%dma_start3A_49, %dma_start3A_50] : memref<64x128xf32, #tpu.memory_space<vmem>> -> memref<32x128xf32, #tpu.memory_space<vmem>>
    %dma_start3A_52 = arith.constant 128 : i32
    %dma_start3A_53 = tpu.memref_slice %arg6[%dma_start3A_52] : memref<6272xi32, #tpu.memory_space<vmem>> -> memref<32xi32, #tpu.memory_space<vmem>>
    %dma_start3A_54 = arith.constant 0 : i32
    %dma_start3A_55 = arith.constant 0 : i32
    %dma_start3A_56 = tpu.memref_slice %arg2[%dma_start3A_54, %dma_start3A_55] : memref<50000x128xf32, #tpu.memory_space<hbm>> -> memref<50000x128xf32, #tpu.memory_space<hbm>>
    tpu.enqueue_indirect_dma source(%dma_start3A_56 : memref<50000x128xf32, #tpu.memory_space<hbm>>) target(%dma_start3A_51 : memref<32x128xf32, #tpu.memory_space<vmem>>) offsets(%dma_start3A_53 : memref<32xi32, #tpu.memory_space<vmem>>) semaphore(%arg23 : memref<!tpu.dma_semaphore, #tpu.memory_space<semaphore_mem>>)
    %dma_start3A_57 = arith.constant 32 : i32
    %dma_start3A_58 = arith.constant 0 : i32
    %dma_start3A_59 = tpu.memref_slice %arg9[%dma_start3A_57, %dma_start3A_58] : memref<64x128xf32, #tpu.memory_space<vmem>> -> memref<32x128xf32, #tpu.memory_space<vmem>>
    %dma_start3A_60 = arith.constant 160 : i32
    %dma_start3A_61 = tpu.memref_slice %arg6[%dma_start3A_60] : memref<6272xi32, #tpu.memory_space<vmem>> -> memref<32xi32, #tpu.memory_space<vmem>>
    %dma_start3A_62 = arith.constant 0 : i32
    %dma_start3A_63 = arith.constant 0 : i32
    %dma_start3A_64 = tpu.memref_slice %arg2[%dma_start3A_62, %dma_start3A_63] : memref<50000x128xf32, #tpu.memory_space<hbm>> -> memref<50000x128xf32, #tpu.memory_space<hbm>>
    tpu.enqueue_indirect_dma source(%dma_start3A_64 : memref<50000x128xf32, #tpu.memory_space<hbm>>) target(%dma_start3A_59 : memref<32x128xf32, #tpu.memory_space<vmem>>) offsets(%dma_start3A_61 : memref<32xi32, #tpu.memory_space<vmem>>) semaphore(%arg44 : memref<!tpu.dma_semaphore, #tpu.memory_space<semaphore_mem>>)
    %dma_start3A_65 = arith.constant 0 : i32
    %dma_start3A_66 = tpu.memref_slice %arg3[%add3A_48, %dma_start3A_65] : memref<200000x128xf32, #tpu.memory_space<hbm>> -> memref<64x128xf32, #tpu.memory_space<hbm>>
    %dma_start3A_67 = arith.constant 0 : i32
    %dma_start3A_68 = tpu.memref_slice %arg3[%add3A_48, %dma_start3A_67] : memref<200000x128xf32, #tpu.memory_space<hbm>> -> memref<64x128xf32, #tpu.memory_space<hbm>>
    tpu.enqueue_dma source(%dma_start3A_68 : memref<64x128xf32, #tpu.memory_space<hbm>>) target(%arg16 : memref<64x128xf32, #tpu.memory_space<vmem>>) target_semaphore(%arg30 : memref<!tpu.dma_semaphore, #tpu.memory_space<semaphore_mem>>)
    %add3A_69 = arith.constant 192 : i32
    %add3A_70 = arith.addi %min3A_3, %add3A_69 : i32
    %dma_start3A_71 = arith.constant 0 : i32
    %dma_start3A_72 = arith.constant 0 : i32
    %dma_start3A_73 = tpu.memref_slice %arg10[%dma_start3A_71, %dma_start3A_72] : memref<64x128xf32, #tpu.memory_space<vmem>> -> memref<32x128xf32, #tpu.memory_space<vmem>>
    %dma_start3A_74 = arith.constant 192 : i32
    %dma_start3A_75 = tpu.memref_slice %arg6[%dma_start3A_74] : memref<6272xi32, #tpu.memory_space<vmem>> -> memref<32xi32, #tpu.memory_space<vmem>>
    %dma_start3A_76 = arith.constant 0 : i32
    %dma_start3A_77 = arith.constant 0 : i32
    %dma_start3A_78 = tpu.memref_slice %arg2[%dma_start3A_76, %dma_start3A_77] : memref<50000x128xf32, #tpu.memory_space<hbm>> -> memref<50000x128xf32, #tpu.memory_space<hbm>>
    tpu.enqueue_indirect_dma source(%dma_start3A_78 : memref<50000x128xf32, #tpu.memory_space<hbm>>) target(%dma_start3A_73 : memref<32x128xf32, #tpu.memory_space<vmem>>) offsets(%dma_start3A_75 : memref<32xi32, #tpu.memory_space<vmem>>) semaphore(%arg24 : memref<!tpu.dma_semaphore, #tpu.memory_space<semaphore_mem>>)
    %dma_start3A_79 = arith.constant 32 : i32
    %dma_start3A_80 = arith.constant 0 : i32
    %dma_start3A_81 = tpu.memref_slice %arg10[%dma_start3A_79, %dma_start3A_80] : memref<64x128xf32, #tpu.memory_space<vmem>> -> memref<32x128xf32, #tpu.memory_space<vmem>>
    %dma_start3A_82 = arith.constant 224 : i32
    %dma_start3A_83 = tpu.memref_slice %arg6[%dma_start3A_82] : memref<6272xi32, #tpu.memory_space<vmem>> -> memref<32xi32, #tpu.memory_space<vmem>>
    %dma_start3A_84 = arith.constant 0 : i32
    %dma_start3A_85 = arith.constant 0 : i32
    %dma_start3A_86 = tpu.memref_slice %arg2[%dma_start3A_84, %dma_start3A_85] : memref<50000x128xf32, #tpu.memory_space<hbm>> -> memref<50000x128xf32, #tpu.memory_space<hbm>>
    tpu.enqueue_indirect_dma source(%dma_start3A_86 : memref<50000x128xf32, #tpu.memory_space<hbm>>) target(%dma_start3A_81 : memref<32x128xf32, #tpu.memory_space<vmem>>) offsets(%dma_start3A_83 : memref<32xi32, #tpu.memory_space<vmem>>) semaphore(%arg45 : memref<!tpu.dma_semaphore, #tpu.memory_space<semaphore_mem>>)
    %dma_start3A_87 = arith.constant 0 : i32
    %dma_start3A_88 = tpu.memref_slice %arg3[%add3A_70, %dma_start3A_87] : memref<200000x128xf32, #tpu.memory_space<hbm>> -> memref<64x128xf32, #tpu.memory_space<hbm>>
    %dma_start3A_89 = arith.constant 0 : i32
    %dma_start3A_90 = tpu.memref_slice %arg3[%add3A_70, %dma_start3A_89] : memref<200000x128xf32, #tpu.memory_space<hbm>> -> memref<64x128xf32, #tpu.memory_space<hbm>>
    tpu.enqueue_dma source(%dma_start3A_90 : memref<64x128xf32, #tpu.memory_space<hbm>>) target(%arg17 : memref<64x128xf32, #tpu.memory_space<vmem>>) target_semaphore(%arg31 : memref<!tpu.dma_semaphore, #tpu.memory_space<semaphore_mem>>)
    %add3A_91 = arith.constant 256 : i32
    %add3A_92 = arith.addi %min3A_3, %add3A_91 : i32
    %dma_start3A_93 = arith.constant 0 : i32
    %dma_start3A_94 = arith.constant 0 : i32
    %dma_start3A_95 = tpu.memref_slice %arg11[%dma_start3A_93, %dma_start3A_94] : memref<64x128xf32, #tpu.memory_space<vmem>> -> memref<32x128xf32, #tpu.memory_space<vmem>>
    %dma_start3A_96 = arith.constant 256 : i32
    %dma_start3A_97 = tpu.memref_slice %arg6[%dma_start3A_96] : memref<6272xi32, #tpu.memory_space<vmem>> -> memref<32xi32, #tpu.memory_space<vmem>>
    %dma_start3A_98 = arith.constant 0 : i32
    %dma_start3A_99 = arith.constant 0 : i32
    %dma_start3A_100 = tpu.memref_slice %arg2[%dma_start3A_98, %dma_start3A_99] : memref<50000x128xf32, #tpu.memory_space<hbm>> -> memref<50000x128xf32, #tpu.memory_space<hbm>>
    tpu.enqueue_indirect_dma source(%dma_start3A_100 : memref<50000x128xf32, #tpu.memory_space<hbm>>) target(%dma_start3A_95 : memref<32x128xf32, #tpu.memory_space<vmem>>) offsets(%dma_start3A_97 : memref<32xi32, #tpu.memory_space<vmem>>) semaphore(%arg25 : memref<!tpu.dma_semaphore, #tpu.memory_space<semaphore_mem>>)
    %dma_start3A_101 = arith.constant 32 : i32
    %dma_start3A_102 = arith.constant 0 : i32
    %dma_start3A_103 = tpu.memref_slice %arg11[%dma_start3A_101, %dma_start3A_102] : memref<64x128xf32, #tpu.memory_space<vmem>> -> memref<32x128xf32, #tpu.memory_space<vmem>>
    %dma_start3A_104 = arith.constant 288 : i32
    %dma_start3A_105 = tpu.memref_slice %arg6[%dma_start3A_104] : memref<6272xi32, #tpu.memory_space<vmem>> -> memref<32xi32, #tpu.memory_space<vmem>>
    %dma_start3A_106 = arith.constant 0 : i32
    %dma_start3A_107 = arith.constant 0 : i32
    %dma_start3A_108 = tpu.memref_slice %arg2[%dma_start3A_106, %dma_start3A_107] : memref<50000x128xf32, #tpu.memory_space<hbm>> -> memref<50000x128xf32, #tpu.memory_space<hbm>>
    tpu.enqueue_indirect_dma source(%dma_start3A_108 : memref<50000x128xf32, #tpu.memory_space<hbm>>) target(%dma_start3A_103 : memref<32x128xf32, #tpu.memory_space<vmem>>) offsets(%dma_start3A_105 : memref<32xi32, #tpu.memory_space<vmem>>) semaphore(%arg46 : memref<!tpu.dma_semaphore, #tpu.memory_space<semaphore_mem>>)
    %dma_start3A_109 = arith.constant 0 : i32
    %dma_start3A_110 = tpu.memref_slice %arg3[%add3A_92, %dma_start3A_109] : memref<200000x128xf32, #tpu.memory_space<hbm>> -> memref<64x128xf32, #tpu.memory_space<hbm>>
    %dma_start3A_111 = arith.constant 0 : i32
    %dma_start3A_112 = tpu.memref_slice %arg3[%add3A_92, %dma_start3A_111] : memref<200000x128xf32, #tpu.memory_space<hbm>> -> memref<64x128xf32, #tpu.memory_space<hbm>>
    tpu.enqueue_dma source(%dma_start3A_112 : memref<64x128xf32, #tpu.memory_space<hbm>>) target(%arg18 : memref<64x128xf32, #tpu.memory_space<vmem>>) target_semaphore(%arg32 : memref<!tpu.dma_semaphore, #tpu.memory_space<semaphore_mem>>)
    %scan3A = arith.constant 0 : i32
    %scan3A_113 = arith.constant 14 : i32
    %scan3A_114 = arith.addi %scan3A, %scan3A_113 : i32
    %scan3A_115 = arith.constant 1 : i32
    scf.for %scan3A_158 = %scan3A to %scan3A_114 step %scan3A_115  : i32 {
      %mul3A_159 = arith.constant 7 : i32
      %mul3A_160 = arith.muli %scan3A_158, %mul3A_159 : i32
      %add3A_161 = arith.constant 0 : i32
      %add3A_162 = arith.addi %add3A_161, %mul3A_160 : i32
      %add3A_163 = arith.constant 0 : i32
      %add3A_164 = arith.addi %add3A_162, %add3A_163 : i32
      %mul3A_165 = arith.constant 64 : i32
      %mul3A_166 = arith.muli %add3A_164, %mul3A_165 : i32
      %mul3A_167 = arith.constant 64 : i32
      %mul3A_168 = arith.muli %add3A_164, %mul3A_167 : i32
      %add3A_169 = arith.constant 32 : i32
      %add3A_170 = arith.addi %mul3A_168, %add3A_169 : i32
      %mul3A_171 = arith.constant 64 : i32
      %mul3A_172 = arith.muli %add3A_164, %mul3A_171 : i32
      %add3A_173 = arith.addi %min3A_3, %mul3A_172 : i32
      %dma_wait3A_174 = arith.constant 0 : i32
      %dma_wait3A_175 = arith.constant 0 : i32
      %dma_wait3A_176 = tpu.memref_slice %arg7[%dma_wait3A_174, %dma_wait3A_175] : memref<64x128xf32, #tpu.memory_space<vmem>> -> memref<32x128xf32, #tpu.memory_space<vmem>>
      %dma_wait3A_177 = tpu.memref_slice %arg6[%mul3A_166] : memref<6272xi32, #tpu.memory_space<vmem>> -> memref<32xi32, #tpu.memory_space<vmem>>
      %dma_wait3A_178 = arith.constant 0 : i32
      %dma_wait3A_179 = arith.constant 0 : i32
      %dma_wait3A_180 = tpu.memref_slice %arg2[%dma_wait3A_178, %dma_wait3A_179] : memref<50000x128xf32, #tpu.memory_space<hbm>> -> memref<50000x128xf32, #tpu.memory_space<hbm>>
      tpu.wait_indirect_dma semaphore(%arg21 : memref<!tpu.dma_semaphore, #tpu.memory_space<semaphore_mem>>) src(%dma_wait3A_180 : memref<50000x128xf32, #tpu.memory_space<hbm>>) dst(%dma_wait3A_176 : memref<32x128xf32, #tpu.memory_space<vmem>>)
      %dma_wait3A_181 = arith.constant 32 : i32
      %dma_wait3A_182 = arith.constant 0 : i32
      %dma_wait3A_183 = tpu.memref_slice %arg7[%dma_wait3A_181, %dma_wait3A_182] : memref<64x128xf32, #tpu.memory_space<vmem>> -> memref<32x128xf32, #tpu.memory_space<vmem>>
      %dma_wait3A_184 = tpu.memref_slice %arg6[%add3A_170] : memref<6272xi32, #tpu.memory_space<vmem>> -> memref<32xi32, #tpu.memory_space<vmem>>
      %dma_wait3A_185 = arith.constant 0 : i32
      %dma_wait3A_186 = arith.constant 0 : i32
      %dma_wait3A_187 = tpu.memref_slice %arg2[%dma_wait3A_185, %dma_wait3A_186] : memref<50000x128xf32, #tpu.memory_space<hbm>> -> memref<50000x128xf32, #tpu.memory_space<hbm>>
      tpu.wait_indirect_dma semaphore(%arg42 : memref<!tpu.dma_semaphore, #tpu.memory_space<semaphore_mem>>) src(%dma_wait3A_187 : memref<50000x128xf32, #tpu.memory_space<hbm>>) dst(%dma_wait3A_183 : memref<32x128xf32, #tpu.memory_space<vmem>>)
      %dma_wait3A_188 = arith.constant 0 : i32
      %dma_wait3A_189 = tpu.memref_slice %arg3[%add3A_173, %dma_wait3A_188] : memref<200000x128xf32, #tpu.memory_space<hbm>> -> memref<64x128xf32, #tpu.memory_space<hbm>>
      %dma_wait3A_190 = arith.constant 0 : i32
      %dma_wait3A_191 = tpu.memref_slice %arg3[%add3A_173, %dma_wait3A_190] : memref<200000x128xf32, #tpu.memory_space<hbm>> -> memref<64x128xf32, #tpu.memory_space<hbm>>
      tpu.wait_dma2 semaphore(%arg28 : memref<!tpu.dma_semaphore, #tpu.memory_space<semaphore_mem>>) src(%dma_wait3A_191 : memref<64x128xf32, #tpu.memory_space<hbm>>) dst(%arg14 : memref<64x128xf32, #tpu.memory_space<vmem>>)
      %parallel_loop3A = arith.constant 0 : i32
      %parallel_loop3A_192 = arith.constant 64 : i32
      %parallel_loop3A_193 = arith.constant 1 : i32
      scf.for %parallel_loop3A_481 = %parallel_loop3A to %parallel_loop3A_192 step %parallel_loop3A_193  : i32 {
        %parallel_loop3A_482 = arith.index_cast %parallel_loop3A_481 : i32 to index
        %parallel_loop3A_483 = arith.constant 0 : index
        %parallel_loop3A_484 = tpu.vector_load %arg7[%parallel_loop3A_482, %parallel_loop3A_483] {strides = array<i32>} : memref<64x128xf32, #tpu.memory_space<vmem>>, vector<1x16xf32>,
        %parallel_loop3A_485 = vector.shape_cast %parallel_loop3A_484 : vector<1x16xf32> to vector<16xf32>
        %parallel_loop3A_486 = arith.index_cast %parallel_loop3A_481 : i32 to index
        %parallel_loop3A_487 = arith.constant 16 : index
        %parallel_loop3A_488 = tpu.vector_load %arg7[%parallel_loop3A_486, %parallel_loop3A_487] {strides = array<i32>} : memref<64x128xf32, #tpu.memory_space<vmem>>, vector<1x16xf32>,
        %parallel_loop3A_489 = vector.shape_cast %parallel_loop3A_488 : vector<1x16xf32> to vector<16xf32>
        %parallel_loop3A_490 = arith.index_cast %parallel_loop3A_481 : i32 to index
        %parallel_loop3A_491 = arith.constant 32 : index
        %parallel_loop3A_492 = tpu.vector_load %arg7[%parallel_loop3A_490, %parallel_loop3A_491] {strides = array<i32>} : memref<64x128xf32, #tpu.memory_space<vmem>>, vector<1x16xf32>,
        %parallel_loop3A_493 = vector.shape_cast %parallel_loop3A_492 : vector<1x16xf32> to vector<16xf32>
        %parallel_loop3A_494 = arith.index_cast %parallel_loop3A_481 : i32 to index
        %parallel_loop3A_495 = arith.constant 48 : index
        %parallel_loop3A_496 = tpu.vector_load %arg7[%parallel_loop3A_494, %parallel_loop3A_495] {strides = array<i32>} : memref<64x128xf32, #tpu.memory_space<vmem>>, vector<1x16xf32>,
        %parallel_loop3A_497 = vector.shape_cast %parallel_loop3A_496 : vector<1x16xf32> to vector<16xf32>
        %parallel_loop3A_498 = arith.index_cast %parallel_loop3A_481 : i32 to index
        %parallel_loop3A_499 = arith.constant 64 : index
        %parallel_loop3A_500 = tpu.vector_load %arg7[%parallel_loop3A_498, %parallel_loop3A_499] {strides = array<i32>} : memref<64x128xf32, #tpu.memory_space<vmem>>, vector<1x16xf32>,
        %parallel_loop3A_501 = vector.shape_cast %parallel_loop3A_500 : vector<1x16xf32> to vector<16xf32>
        %parallel_loop3A_502 = arith.index_cast %parallel_loop3A_481 : i32 to index
        %parallel_loop3A_503 = arith.constant 80 : index
        %parallel_loop3A_504 = tpu.vector_load %arg7[%parallel_loop3A_502, %parallel_loop3A_503] {strides = array<i32>} : memref<64x128xf32, #tpu.memory_space<vmem>>, vector<1x16xf32>,
        %parallel_loop3A_505 = vector.shape_cast %parallel_loop3A_504 : vector<1x16xf32> to vector<16xf32>
        %parallel_loop3A_506 = arith.index_cast %parallel_loop3A_481 : i32 to index
        %parallel_loop3A_507 = arith.constant 96 : index
        %parallel_loop3A_508 = tpu.vector_load %arg7[%parallel_loop3A_506, %parallel_loop3A_507] {strides = array<i32>} : memref<64x128xf32, #tpu.memory_space<vmem>>, vector<1x16xf32>,
        %parallel_loop3A_509 = vector.shape_cast %parallel_loop3A_508 : vector<1x16xf32> to vector<16xf32>
        %parallel_loop3A_510 = arith.index_cast %parallel_loop3A_481 : i32 to index
        %parallel_loop3A_511 = arith.constant 112 : index
        %parallel_loop3A_512 = tpu.vector_load %arg7[%parallel_loop3A_510, %parallel_loop3A_511] {strides = array<i32>} : memref<64x128xf32, #tpu.memory_space<vmem>>, vector<1x16xf32>,
        %parallel_loop3A_513 = vector.shape_cast %parallel_loop3A_512 : vector<1x16xf32> to vector<16xf32>
        %parallel_loop3A_514 = arith.index_cast %parallel_loop3A_481 : i32 to index
        %parallel_loop3A_515 = arith.constant 0 : index
        %parallel_loop3A_516 = tpu.vector_load %arg14[%parallel_loop3A_514, %parallel_loop3A_515] {strides = array<i32>} : memref<64x128xf32, #tpu.memory_space<vmem>>, vector<1x16xf32>,
        %parallel_loop3A_517 = vector.shape_cast %parallel_loop3A_516 : vector<1x16xf32> to vector<16xf32>
        %parallel_loop3A_518 = vector.shape_cast %parallel_loop3A_485 : vector<16xf32> to vector<1x16xf32>
        tpu.vector_store %arg14[%parallel_loop3A_514, %parallel_loop3A_515], %parallel_loop3A_518 {add = true, strides = array<i32>} : memref<64x128xf32, #tpu.memory_space<vmem>>, vector<1x16xf32>,
        %parallel_loop3A_519 = arith.index_cast %parallel_loop3A_481 : i32 to index
        %parallel_loop3A_520 = arith.constant 16 : index
        %parallel_loop3A_521 = tpu.vector_load %arg14[%parallel_loop3A_519, %parallel_loop3A_520] {strides = array<i32>} : memref<64x128xf32, #tpu.memory_space<vmem>>, vector<1x16xf32>,
        %parallel_loop3A_522 = vector.shape_cast %parallel_loop3A_521 : vector<1x16xf32> to vector<16xf32>
        %parallel_loop3A_523 = vector.shape_cast %parallel_loop3A_489 : vector<16xf32> to vector<1x16xf32>
        tpu.vector_store %arg14[%parallel_loop3A_519, %parallel_loop3A_520], %parallel_loop3A_523 {add = true, strides = array<i32>} : memref<64x128xf32, #tpu.memory_space<vmem>>, vector<1x16xf32>,
        %parallel_loop3A_524 = arith.index_cast %parallel_loop3A_481 : i32 to index
        %parallel_loop3A_525 = arith.constant 32 : index
        %parallel_loop3A_526 = tpu.vector_load %arg14[%parallel_loop3A_524, %parallel_loop3A_525] {strides = array<i32>} : memref<64x128xf32, #tpu.memory_space<vmem>>, vector<1x16xf32>,
        %parallel_loop3A_527 = vector.shape_cast %parallel_loop3A_526 : vector<1x16xf32> to vector<16xf32>
        %parallel_loop3A_528 = vector.shape_cast %parallel_loop3A_493 : vector<16xf32> to vector<1x16xf32>
        tpu.vector_store %arg14[%parallel_loop3A_524, %parallel_loop3A_525], %parallel_loop3A_528 {add = true, strides = array<i32>} : memref<64x128xf32, #tpu.memory_space<vmem>>, vector<1x16xf32>,
        %parallel_loop3A_529 = arith.index_cast %parallel_loop3A_481 : i32 to index
        %parallel_loop3A_530 = arith.constant 48 : index
        %parallel_loop3A_531 = tpu.vector_load %arg14[%parallel_loop3A_529, %parallel_loop3A_530] {strides = array<i32>} : memref<64x128xf32, #tpu.memory_space<vmem>>, vector<1x16xf32>,
        %parallel_loop3A_532 = vector.shape_cast %parallel_loop3A_531 : vector<1x16xf32> to vector<16xf32>
        %parallel_loop3A_533 = vector.shape_cast %parallel_loop3A_497 : vector<16xf32> to vector<1x16xf32>
        tpu.vector_store %arg14[%parallel_loop3A_529, %parallel_loop3A_530], %parallel_loop3A_533 {add = true, strides = array<i32>} : memref<64x128xf32, #tpu.memory_space<vmem>>, vector<1x16xf32>,
        %parallel_loop3A_534 = arith.index_cast %parallel_loop3A_481 : i32 to index
        %parallel_loop3A_535 = arith.constant 64 : index
        %parallel_loop3A_536 = tpu.vector_load %arg14[%parallel_loop3A_534, %parallel_loop3A_535] {strides = array<i32>} : memref<64x128xf32, #tpu.memory_space<vmem>>, vector<1x16xf32>,
        %parallel_loop3A_537 = vector.shape_cast %parallel_loop3A_536 : vector<1x16xf32> to vector<16xf32>
        %parallel_loop3A_538 = vector.shape_cast %parallel_loop3A_501 : vector<16xf32> to vector<1x16xf32>
        tpu.vector_store %arg14[%parallel_loop3A_534, %parallel_loop3A_535], %parallel_loop3A_538 {add = true, strides = array<i32>} : memref<64x128xf32, #tpu.memory_space<vmem>>, vector<1x16xf32>,
        %parallel_loop3A_539 = arith.index_cast %parallel_loop3A_481 : i32 to index
        %parallel_loop3A_540 = arith.constant 80 : index
        %parallel_loop3A_541 = tpu.vector_load %arg14[%parallel_loop3A_539, %parallel_loop3A_540] {strides = array<i32>} : memref<64x128xf32, #tpu.memory_space<vmem>>, vector<1x16xf32>,
        %parallel_loop3A_542 = vector.shape_cast %parallel_loop3A_541 : vector<1x16xf32> to vector<16xf32>
        %parallel_loop3A_543 = vector.shape_cast %parallel_loop3A_505 : vector<16xf32> to vector<1x16xf32>
        tpu.vector_store %arg14[%parallel_loop3A_539, %parallel_loop3A_540], %parallel_loop3A_543 {add = true, strides = array<i32>} : memref<64x128xf32, #tpu.memory_space<vmem>>, vector<1x16xf32>,
        %parallel_loop3A_544 = arith.index_cast %parallel_loop3A_481 : i32 to index
        %parallel_loop3A_545 = arith.constant 96 : index
        %parallel_loop3A_546 = tpu.vector_load %arg14[%parallel_loop3A_544, %parallel_loop3A_545] {strides = array<i32>} : memref<64x128xf32, #tpu.memory_space<vmem>>, vector<1x16xf32>,
        %parallel_loop3A_547 = vector.shape_cast %parallel_loop3A_546 : vector<1x16xf32> to vector<16xf32>
        %parallel_loop3A_548 = vector.shape_cast %parallel_loop3A_509 : vector<16xf32> to vector<1x16xf32>
        tpu.vector_store %arg14[%parallel_loop3A_544, %parallel_loop3A_545], %parallel_loop3A_548 {add = true, strides = array<i32>} : memref<64x128xf32, #tpu.memory_space<vmem>>, vector<1x16xf32>,
        %parallel_loop3A_549 = arith.index_cast %parallel_loop3A_481 : i32 to index
        %parallel_loop3A_550 = arith.constant 112 : index
        %parallel_loop3A_551 = tpu.vector_load %arg14[%parallel_loop3A_549, %parallel_loop3A_550] {strides = array<i32>} : memref<64x128xf32, #tpu.memory_space<vmem>>, vector<1x16xf32>,
        %parallel_loop3A_552 = vector.shape_cast %parallel_loop3A_551 : vector<1x16xf32> to vector<16xf32>
        %parallel_loop3A_553 = vector.shape_cast %parallel_loop3A_513 : vector<16xf32> to vector<1x16xf32>
        tpu.vector_store %arg14[%parallel_loop3A_549, %parallel_loop3A_550], %parallel_loop3A_553 {add = true, strides = array<i32>} : memref<64x128xf32, #tpu.memory_space<vmem>>, vector<1x16xf32>,
      } {sc.loop_unroll_factor = 2 : i64, sc.parallel_access}
      %mul3A_194 = arith.constant 64 : i32
      %mul3A_195 = arith.muli %add3A_164, %mul3A_194 : i32
      %add3A_196 = arith.addi %min3A_3, %mul3A_195 : i32
      %dma_start3A_197 = arith.constant 0 : i32
      %dma_start3A_198 = tpu.memref_slice %arg5[%add3A_196, %dma_start3A_197] : memref<200000x128xf32, #tpu.memory_space<hbm>> -> memref<64x128xf32, #tpu.memory_space<hbm>>
      %dma_start3A_199 = arith.constant 0 : i32
      %dma_start3A_200 = tpu.memref_slice %arg5[%add3A_196, %dma_start3A_199] : memref<200000x128xf32, #tpu.memory_space<hbm>> -> memref<64x128xf32, #tpu.memory_space<hbm>>
      tpu.enqueue_dma source(%arg14 : memref<64x128xf32, #tpu.memory_space<vmem>>) target(%dma_start3A_200 : memref<64x128xf32, #tpu.memory_space<hbm>>) target_semaphore(%arg35 : memref<!tpu.dma_semaphore, #tpu.memory_space<semaphore_mem>>)
      %add3A_201 = arith.constant 5 : i32
      %add3A_202 = arith.addi %add3A_164, %add3A_201 : i32
      %lt3A = arith.constant 98 : i32
      %lt3A_203 = arith.cmpi slt, %add3A_202, %lt3A : i32
      %convert_element_type3A = arith.extui %lt3A_203 : i1 to i32
      %cond3A = arith.constant 0 : i32
      %cond3A_204 = arith.cmpi ne, %convert_element_type3A, %cond3A : i32
      scf.if %cond3A_204 {
        %ge3A = arith.constant 2 : i32
        %ge3A_481 = arith.cmpi sge, %add3A_164, %ge3A : i32
        %convert_element_type3A_482 = arith.extui %ge3A_481 : i1 to i32
        %cond3A_483 = arith.constant 0 : i32
        %cond3A_484 = arith.cmpi ne, %convert_element_type3A_482, %cond3A_483 : i32
        scf.if %cond3A_484 {
          %sub3A = arith.constant 2 : i32
          %sub3A_514 = arith.subi %add3A_164, %sub3A : i32
          %mul3A_515 = arith.constant 64 : i32
          %mul3A_516 = arith.muli %sub3A_514, %mul3A_515 : i32
          %add3A_517 = arith.addi %min3A_3, %mul3A_516 : i32
          %dma_wait3A_518 = arith.constant 0 : i32
          %dma_wait3A_519 = tpu.memref_slice %arg5[%add3A_517, %dma_wait3A_518] : memref<200000x128xf32, #tpu.memory_space<hbm>> -> memref<64x128xf32, #tpu.memory_space<hbm>>
          %dma_wait3A_520 = arith.constant 0 : i32
          %dma_wait3A_521 = tpu.memref_slice %arg5[%add3A_517, %dma_wait3A_520] : memref<200000x128xf32, #tpu.memory_space<hbm>> -> memref<64x128xf32, #tpu.memory_space<hbm>>
          tpu.wait_dma2 semaphore(%arg40 : memref<!tpu.dma_semaphore, #tpu.memory_space<semaphore_mem>>) src(%arg19 : memref<64x128xf32, #tpu.memory_space<vmem>>) dst(%dma_wait3A_521 : memref<64x128xf32, #tpu.memory_space<hbm>>)
        } else {
        }
        %add3A_485 = arith.constant 5 : i32
        %add3A_486 = arith.addi %add3A_164, %add3A_485 : i32
        %mul3A_487 = arith.constant 64 : i32
        %mul3A_488 = arith.muli %add3A_486, %mul3A_487 : i32
        %mul3A_489 = arith.constant 64 : i32
        %mul3A_490 = arith.muli %add3A_486, %mul3A_489 : i32
        %add3A_491 = arith.constant 32 : i32
        %add3A_492 = arith.addi %mul3A_490, %add3A_491 : i32
        %mul3A_493 = arith.constant 64 : i32
        %mul3A_494 = arith.muli %add3A_486, %mul3A_493 : i32
        %add3A_495 = arith.addi %min3A_3, %mul3A_494 : i32
        %dma_start3A_496 = arith.constant 0 : i32
        %dma_start3A_497 = arith.constant 0 : i32
        %dma_start3A_498 = tpu.memref_slice %arg12[%dma_start3A_496, %dma_start3A_497] : memref<64x128xf32, #tpu.memory_space<vmem>> -> memref<32x128xf32, #tpu.memory_space<vmem>>
        %dma_start3A_499 = tpu.memref_slice %arg6[%mul3A_488] : memref<6272xi32, #tpu.memory_space<vmem>> -> memref<32xi32, #tpu.memory_space<vmem>>
        %dma_start3A_500 = arith.constant 0 : i32
        %dma_start3A_501 = arith.constant 0 : i32
        %dma_start3A_502 = tpu.memref_slice %arg2[%dma_start3A_500, %dma_start3A_501] : memref<50000x128xf32, #tpu.memory_space<hbm>> -> memref<50000x128xf32, #tpu.memory_space<hbm>>
        tpu.enqueue_indirect_dma source(%dma_start3A_502 : memref<50000x128xf32, #tpu.memory_space<hbm>>) target(%dma_start3A_498 : memref<32x128xf32, #tpu.memory_space<vmem>>) offsets(%dma_start3A_499 : memref<32xi32, #tpu.memory_space<vmem>>) semaphore(%arg26 : memref<!tpu.dma_semaphore, #tpu.memory_space<semaphore_mem>>)
        %dma_start3A_503 = arith.constant 32 : i32
        %dma_start3A_504 = arith.constant 0 : i32
        %dma_start3A_505 = tpu.memref_slice %arg12[%dma_start3A_503, %dma_start3A_504] : memref<64x128xf32, #tpu.memory_space<vmem>> -> memref<32x128xf32, #tpu.memory_space<vmem>>
        %dma_start3A_506 = tpu.memref_slice %arg6[%add3A_492] : memref<6272xi32, #tpu.memory_space<vmem>> -> memref<32xi32, #tpu.memory_space<vmem>>
        %dma_start3A_507 = arith.constant 0 : i32
        %dma_start3A_508 = arith.constant 0 : i32
        %dma_start3A_509 = tpu.memref_slice %arg2[%dma_start3A_507, %dma_start3A_508] : memref<50000x128xf32, #tpu.memory_space<hbm>> -> memref<50000x128xf32, #tpu.memory_space<hbm>>
        tpu.enqueue_indirect_dma source(%dma_start3A_509 : memref<50000x128xf32, #tpu.memory_space<hbm>>) target(%dma_start3A_505 : memref<32x128xf32, #tpu.memory_space<vmem>>) offsets(%dma_start3A_506 : memref<32xi32, #tpu.memory_space<vmem>>) semaphore(%arg47 : memref<!tpu.dma_semaphore, #tpu.memory_space<semaphore_mem>>)
        %dma_start3A_510 = arith.constant 0 : i32
        %dma_start3A_511 = tpu.memref_slice %arg3[%add3A_495, %dma_start3A_510] : memref<200000x128xf32, #tpu.memory_space<hbm>> -> memref<64x128xf32, #tpu.memory_space<hbm>>
        %dma_start3A_512 = arith.constant 0 : i32
        %dma_start3A_513 = tpu.memref_slice %arg3[%add3A_495, %dma_start3A_512] : memref<200000x128xf32, #tpu.memory_space<hbm>> -> memref<64x128xf32, #tpu.memory_space<hbm>>
        tpu.enqueue_dma source(%dma_start3A_513 : memref<64x128xf32, #tpu.memory_space<hbm>>) target(%arg19 : memref<64x128xf32, #tpu.memory_space<vmem>>) target_semaphore(%arg33 : memref<!tpu.dma_semaphore, #tpu.memory_space<semaphore_mem>>)
      } else {
      }
      %add3A_205 = arith.constant 1 : i32
      %add3A_206 = arith.addi %add3A_162, %add3A_205 : i32
      %mul3A_207 = arith.constant 64 : i32
      %mul3A_208 = arith.muli %add3A_206, %mul3A_207 : i32
      %mul3A_209 = arith.constant 64 : i32
      %mul3A_210 = arith.muli %add3A_206, %mul3A_209 : i32
      %add3A_211 = arith.constant 32 : i32
      %add3A_212 = arith.addi %mul3A_210, %add3A_211 : i32
      %mul3A_213 = arith.constant 64 : i32
      %mul3A_214 = arith.muli %add3A_206, %mul3A_213 : i32
      %add3A_215 = arith.addi %min3A_3, %mul3A_214 : i32
      %dma_wait3A_216 = arith.constant 0 : i32
      %dma_wait3A_217 = arith.constant 0 : i32
      %dma_wait3A_218 = tpu.memref_slice %arg8[%dma_wait3A_216, %dma_wait3A_217] : memref<64x128xf32, #tpu.memory_space<vmem>> -> memref<32x128xf32, #tpu.memory_space<vmem>>
      %dma_wait3A_219 = tpu.memref_slice %arg6[%mul3A_208] : memref<6272xi32, #tpu.memory_space<vmem>> -> memref<32xi32, #tpu.memory_space<vmem>>
      %dma_wait3A_220 = arith.constant 0 : i32
      %dma_wait3A_221 = arith.constant 0 : i32
      %dma_wait3A_222 = tpu.memref_slice %arg2[%dma_wait3A_220, %dma_wait3A_221] : memref<50000x128xf32, #tpu.memory_space<hbm>> -> memref<50000x128xf32, #tpu.memory_space<hbm>>
      tpu.wait_indirect_dma semaphore(%arg22 : memref<!tpu.dma_semaphore, #tpu.memory_space<semaphore_mem>>) src(%dma_wait3A_222 : memref<50000x128xf32, #tpu.memory_space<hbm>>) dst(%dma_wait3A_218 : memref<32x128xf32, #tpu.memory_space<vmem>>)
      %dma_wait3A_223 = arith.constant 32 : i32
      %dma_wait3A_224 = arith.constant 0 : i32
      %dma_wait3A_225 = tpu.memref_slice %arg8[%dma_wait3A_223, %dma_wait3A_224] : memref<64x128xf32, #tpu.memory_space<vmem>> -> memref<32x128xf32, #tpu.memory_space<vmem>>
      %dma_wait3A_226 = tpu.memref_slice %arg6[%add3A_212] : memref<6272xi32, #tpu.memory_space<vmem>> -> memref<32xi32, #tpu.memory_space<vmem>>
      %dma_wait3A_227 = arith.constant 0 : i32
      %dma_wait3A_228 = arith.constant 0 : i32
      %dma_wait3A_229 = tpu.memref_slice %arg2[%dma_wait3A_227, %dma_wait3A_228] : memref<50000x128xf32, #tpu.memory_space<hbm>> -> memref<50000x128xf32, #tpu.memory_space<hbm>>
      tpu.wait_indirect_dma semaphore(%arg43 : memref<!tpu.dma_semaphore, #tpu.memory_space<semaphore_mem>>) src(%dma_wait3A_229 : memref<50000x128xf32, #tpu.memory_space<hbm>>) dst(%dma_wait3A_225 : memref<32x128xf32, #tpu.memory_space<vmem>>)
      %dma_wait3A_230 = arith.constant 0 : i32
      %dma_wait3A_231 = tpu.memref_slice %arg3[%add3A_215, %dma_wait3A_230] : memref<200000x128xf32, #tpu.memory_space<hbm>> -> memref<64x128xf32, #tpu.memory_space<hbm>>
      %dma_wait3A_232 = arith.constant 0 : i32
      %dma_wait3A_233 = tpu.memref_slice %arg3[%add3A_215, %dma_wait3A_232] : memref<200000x128xf32, #tpu.memory_space<hbm>> -> memref<64x128xf32, #tpu.memory_space<hbm>>
      tpu.wait_dma2 semaphore(%arg29 : memref<!tpu.dma_semaphore, #tpu.memory_space<semaphore_mem>>) src(%dma_wait3A_233 : memref<64x128xf32, #tpu.memory_space<hbm>>) dst(%arg15 : memref<64x128xf32, #tpu.memory_space<vmem>>)
      %parallel_loop3A_234 = arith.constant 0 : i32
      %parallel_loop3A_235 = arith.constant 64 : i32
      %parallel_loop3A_236 = arith.constant 1 : i32
      scf.for %parallel_loop3A_481 = %parallel_loop3A_234 to %parallel_loop3A_235 step %parallel_loop3A_236  : i32 {
        %parallel_loop3A_482 = arith.index_cast %parallel_loop3A_481 : i32 to index
        %parallel_loop3A_483 = arith.constant 0 : index
        %parallel_loop3A_484 = tpu.vector_load %arg8[%parallel_loop3A_482, %parallel_loop3A_483] {strides = array<i32>} : memref<64x128xf32, #tpu.memory_space<vmem>>, vector<1x16xf32>,
        %parallel_loop3A_485 = vector.shape_cast %parallel_loop3A_484 : vector<1x16xf32> to vector<16xf32>
        %parallel_loop3A_486 = arith.index_cast %parallel_loop3A_481 : i32 to index
        %parallel_loop3A_487 = arith.constant 16 : index
        %parallel_loop3A_488 = tpu.vector_load %arg8[%parallel_loop3A_486, %parallel_loop3A_487] {strides = array<i32>} : memref<64x128xf32, #tpu.memory_space<vmem>>, vector<1x16xf32>,
        %parallel_loop3A_489 = vector.shape_cast %parallel_loop3A_488 : vector<1x16xf32> to vector<16xf32>
        %parallel_loop3A_490 = arith.index_cast %parallel_loop3A_481 : i32 to index
        %parallel_loop3A_491 = arith.constant 32 : index
        %parallel_loop3A_492 = tpu.vector_load %arg8[%parallel_loop3A_490, %parallel_loop3A_491] {strides = array<i32>} : memref<64x128xf32, #tpu.memory_space<vmem>>, vector<1x16xf32>,
        %parallel_loop3A_493 = vector.shape_cast %parallel_loop3A_492 : vector<1x16xf32> to vector<16xf32>
        %parallel_loop3A_494 = arith.index_cast %parallel_loop3A_481 : i32 to index
        %parallel_loop3A_495 = arith.constant 48 : index
        %parallel_loop3A_496 = tpu.vector_load %arg8[%parallel_loop3A_494, %parallel_loop3A_495] {strides = array<i32>} : memref<64x128xf32, #tpu.memory_space<vmem>>, vector<1x16xf32>,
        %parallel_loop3A_497 = vector.shape_cast %parallel_loop3A_496 : vector<1x16xf32> to vector<16xf32>
        %parallel_loop3A_498 = arith.index_cast %parallel_loop3A_481 : i32 to index
        %parallel_loop3A_499 = arith.constant 64 : index
        %parallel_loop3A_500 = tpu.vector_load %arg8[%parallel_loop3A_498, %parallel_loop3A_499] {strides = array<i32>} : memref<64x128xf32, #tpu.memory_space<vmem>>, vector<1x16xf32>,
        %parallel_loop3A_501 = vector.shape_cast %parallel_loop3A_500 : vector<1x16xf32> to vector<16xf32>
        %parallel_loop3A_502 = arith.index_cast %parallel_loop3A_481 : i32 to index
        %parallel_loop3A_503 = arith.constant 80 : index
        %parallel_loop3A_504 = tpu.vector_load %arg8[%parallel_loop3A_502, %parallel_loop3A_503] {strides = array<i32>} : memref<64x128xf32, #tpu.memory_space<vmem>>, vector<1x16xf32>,
        %parallel_loop3A_505 = vector.shape_cast %parallel_loop3A_504 : vector<1x16xf32> to vector<16xf32>
        %parallel_loop3A_506 = arith.index_cast %parallel_loop3A_481 : i32 to index
        %parallel_loop3A_507 = arith.constant 96 : index
        %parallel_loop3A_508 = tpu.vector_load %arg8[%parallel_loop3A_506, %parallel_loop3A_507] {strides = array<i32>} : memref<64x128xf32, #tpu.memory_space<vmem>>, vector<1x16xf32>,
        %parallel_loop3A_509 = vector.shape_cast %parallel_loop3A_508 : vector<1x16xf32> to vector<16xf32>
        %parallel_loop3A_510 = arith.index_cast %parallel_loop3A_481 : i32 to index
        %parallel_loop3A_511 = arith.constant 112 : index
        %parallel_loop3A_512 = tpu.vector_load %arg8[%parallel_loop3A_510, %parallel_loop3A_511] {strides = array<i32>} : memref<64x128xf32, #tpu.memory_space<vmem>>, vector<1x16xf32>,
        %parallel_loop3A_513 = vector.shape_cast %parallel_loop3A_512 : vector<1x16xf32> to vector<16xf32>
        %parallel_loop3A_514 = arith.index_cast %parallel_loop3A_481 : i32 to index
        %parallel_loop3A_515 = arith.constant 0 : index
        %parallel_loop3A_516 = tpu.vector_load %arg15[%parallel_loop3A_514, %parallel_loop3A_515] {strides = array<i32>} : memref<64x128xf32, #tpu.memory_space<vmem>>, vector<1x16xf32>,
        %parallel_loop3A_517 = vector.shape_cast %parallel_loop3A_516 : vector<1x16xf32> to vector<16xf32>
        %parallel_loop3A_518 = vector.shape_cast %parallel_loop3A_485 : vector<16xf32> to vector<1x16xf32>
        tpu.vector_store %arg15[%parallel_loop3A_514, %parallel_loop3A_515], %parallel_loop3A_518 {add = true, strides = array<i32>} : memref<64x128xf32, #tpu.memory_space<vmem>>, vector<1x16xf32>,
        %parallel_loop3A_519 = arith.index_cast %parallel_loop3A_481 : i32 to index
        %parallel_loop3A_520 = arith.constant 16 : index
        %parallel_loop3A_521 = tpu.vector_load %arg15[%parallel_loop3A_519, %parallel_loop3A_520] {strides = array<i32>} : memref<64x128xf32, #tpu.memory_space<vmem>>, vector<1x16xf32>,
        %parallel_loop3A_522 = vector.shape_cast %parallel_loop3A_521 : vector<1x16xf32> to vector<16xf32>
        %parallel_loop3A_523 = vector.shape_cast %parallel_loop3A_489 : vector<16xf32> to vector<1x16xf32>
        tpu.vector_store %arg15[%parallel_loop3A_519, %parallel_loop3A_520], %parallel_loop3A_523 {add = true, strides = array<i32>} : memref<64x128xf32, #tpu.memory_space<vmem>>, vector<1x16xf32>,
        %parallel_loop3A_524 = arith.index_cast %parallel_loop3A_481 : i32 to index
        %parallel_loop3A_525 = arith.constant 32 : index
        %parallel_loop3A_526 = tpu.vector_load %arg15[%parallel_loop3A_524, %parallel_loop3A_525] {strides = array<i32>} : memref<64x128xf32, #tpu.memory_space<vmem>>, vector<1x16xf32>,
        %parallel_loop3A_527 = vector.shape_cast %parallel_loop3A_526 : vector<1x16xf32> to vector<16xf32>
        %parallel_loop3A_528 = vector.shape_cast %parallel_loop3A_493 : vector<16xf32> to vector<1x16xf32>
        tpu.vector_store %arg15[%parallel_loop3A_524, %parallel_loop3A_525], %parallel_loop3A_528 {add = true, strides = array<i32>} : memref<64x128xf32, #tpu.memory_space<vmem>>, vector<1x16xf32>,
        %parallel_loop3A_529 = arith.index_cast %parallel_loop3A_481 : i32 to index
        %parallel_loop3A_530 = arith.constant 48 : index
        %parallel_loop3A_531 = tpu.vector_load %arg15[%parallel_loop3A_529, %parallel_loop3A_530] {strides = array<i32>} : memref<64x128xf32, #tpu.memory_space<vmem>>, vector<1x16xf32>,
        %parallel_loop3A_532 = vector.shape_cast %parallel_loop3A_531 : vector<1x16xf32> to vector<16xf32>
        %parallel_loop3A_533 = vector.shape_cast %parallel_loop3A_497 : vector<16xf32> to vector<1x16xf32>
        tpu.vector_store %arg15[%parallel_loop3A_529, %parallel_loop3A_530], %parallel_loop3A_533 {add = true, strides = array<i32>} : memref<64x128xf32, #tpu.memory_space<vmem>>, vector<1x16xf32>,
        %parallel_loop3A_534 = arith.index_cast %parallel_loop3A_481 : i32 to index
        %parallel_loop3A_535 = arith.constant 64 : index
        %parallel_loop3A_536 = tpu.vector_load %arg15[%parallel_loop3A_534, %parallel_loop3A_535] {strides = array<i32>} : memref<64x128xf32, #tpu.memory_space<vmem>>, vector<1x16xf32>,
        %parallel_loop3A_537 = vector.shape_cast %parallel_loop3A_536 : vector<1x16xf32> to vector<16xf32>
        %parallel_loop3A_538 = vector.shape_cast %parallel_loop3A_501 : vector<16xf32> to vector<1x16xf32>
        tpu.vector_store %arg15[%parallel_loop3A_534, %parallel_loop3A_535], %parallel_loop3A_538 {add = true, strides = array<i32>} : memref<64x128xf32, #tpu.memory_space<vmem>>, vector<1x16xf32>,
        %parallel_loop3A_539 = arith.index_cast %parallel_loop3A_481 : i32 to index
        %parallel_loop3A_540 = arith.constant 80 : index
        %parallel_loop3A_541 = tpu.vector_load %arg15[%parallel_loop3A_539, %parallel_loop3A_540] {strides = array<i32>} : memref<64x128xf32, #tpu.memory_space<vmem>>, vector<1x16xf32>,
        %parallel_loop3A_542 = vector.shape_cast %parallel_loop3A_541 : vector<1x16xf32> to vector<16xf32>
        %parallel_loop3A_543 = vector.shape_cast %parallel_loop3A_505 : vector<16xf32> to vector<1x16xf32>
        tpu.vector_store %arg15[%parallel_loop3A_539, %parallel_loop3A_540], %parallel_loop3A_543 {add = true, strides = array<i32>} : memref<64x128xf32, #tpu.memory_space<vmem>>, vector<1x16xf32>,
        %parallel_loop3A_544 = arith.index_cast %parallel_loop3A_481 : i32 to index
        %parallel_loop3A_545 = arith.constant 96 : index
        %parallel_loop3A_546 = tpu.vector_load %arg15[%parallel_loop3A_544, %parallel_loop3A_545] {strides = array<i32>} : memref<64x128xf32, #tpu.memory_space<vmem>>, vector<1x16xf32>,
        %parallel_loop3A_547 = vector.shape_cast %parallel_loop3A_546 : vector<1x16xf32> to vector<16xf32>
        %parallel_loop3A_548 = vector.shape_cast %parallel_loop3A_509 : vector<16xf32> to vector<1x16xf32>
        tpu.vector_store %arg15[%parallel_loop3A_544, %parallel_loop3A_545], %parallel_loop3A_548 {add = true, strides = array<i32>} : memref<64x128xf32, #tpu.memory_space<vmem>>, vector<1x16xf32>,
        %parallel_loop3A_549 = arith.index_cast %parallel_loop3A_481 : i32 to index
        %parallel_loop3A_550 = arith.constant 112 : index
        %parallel_loop3A_551 = tpu.vector_load %arg15[%parallel_loop3A_549, %parallel_loop3A_550] {strides = array<i32>} : memref<64x128xf32, #tpu.memory_space<vmem>>, vector<1x16xf32>,
        %parallel_loop3A_552 = vector.shape_cast %parallel_loop3A_551 : vector<1x16xf32> to vector<16xf32>
        %parallel_loop3A_553 = vector.shape_cast %parallel_loop3A_513 : vector<16xf32> to vector<1x16xf32>
        tpu.vector_store %arg15[%parallel_loop3A_549, %parallel_loop3A_550], %parallel_loop3A_553 {add = true, strides = array<i32>} : memref<64x128xf32, #tpu.memory_space<vmem>>, vector<1x16xf32>,
      } {sc.loop_unroll_factor = 2 : i64, sc.parallel_access}
      %mul3A_237 = arith.constant 64 : i32
      %mul3A_238 = arith.muli %add3A_206, %mul3A_237 : i32
      %add3A_239 = arith.addi %min3A_3, %mul3A_238 : i32
      %dma_start3A_240 = arith.constant 0 : i32
      %dma_start3A_241 = tpu.memref_slice %arg5[%add3A_239, %dma_start3A_240] : memref<200000x128xf32, #tpu.memory_space<hbm>> -> memref<64x128xf32, #tpu.memory_space<hbm>>
      %dma_start3A_242 = arith.constant 0 : i32
      %dma_start3A_243 = tpu.memref_slice %arg5[%add3A_239, %dma_start3A_242] : memref<200000x128xf32, #tpu.memory_space<hbm>> -> memref<64x128xf32, #tpu.memory_space<hbm>>
      tpu.enqueue_dma source(%arg15 : memref<64x128xf32, #tpu.memory_space<vmem>>) target(%dma_start3A_243 : memref<64x128xf32, #tpu.memory_space<hbm>>) target_semaphore(%arg36 : memref<!tpu.dma_semaphore, #tpu.memory_space<semaphore_mem>>)
      %add3A_244 = arith.constant 5 : i32
      %add3A_245 = arith.addi %add3A_206, %add3A_244 : i32
      %lt3A_246 = arith.constant 98 : i32
      %lt3A_247 = arith.cmpi slt, %add3A_245, %lt3A_246 : i32
      %convert_element_type3A_248 = arith.extui %lt3A_247 : i1 to i32
      %cond3A_249 = arith.constant 0 : i32
      %cond3A_250 = arith.cmpi ne, %convert_element_type3A_248, %cond3A_249 : i32
      scf.if %cond3A_250 {
        %ge3A = arith.constant 2 : i32
        %ge3A_481 = arith.cmpi sge, %add3A_206, %ge3A : i32
        %convert_element_type3A_482 = arith.extui %ge3A_481 : i1 to i32
        %cond3A_483 = arith.constant 0 : i32
        %cond3A_484 = arith.cmpi ne, %convert_element_type3A_482, %cond3A_483 : i32
        scf.if %cond3A_484 {
          %sub3A = arith.constant 2 : i32
          %sub3A_514 = arith.subi %add3A_206, %sub3A : i32
          %mul3A_515 = arith.constant 64 : i32
          %mul3A_516 = arith.muli %sub3A_514, %mul3A_515 : i32
          %add3A_517 = arith.addi %min3A_3, %mul3A_516 : i32
          %dma_wait3A_518 = arith.constant 0 : i32
          %dma_wait3A_519 = tpu.memref_slice %arg5[%add3A_517, %dma_wait3A_518] : memref<200000x128xf32, #tpu.memory_space<hbm>> -> memref<64x128xf32, #tpu.memory_space<hbm>>
          %dma_wait3A_520 = arith.constant 0 : i32
          %dma_wait3A_521 = tpu.memref_slice %arg5[%add3A_517, %dma_wait3A_520] : memref<200000x128xf32, #tpu.memory_space<hbm>> -> memref<64x128xf32, #tpu.memory_space<hbm>>
          tpu.wait_dma2 semaphore(%arg41 : memref<!tpu.dma_semaphore, #tpu.memory_space<semaphore_mem>>) src(%arg20 : memref<64x128xf32, #tpu.memory_space<vmem>>) dst(%dma_wait3A_521 : memref<64x128xf32, #tpu.memory_space<hbm>>)
        } else {
        }
        %add3A_485 = arith.constant 5 : i32
        %add3A_486 = arith.addi %add3A_206, %add3A_485 : i32
        %mul3A_487 = arith.constant 64 : i32
        %mul3A_488 = arith.muli %add3A_486, %mul3A_487 : i32
        %mul3A_489 = arith.constant 64 : i32
        %mul3A_490 = arith.muli %add3A_486, %mul3A_489 : i32
        %add3A_491 = arith.constant 32 : i32
        %add3A_492 = arith.addi %mul3A_490, %add3A_491 : i32
        %mul3A_493 = arith.constant 64 : i32
        %mul3A_494 = arith.muli %add3A_486, %mul3A_493 : i32
        %add3A_495 = arith.addi %min3A_3, %mul3A_494 : i32
        %dma_start3A_496 = arith.constant 0 : i32
        %dma_start3A_497 = arith.constant 0 : i32
        %dma_start3A_498 = tpu.memref_slice %arg13[%dma_start3A_496, %dma_start3A_497] : memref<64x128xf32, #tpu.memory_space<vmem>> -> memref<32x128xf32, #tpu.memory_space<vmem>>
        %dma_start3A_499 = tpu.memref_slice %arg6[%mul3A_488] : memref<6272xi32, #tpu.memory_space<vmem>> -> memref<32xi32, #tpu.memory_space<vmem>>
        %dma_start3A_500 = arith.constant 0 : i32
        %dma_start3A_501 = arith.constant 0 : i32
        %dma_start3A_502 = tpu.memref_slice %arg2[%dma_start3A_500, %dma_start3A_501] : memref<50000x128xf32, #tpu.memory_space<hbm>> -> memref<50000x128xf32, #tpu.memory_space<hbm>>
        tpu.enqueue_indirect_dma source(%dma_start3A_502 : memref<50000x128xf32, #tpu.memory_space<hbm>>) target(%dma_start3A_498 : memref<32x128xf32, #tpu.memory_space<vmem>>) offsets(%dma_start3A_499 : memref<32xi32, #tpu.memory_space<vmem>>) semaphore(%arg27 : memref<!tpu.dma_semaphore, #tpu.memory_space<semaphore_mem>>)
        %dma_start3A_503 = arith.constant 32 : i32
        %dma_start3A_504 = arith.constant 0 : i32
        %dma_start3A_505 = tpu.memref_slice %arg13[%dma_start3A_503, %dma_start3A_504] : memref<64x128xf32, #tpu.memory_space<vmem>> -> memref<32x128xf32, #tpu.memory_space<vmem>>
        %dma_start3A_506 = tpu.memref_slice %arg6[%add3A_492] : memref<6272xi32, #tpu.memory_space<vmem>> -> memref<32xi32, #tpu.memory_space<vmem>>
        %dma_start3A_507 = arith.constant 0 : i32
        %dma_start3A_508 = arith.constant 0 : i32
        %dma_start3A_509 = tpu.memref_slice %arg2[%dma_start3A_507, %dma_start3A_508] : memref<50000x128xf32, #tpu.memory_space<hbm>> -> memref<50000x128xf32, #tpu.memory_space<hbm>>
        tpu.enqueue_indirect_dma source(%dma_start3A_509 : memref<50000x128xf32, #tpu.memory_space<hbm>>) target(%dma_start3A_505 : memref<32x128xf32, #tpu.memory_space<vmem>>) offsets(%dma_start3A_506 : memref<32xi32, #tpu.memory_space<vmem>>) semaphore(%arg48 : memref<!tpu.dma_semaphore, #tpu.memory_space<semaphore_mem>>)
        %dma_start3A_510 = arith.constant 0 : i32
        %dma_start3A_511 = tpu.memref_slice %arg3[%add3A_495, %dma_start3A_510] : memref<200000x128xf32, #tpu.memory_space<hbm>> -> memref<64x128xf32, #tpu.memory_space<hbm>>
        %dma_start3A_512 = arith.constant 0 : i32
        %dma_start3A_513 = tpu.memref_slice %arg3[%add3A_495, %dma_start3A_512] : memref<200000x128xf32, #tpu.memory_space<hbm>> -> memref<64x128xf32, #tpu.memory_space<hbm>>
        tpu.enqueue_dma source(%dma_start3A_513 : memref<64x128xf32, #tpu.memory_space<hbm>>) target(%arg20 : memref<64x128xf32, #tpu.memory_space<vmem>>) target_semaphore(%arg34 : memref<!tpu.dma_semaphore, #tpu.memory_space<semaphore_mem>>)
      } else {
      }
      %add3A_251 = arith.constant 2 : i32
      %add3A_252 = arith.addi %add3A_162, %add3A_251 : i32
      %mul3A_253 = arith.constant 64 : i32
      %mul3A_254 = arith.muli %add3A_252, %mul3A_253 : i32
      %mul3A_255 = arith.constant 64 : i32
      %mul3A_256 = arith.muli %add3A_252, %mul3A_255 : i32
      %add3A_257 = arith.constant 32 : i32
      %add3A_258 = arith.addi %mul3A_256, %add3A_257 : i32
      %mul3A_259 = arith.constant 64 : i32
      %mul3A_260 = arith.muli %add3A_252, %mul3A_259 : i32
      %add3A_261 = arith.addi %min3A_3, %mul3A_260 : i32
      %dma_wait3A_262 = arith.constant 0 : i32
      %dma_wait3A_263 = arith.constant 0 : i32
      %dma_wait3A_264 = tpu.memref_slice %arg9[%dma_wait3A_262, %dma_wait3A_263] : memref<64x128xf32, #tpu.memory_space<vmem>> -> memref<32x128xf32, #tpu.memory_space<vmem>>
      %dma_wait3A_265 = tpu.memref_slice %arg6[%mul3A_254] : memref<6272xi32, #tpu.memory_space<vmem>> -> memref<32xi32, #tpu.memory_space<vmem>>
      %dma_wait3A_266 = arith.constant 0 : i32
      %dma_wait3A_267 = arith.constant 0 : i32
      %dma_wait3A_268 = tpu.memref_slice %arg2[%dma_wait3A_266, %dma_wait3A_267] : memref<50000x128xf32, #tpu.memory_space<hbm>> -> memref<50000x128xf32, #tpu.memory_space<hbm>>
      tpu.wait_indirect_dma semaphore(%arg23 : memref<!tpu.dma_semaphore, #tpu.memory_space<semaphore_mem>>) src(%dma_wait3A_268 : memref<50000x128xf32, #tpu.memory_space<hbm>>) dst(%dma_wait3A_264 : memref<32x128xf32, #tpu.memory_space<vmem>>)
      %dma_wait3A_269 = arith.constant 32 : i32
      %dma_wait3A_270 = arith.constant 0 : i32
      %dma_wait3A_271 = tpu.memref_slice %arg9[%dma_wait3A_269, %dma_wait3A_270] : memref<64x128xf32, #tpu.memory_space<vmem>> -> memref<32x128xf32, #tpu.memory_space<vmem>>
      %dma_wait3A_272 = tpu.memref_slice %arg6[%add3A_258] : memref<6272xi32, #tpu.memory_space<vmem>> -> memref<32xi32, #tpu.memory_space<vmem>>
      %dma_wait3A_273 = arith.constant 0 : i32
      %dma_wait3A_274 = arith.constant 0 : i32
      %dma_wait3A_275 = tpu.memref_slice %arg2[%dma_wait3A_273, %dma_wait3A_274] : memref<50000x128xf32, #tpu.memory_space<hbm>> -> memref<50000x128xf32, #tpu.memory_space<hbm>>
      tpu.wait_indirect_dma semaphore(%arg44 : memref<!tpu.dma_semaphore, #tpu.memory_space<semaphore_mem>>) src(%dma_wait3A_275 : memref<50000x128xf32, #tpu.memory_space<hbm>>) dst(%dma_wait3A_271 : memref<32x128xf32, #tpu.memory_space<vmem>>)
      %dma_wait3A_276 = arith.constant 0 : i32
      %dma_wait3A_277 = tpu.memref_slice %arg3[%add3A_261, %dma_wait3A_276] : memref<200000x128xf32, #tpu.memory_space<hbm>> -> memref<64x128xf32, #tpu.memory_space<hbm>>
      %dma_wait3A_278 = arith.constant 0 : i32
      %dma_wait3A_279 = tpu.memref_slice %arg3[%add3A_261, %dma_wait3A_278] : memref<200000x128xf32, #tpu.memory_space<hbm>> -> memref<64x128xf32, #tpu.memory_space<hbm>>
      tpu.wait_dma2 semaphore(%arg30 : memref<!tpu.dma_semaphore, #tpu.memory_space<semaphore_mem>>) src(%dma_wait3A_279 : memref<64x128xf32, #tpu.memory_space<hbm>>) dst(%arg16 : memref<64x128xf32, #tpu.memory_space<vmem>>)
      %parallel_loop3A_280 = arith.constant 0 : i32
      %parallel_loop3A_281 = arith.constant 64 : i32
      %parallel_loop3A_282 = arith.constant 1 : i32
      scf.for %parallel_loop3A_481 = %parallel_loop3A_280 to %parallel_loop3A_281 step %parallel_loop3A_282  : i32 {
        %parallel_loop3A_482 = arith.index_cast %parallel_loop3A_481 : i32 to index
        %parallel_loop3A_483 = arith.constant 0 : index
        %parallel_loop3A_484 = tpu.vector_load %arg9[%parallel_loop3A_482, %parallel_loop3A_483] {strides = array<i32>} : memref<64x128xf32, #tpu.memory_space<vmem>>, vector<1x16xf32>,
        %parallel_loop3A_485 = vector.shape_cast %parallel_loop3A_484 : vector<1x16xf32> to vector<16xf32>
        %parallel_loop3A_486 = arith.index_cast %parallel_loop3A_481 : i32 to index
        %parallel_loop3A_487 = arith.constant 16 : index
        %parallel_loop3A_488 = tpu.vector_load %arg9[%parallel_loop3A_486, %parallel_loop3A_487] {strides = array<i32>} : memref<64x128xf32, #tpu.memory_space<vmem>>, vector<1x16xf32>,
        %parallel_loop3A_489 = vector.shape_cast %parallel_loop3A_488 : vector<1x16xf32> to vector<16xf32>
        %parallel_loop3A_490 = arith.index_cast %parallel_loop3A_481 : i32 to index
        %parallel_loop3A_491 = arith.constant 32 : index
        %parallel_loop3A_492 = tpu.vector_load %arg9[%parallel_loop3A_490, %parallel_loop3A_491] {strides = array<i32>} : memref<64x128xf32, #tpu.memory_space<vmem>>, vector<1x16xf32>,
        %parallel_loop3A_493 = vector.shape_cast %parallel_loop3A_492 : vector<1x16xf32> to vector<16xf32>
        %parallel_loop3A_494 = arith.index_cast %parallel_loop3A_481 : i32 to index
        %parallel_loop3A_495 = arith.constant 48 : index
        %parallel_loop3A_496 = tpu.vector_load %arg9[%parallel_loop3A_494, %parallel_loop3A_495] {strides = array<i32>} : memref<64x128xf32, #tpu.memory_space<vmem>>, vector<1x16xf32>,
        %parallel_loop3A_497 = vector.shape_cast %parallel_loop3A_496 : vector<1x16xf32> to vector<16xf32>
        %parallel_loop3A_498 = arith.index_cast %parallel_loop3A_481 : i32 to index
        %parallel_loop3A_499 = arith.constant 64 : index
        %parallel_loop3A_500 = tpu.vector_load %arg9[%parallel_loop3A_498, %parallel_loop3A_499] {strides = array<i32>} : memref<64x128xf32, #tpu.memory_space<vmem>>, vector<1x16xf32>,
        %parallel_loop3A_501 = vector.shape_cast %parallel_loop3A_500 : vector<1x16xf32> to vector<16xf32>
        %parallel_loop3A_502 = arith.index_cast %parallel_loop3A_481 : i32 to index
        %parallel_loop3A_503 = arith.constant 80 : index
        %parallel_loop3A_504 = tpu.vector_load %arg9[%parallel_loop3A_502, %parallel_loop3A_503] {strides = array<i32>} : memref<64x128xf32, #tpu.memory_space<vmem>>, vector<1x16xf32>,
        %parallel_loop3A_505 = vector.shape_cast %parallel_loop3A_504 : vector<1x16xf32> to vector<16xf32>
        %parallel_loop3A_506 = arith.index_cast %parallel_loop3A_481 : i32 to index
        %parallel_loop3A_507 = arith.constant 96 : index
        %parallel_loop3A_508 = tpu.vector_load %arg9[%parallel_loop3A_506, %parallel_loop3A_507] {strides = array<i32>} : memref<64x128xf32, #tpu.memory_space<vmem>>, vector<1x16xf32>,
        %parallel_loop3A_509 = vector.shape_cast %parallel_loop3A_508 : vector<1x16xf32> to vector<16xf32>
        %parallel_loop3A_510 = arith.index_cast %parallel_loop3A_481 : i32 to index
        %parallel_loop3A_511 = arith.constant 112 : index
        %parallel_loop3A_512 = tpu.vector_load %arg9[%parallel_loop3A_510, %parallel_loop3A_511] {strides = array<i32>} : memref<64x128xf32, #tpu.memory_space<vmem>>, vector<1x16xf32>,
        %parallel_loop3A_513 = vector.shape_cast %parallel_loop3A_512 : vector<1x16xf32> to vector<16xf32>
        %parallel_loop3A_514 = arith.index_cast %parallel_loop3A_481 : i32 to index
        %parallel_loop3A_515 = arith.constant 0 : index
        %parallel_loop3A_516 = tpu.vector_load %arg16[%parallel_loop3A_514, %parallel_loop3A_515] {strides = array<i32>} : memref<64x128xf32, #tpu.memory_space<vmem>>, vector<1x16xf32>,
        %parallel_loop3A_517 = vector.shape_cast %parallel_loop3A_516 : vector<1x16xf32> to vector<16xf32>
        %parallel_loop3A_518 = vector.shape_cast %parallel_loop3A_485 : vector<16xf32> to vector<1x16xf32>
        tpu.vector_store %arg16[%parallel_loop3A_514, %parallel_loop3A_515], %parallel_loop3A_518 {add = true, strides = array<i32>} : memref<64x128xf32, #tpu.memory_space<vmem>>, vector<1x16xf32>,
        %parallel_loop3A_519 = arith.index_cast %parallel_loop3A_481 : i32 to index
        %parallel_loop3A_520 = arith.constant 16 : index
        %parallel_loop3A_521 = tpu.vector_load %arg16[%parallel_loop3A_519, %parallel_loop3A_520] {strides = array<i32>} : memref<64x128xf32, #tpu.memory_space<vmem>>, vector<1x16xf32>,
        %parallel_loop3A_522 = vector.shape_cast %parallel_loop3A_521 : vector<1x16xf32> to vector<16xf32>
        %parallel_loop3A_523 = vector.shape_cast %parallel_loop3A_489 : vector<16xf32> to vector<1x16xf32>
        tpu.vector_store %arg16[%parallel_loop3A_519, %parallel_loop3A_520], %parallel_loop3A_523 {add = true, strides = array<i32>} : memref<64x128xf32, #tpu.memory_space<vmem>>, vector<1x16xf32>,
        %parallel_loop3A_524 = arith.index_cast %parallel_loop3A_481 : i32 to index
        %parallel_loop3A_525 = arith.constant 32 : index
        %parallel_loop3A_526 = tpu.vector_load %arg16[%parallel_loop3A_524, %parallel_loop3A_525] {strides = array<i32>} : memref<64x128xf32, #tpu.memory_space<vmem>>, vector<1x16xf32>,
        %parallel_loop3A_527 = vector.shape_cast %parallel_loop3A_526 : vector<1x16xf32> to vector<16xf32>
        %parallel_loop3A_528 = vector.shape_cast %parallel_loop3A_493 : vector<16xf32> to vector<1x16xf32>
        tpu.vector_store %arg16[%parallel_loop3A_524, %parallel_loop3A_525], %parallel_loop3A_528 {add = true, strides = array<i32>} : memref<64x128xf32, #tpu.memory_space<vmem>>, vector<1x16xf32>,
        %parallel_loop3A_529 = arith.index_cast %parallel_loop3A_481 : i32 to index
        %parallel_loop3A_530 = arith.constant 48 : index
        %parallel_loop3A_531 = tpu.vector_load %arg16[%parallel_loop3A_529, %parallel_loop3A_530] {strides = array<i32>} : memref<64x128xf32, #tpu.memory_space<vmem>>, vector<1x16xf32>,
        %parallel_loop3A_532 = vector.shape_cast %parallel_loop3A_531 : vector<1x16xf32> to vector<16xf32>
        %parallel_loop3A_533 = vector.shape_cast %parallel_loop3A_497 : vector<16xf32> to vector<1x16xf32>
        tpu.vector_store %arg16[%parallel_loop3A_529, %parallel_loop3A_530], %parallel_loop3A_533 {add = true, strides = array<i32>} : memref<64x128xf32, #tpu.memory_space<vmem>>, vector<1x16xf32>,
        %parallel_loop3A_534 = arith.index_cast %parallel_loop3A_481 : i32 to index
        %parallel_loop3A_535 = arith.constant 64 : index
        %parallel_loop3A_536 = tpu.vector_load %arg16[%parallel_loop3A_534, %parallel_loop3A_535] {strides = array<i32>} : memref<64x128xf32, #tpu.memory_space<vmem>>, vector<1x16xf32>,
        %parallel_loop3A_537 = vector.shape_cast %parallel_loop3A_536 : vector<1x16xf32> to vector<16xf32>
        %parallel_loop3A_538 = vector.shape_cast %parallel_loop3A_501 : vector<16xf32> to vector<1x16xf32>
        tpu.vector_store %arg16[%parallel_loop3A_534, %parallel_loop3A_535], %parallel_loop3A_538 {add = true, strides = array<i32>} : memref<64x128xf32, #tpu.memory_space<vmem>>, vector<1x16xf32>,
        %parallel_loop3A_539 = arith.index_cast %parallel_loop3A_481 : i32 to index
        %parallel_loop3A_540 = arith.constant 80 : index
        %parallel_loop3A_541 = tpu.vector_load %arg16[%parallel_loop3A_539, %parallel_loop3A_540] {strides = array<i32>} : memref<64x128xf32, #tpu.memory_space<vmem>>, vector<1x16xf32>,
        %parallel_loop3A_542 = vector.shape_cast %parallel_loop3A_541 : vector<1x16xf32> to vector<16xf32>
        %parallel_loop3A_543 = vector.shape_cast %parallel_loop3A_505 : vector<16xf32> to vector<1x16xf32>
        tpu.vector_store %arg16[%parallel_loop3A_539, %parallel_loop3A_540], %parallel_loop3A_543 {add = true, strides = array<i32>} : memref<64x128xf32, #tpu.memory_space<vmem>>, vector<1x16xf32>,
        %parallel_loop3A_544 = arith.index_cast %parallel_loop3A_481 : i32 to index
        %parallel_loop3A_545 = arith.constant 96 : index
        %parallel_loop3A_546 = tpu.vector_load %arg16[%parallel_loop3A_544, %parallel_loop3A_545] {strides = array<i32>} : memref<64x128xf32, #tpu.memory_space<vmem>>, vector<1x16xf32>,
        %parallel_loop3A_547 = vector.shape_cast %parallel_loop3A_546 : vector<1x16xf32> to vector<16xf32>
        %parallel_loop3A_548 = vector.shape_cast %parallel_loop3A_509 : vector<16xf32> to vector<1x16xf32>
        tpu.vector_store %arg16[%parallel_loop3A_544, %parallel_loop3A_545], %parallel_loop3A_548 {add = true, strides = array<i32>} : memref<64x128xf32, #tpu.memory_space<vmem>>, vector<1x16xf32>,
        %parallel_loop3A_549 = arith.index_cast %parallel_loop3A_481 : i32 to index
        %parallel_loop3A_550 = arith.constant 112 : index
        %parallel_loop3A_551 = tpu.vector_load %arg16[%parallel_loop3A_549, %parallel_loop3A_550] {strides = array<i32>} : memref<64x128xf32, #tpu.memory_space<vmem>>, vector<1x16xf32>,
        %parallel_loop3A_552 = vector.shape_cast %parallel_loop3A_551 : vector<1x16xf32> to vector<16xf32>
        %parallel_loop3A_553 = vector.shape_cast %parallel_loop3A_513 : vector<16xf32> to vector<1x16xf32>
        tpu.vector_store %arg16[%parallel_loop3A_549, %parallel_loop3A_550], %parallel_loop3A_553 {add = true, strides = array<i32>} : memref<64x128xf32, #tpu.memory_space<vmem>>, vector<1x16xf32>,
      } {sc.loop_unroll_factor = 2 : i64, sc.parallel_access}
      %mul3A_283 = arith.constant 64 : i32
      %mul3A_284 = arith.muli %add3A_252, %mul3A_283 : i32
      %add3A_285 = arith.addi %min3A_3, %mul3A_284 : i32
      %dma_start3A_286 = arith.constant 0 : i32
      %dma_start3A_287 = tpu.memref_slice %arg5[%add3A_285, %dma_start3A_286] : memref<200000x128xf32, #tpu.memory_space<hbm>> -> memref<64x128xf32, #tpu.memory_space<hbm>>
      %dma_start3A_288 = arith.constant 0 : i32
      %dma_start3A_289 = tpu.memref_slice %arg5[%add3A_285, %dma_start3A_288] : memref<200000x128xf32, #tpu.memory_space<hbm>> -> memref<64x128xf32, #tpu.memory_space<hbm>>
      tpu.enqueue_dma source(%arg16 : memref<64x128xf32, #tpu.memory_space<vmem>>) target(%dma_start3A_289 : memref<64x128xf32, #tpu.memory_space<hbm>>) target_semaphore(%arg37 : memref<!tpu.dma_semaphore, #tpu.memory_space<semaphore_mem>>)
      %add3A_290 = arith.constant 5 : i32
      %add3A_291 = arith.addi %add3A_252, %add3A_290 : i32
      %lt3A_292 = arith.constant 98 : i32
      %lt3A_293 = arith.cmpi slt, %add3A_291, %lt3A_292 : i32
      %convert_element_type3A_294 = arith.extui %lt3A_293 : i1 to i32
      %cond3A_295 = arith.constant 0 : i32
      %cond3A_296 = arith.cmpi ne, %convert_element_type3A_294, %cond3A_295 : i32
      scf.if %cond3A_296 {
        %ge3A = arith.constant 2 : i32
        %ge3A_481 = arith.cmpi sge, %add3A_252, %ge3A : i32
        %convert_element_type3A_482 = arith.extui %ge3A_481 : i1 to i32
        %cond3A_483 = arith.constant 0 : i32
        %cond3A_484 = arith.cmpi ne, %convert_element_type3A_482, %cond3A_483 : i32
        scf.if %cond3A_484 {
          %sub3A = arith.constant 2 : i32
          %sub3A_514 = arith.subi %add3A_252, %sub3A : i32
          %mul3A_515 = arith.constant 64 : i32
          %mul3A_516 = arith.muli %sub3A_514, %mul3A_515 : i32
          %add3A_517 = arith.addi %min3A_3, %mul3A_516 : i32
          %dma_wait3A_518 = arith.constant 0 : i32
          %dma_wait3A_519 = tpu.memref_slice %arg5[%add3A_517, %dma_wait3A_518] : memref<200000x128xf32, #tpu.memory_space<hbm>> -> memref<64x128xf32, #tpu.memory_space<hbm>>
          %dma_wait3A_520 = arith.constant 0 : i32
          %dma_wait3A_521 = tpu.memref_slice %arg5[%add3A_517, %dma_wait3A_520] : memref<200000x128xf32, #tpu.memory_space<hbm>> -> memref<64x128xf32, #tpu.memory_space<hbm>>
          tpu.wait_dma2 semaphore(%arg35 : memref<!tpu.dma_semaphore, #tpu.memory_space<semaphore_mem>>) src(%arg14 : memref<64x128xf32, #tpu.memory_space<vmem>>) dst(%dma_wait3A_521 : memref<64x128xf32, #tpu.memory_space<hbm>>)
        } else {
        }
        %add3A_485 = arith.constant 5 : i32
        %add3A_486 = arith.addi %add3A_252, %add3A_485 : i32
        %mul3A_487 = arith.constant 64 : i32
        %mul3A_488 = arith.muli %add3A_486, %mul3A_487 : i32
        %mul3A_489 = arith.constant 64 : i32
        %mul3A_490 = arith.muli %add3A_486, %mul3A_489 : i32
        %add3A_491 = arith.constant 32 : i32
        %add3A_492 = arith.addi %mul3A_490, %add3A_491 : i32
        %mul3A_493 = arith.constant 64 : i32
        %mul3A_494 = arith.muli %add3A_486, %mul3A_493 : i32
        %add3A_495 = arith.addi %min3A_3, %mul3A_494 : i32
        %dma_start3A_496 = arith.constant 0 : i32
        %dma_start3A_497 = arith.constant 0 : i32
        %dma_start3A_498 = tpu.memref_slice %arg7[%dma_start3A_496, %dma_start3A_497] : memref<64x128xf32, #tpu.memory_space<vmem>> -> memref<32x128xf32, #tpu.memory_space<vmem>>
        %dma_start3A_499 = tpu.memref_slice %arg6[%mul3A_488] : memref<6272xi32, #tpu.memory_space<vmem>> -> memref<32xi32, #tpu.memory_space<vmem>>
        %dma_start3A_500 = arith.constant 0 : i32
        %dma_start3A_501 = arith.constant 0 : i32
        %dma_start3A_502 = tpu.memref_slice %arg2[%dma_start3A_500, %dma_start3A_501] : memref<50000x128xf32, #tpu.memory_space<hbm>> -> memref<50000x128xf32, #tpu.memory_space<hbm>>
        tpu.enqueue_indirect_dma source(%dma_start3A_502 : memref<50000x128xf32, #tpu.memory_space<hbm>>) target(%dma_start3A_498 : memref<32x128xf32, #tpu.memory_space<vmem>>) offsets(%dma_start3A_499 : memref<32xi32, #tpu.memory_space<vmem>>) semaphore(%arg21 : memref<!tpu.dma_semaphore, #tpu.memory_space<semaphore_mem>>)
        %dma_start3A_503 = arith.constant 32 : i32
        %dma_start3A_504 = arith.constant 0 : i32
        %dma_start3A_505 = tpu.memref_slice %arg7[%dma_start3A_503, %dma_start3A_504] : memref<64x128xf32, #tpu.memory_space<vmem>> -> memref<32x128xf32, #tpu.memory_space<vmem>>
        %dma_start3A_506 = tpu.memref_slice %arg6[%add3A_492] : memref<6272xi32, #tpu.memory_space<vmem>> -> memref<32xi32, #tpu.memory_space<vmem>>
        %dma_start3A_507 = arith.constant 0 : i32
        %dma_start3A_508 = arith.constant 0 : i32
        %dma_start3A_509 = tpu.memref_slice %arg2[%dma_start3A_507, %dma_start3A_508] : memref<50000x128xf32, #tpu.memory_space<hbm>> -> memref<50000x128xf32, #tpu.memory_space<hbm>>
        tpu.enqueue_indirect_dma source(%dma_start3A_509 : memref<50000x128xf32, #tpu.memory_space<hbm>>) target(%dma_start3A_505 : memref<32x128xf32, #tpu.memory_space<vmem>>) offsets(%dma_start3A_506 : memref<32xi32, #tpu.memory_space<vmem>>) semaphore(%arg42 : memref<!tpu.dma_semaphore, #tpu.memory_space<semaphore_mem>>)
        %dma_start3A_510 = arith.constant 0 : i32
        %dma_start3A_511 = tpu.memref_slice %arg3[%add3A_495, %dma_start3A_510] : memref<200000x128xf32, #tpu.memory_space<hbm>> -> memref<64x128xf32, #tpu.memory_space<hbm>>
        %dma_start3A_512 = arith.constant 0 : i32
        %dma_start3A_513 = tpu.memref_slice %arg3[%add3A_495, %dma_start3A_512] : memref<200000x128xf32, #tpu.memory_space<hbm>> -> memref<64x128xf32, #tpu.memory_space<hbm>>
        tpu.enqueue_dma source(%dma_start3A_513 : memref<64x128xf32, #tpu.memory_space<hbm>>) target(%arg14 : memref<64x128xf32, #tpu.memory_space<vmem>>) target_semaphore(%arg28 : memref<!tpu.dma_semaphore, #tpu.memory_space<semaphore_mem>>)
      } else {
      }
      %add3A_297 = arith.constant 3 : i32
      %add3A_298 = arith.addi %add3A_162, %add3A_297 : i32
      %mul3A_299 = arith.constant 64 : i32
      %mul3A_300 = arith.muli %add3A_298, %mul3A_299 : i32
      %mul3A_301 = arith.constant 64 : i32
      %mul3A_302 = arith.muli %add3A_298, %mul3A_301 : i32
      %add3A_303 = arith.constant 32 : i32
      %add3A_304 = arith.addi %mul3A_302, %add3A_303 : i32
      %mul3A_305 = arith.constant 64 : i32
      %mul3A_306 = arith.muli %add3A_298, %mul3A_305 : i32
      %add3A_307 = arith.addi %min3A_3, %mul3A_306 : i32
      %dma_wait3A_308 = arith.constant 0 : i32
      %dma_wait3A_309 = arith.constant 0 : i32
      %dma_wait3A_310 = tpu.memref_slice %arg10[%dma_wait3A_308, %dma_wait3A_309] : memref<64x128xf32, #tpu.memory_space<vmem>> -> memref<32x128xf32, #tpu.memory_space<vmem>>
      %dma_wait3A_311 = tpu.memref_slice %arg6[%mul3A_300] : memref<6272xi32, #tpu.memory_space<vmem>> -> memref<32xi32, #tpu.memory_space<vmem>>
      %dma_wait3A_312 = arith.constant 0 : i32
      %dma_wait3A_313 = arith.constant 0 : i32
      %dma_wait3A_314 = tpu.memref_slice %arg2[%dma_wait3A_312, %dma_wait3A_313] : memref<50000x128xf32, #tpu.memory_space<hbm>> -> memref<50000x128xf32, #tpu.memory_space<hbm>>
      tpu.wait_indirect_dma semaphore(%arg24 : memref<!tpu.dma_semaphore, #tpu.memory_space<semaphore_mem>>) src(%dma_wait3A_314 : memref<50000x128xf32, #tpu.memory_space<hbm>>) dst(%dma_wait3A_310 : memref<32x128xf32, #tpu.memory_space<vmem>>)
      %dma_wait3A_315 = arith.constant 32 : i32
      %dma_wait3A_316 = arith.constant 0 : i32
      %dma_wait3A_317 = tpu.memref_slice %arg10[%dma_wait3A_315, %dma_wait3A_316] : memref<64x128xf32, #tpu.memory_space<vmem>> -> memref<32x128xf32, #tpu.memory_space<vmem>>
      %dma_wait3A_318 = tpu.memref_slice %arg6[%add3A_304] : memref<6272xi32, #tpu.memory_space<vmem>> -> memref<32xi32, #tpu.memory_space<vmem>>
      %dma_wait3A_319 = arith.constant 0 : i32
      %dma_wait3A_320 = arith.constant 0 : i32
      %dma_wait3A_321 = tpu.memref_slice %arg2[%dma_wait3A_319, %dma_wait3A_320] : memref<50000x128xf32, #tpu.memory_space<hbm>> -> memref<50000x128xf32, #tpu.memory_space<hbm>>
      tpu.wait_indirect_dma semaphore(%arg45 : memref<!tpu.dma_semaphore, #tpu.memory_space<semaphore_mem>>) src(%dma_wait3A_321 : memref<50000x128xf32, #tpu.memory_space<hbm>>) dst(%dma_wait3A_317 : memref<32x128xf32, #tpu.memory_space<vmem>>)
      %dma_wait3A_322 = arith.constant 0 : i32
      %dma_wait3A_323 = tpu.memref_slice %arg3[%add3A_307, %dma_wait3A_322] : memref<200000x128xf32, #tpu.memory_space<hbm>> -> memref<64x128xf32, #tpu.memory_space<hbm>>
      %dma_wait3A_324 = arith.constant 0 : i32
      %dma_wait3A_325 = tpu.memref_slice %arg3[%add3A_307, %dma_wait3A_324] : memref<200000x128xf32, #tpu.memory_space<hbm>> -> memref<64x128xf32, #tpu.memory_space<hbm>>
      tpu.wait_dma2 semaphore(%arg31 : memref<!tpu.dma_semaphore, #tpu.memory_space<semaphore_mem>>) src(%dma_wait3A_325 : memref<64x128xf32, #tpu.memory_space<hbm>>) dst(%arg17 : memref<64x128xf32, #tpu.memory_space<vmem>>)
      %parallel_loop3A_326 = arith.constant 0 : i32
      %parallel_loop3A_327 = arith.constant 64 : i32
      %parallel_loop3A_328 = arith.constant 1 : i32
      scf.for %parallel_loop3A_481 = %parallel_loop3A_326 to %parallel_loop3A_327 step %parallel_loop3A_328  : i32 {
        %parallel_loop3A_482 = arith.index_cast %parallel_loop3A_481 : i32 to index
        %parallel_loop3A_483 = arith.constant 0 : index
        %parallel_loop3A_484 = tpu.vector_load %arg10[%parallel_loop3A_482, %parallel_loop3A_483] {strides = array<i32>} : memref<64x128xf32, #tpu.memory_space<vmem>>, vector<1x16xf32>,
        %parallel_loop3A_485 = vector.shape_cast %parallel_loop3A_484 : vector<1x16xf32> to vector<16xf32>
        %parallel_loop3A_486 = arith.index_cast %parallel_loop3A_481 : i32 to index
        %parallel_loop3A_487 = arith.constant 16 : index
        %parallel_loop3A_488 = tpu.vector_load %arg10[%parallel_loop3A_486, %parallel_loop3A_487] {strides = array<i32>} : memref<64x128xf32, #tpu.memory_space<vmem>>, vector<1x16xf32>,
        %parallel_loop3A_489 = vector.shape_cast %parallel_loop3A_488 : vector<1x16xf32> to vector<16xf32>
        %parallel_loop3A_490 = arith.index_cast %parallel_loop3A_481 : i32 to index
        %parallel_loop3A_491 = arith.constant 32 : index
        %parallel_loop3A_492 = tpu.vector_load %arg10[%parallel_loop3A_490, %parallel_loop3A_491] {strides = array<i32>} : memref<64x128xf32, #tpu.memory_space<vmem>>, vector<1x16xf32>,
        %parallel_loop3A_493 = vector.shape_cast %parallel_loop3A_492 : vector<1x16xf32> to vector<16xf32>
        %parallel_loop3A_494 = arith.index_cast %parallel_loop3A_481 : i32 to index
        %parallel_loop3A_495 = arith.constant 48 : index
        %parallel_loop3A_496 = tpu.vector_load %arg10[%parallel_loop3A_494, %parallel_loop3A_495] {strides = array<i32>} : memref<64x128xf32, #tpu.memory_space<vmem>>, vector<1x16xf32>,
        %parallel_loop3A_497 = vector.shape_cast %parallel_loop3A_496 : vector<1x16xf32> to vector<16xf32>
        %parallel_loop3A_498 = arith.index_cast %parallel_loop3A_481 : i32 to index
        %parallel_loop3A_499 = arith.constant 64 : index
        %parallel_loop3A_500 = tpu.vector_load %arg10[%parallel_loop3A_498, %parallel_loop3A_499] {strides = array<i32>} : memref<64x128xf32, #tpu.memory_space<vmem>>, vector<1x16xf32>,
        %parallel_loop3A_501 = vector.shape_cast %parallel_loop3A_500 : vector<1x16xf32> to vector<16xf32>
        %parallel_loop3A_502 = arith.index_cast %parallel_loop3A_481 : i32 to index
        %parallel_loop3A_503 = arith.constant 80 : index
        %parallel_loop3A_504 = tpu.vector_load %arg10[%parallel_loop3A_502, %parallel_loop3A_503] {strides = array<i32>} : memref<64x128xf32, #tpu.memory_space<vmem>>, vector<1x16xf32>,
        %parallel_loop3A_505 = vector.shape_cast %parallel_loop3A_504 : vector<1x16xf32> to vector<16xf32>
        %parallel_loop3A_506 = arith.index_cast %parallel_loop3A_481 : i32 to index
        %parallel_loop3A_507 = arith.constant 96 : index
        %parallel_loop3A_508 = tpu.vector_load %arg10[%parallel_loop3A_506, %parallel_loop3A_507] {strides = array<i32>} : memref<64x128xf32, #tpu.memory_space<vmem>>, vector<1x16xf32>,
        %parallel_loop3A_509 = vector.shape_cast %parallel_loop3A_508 : vector<1x16xf32> to vector<16xf32>
        %parallel_loop3A_510 = arith.index_cast %parallel_loop3A_481 : i32 to index
        %parallel_loop3A_511 = arith.constant 112 : index
        %parallel_loop3A_512 = tpu.vector_load %arg10[%parallel_loop3A_510, %parallel_loop3A_511] {strides = array<i32>} : memref<64x128xf32, #tpu.memory_space<vmem>>, vector<1x16xf32>,
        %parallel_loop3A_513 = vector.shape_cast %parallel_loop3A_512 : vector<1x16xf32> to vector<16xf32>
        %parallel_loop3A_514 = arith.index_cast %parallel_loop3A_481 : i32 to index
        %parallel_loop3A_515 = arith.constant 0 : index
        %parallel_loop3A_516 = tpu.vector_load %arg17[%parallel_loop3A_514, %parallel_loop3A_515] {strides = array<i32>} : memref<64x128xf32, #tpu.memory_space<vmem>>, vector<1x16xf32>,
        %parallel_loop3A_517 = vector.shape_cast %parallel_loop3A_516 : vector<1x16xf32> to vector<16xf32>
        %parallel_loop3A_518 = vector.shape_cast %parallel_loop3A_485 : vector<16xf32> to vector<1x16xf32>
        tpu.vector_store %arg17[%parallel_loop3A_514, %parallel_loop3A_515], %parallel_loop3A_518 {add = true, strides = array<i32>} : memref<64x128xf32, #tpu.memory_space<vmem>>, vector<1x16xf32>,
        %parallel_loop3A_519 = arith.index_cast %parallel_loop3A_481 : i32 to index
        %parallel_loop3A_520 = arith.constant 16 : index
        %parallel_loop3A_521 = tpu.vector_load %arg17[%parallel_loop3A_519, %parallel_loop3A_520] {strides = array<i32>} : memref<64x128xf32, #tpu.memory_space<vmem>>, vector<1x16xf32>,
        %parallel_loop3A_522 = vector.shape_cast %parallel_loop3A_521 : vector<1x16xf32> to vector<16xf32>
        %parallel_loop3A_523 = vector.shape_cast %parallel_loop3A_489 : vector<16xf32> to vector<1x16xf32>
        tpu.vector_store %arg17[%parallel_loop3A_519, %parallel_loop3A_520], %parallel_loop3A_523 {add = true, strides = array<i32>} : memref<64x128xf32, #tpu.memory_space<vmem>>, vector<1x16xf32>,
        %parallel_loop3A_524 = arith.index_cast %parallel_loop3A_481 : i32 to index
        %parallel_loop3A_525 = arith.constant 32 : index
        %parallel_loop3A_526 = tpu.vector_load %arg17[%parallel_loop3A_524, %parallel_loop3A_525] {strides = array<i32>} : memref<64x128xf32, #tpu.memory_space<vmem>>, vector<1x16xf32>,
        %parallel_loop3A_527 = vector.shape_cast %parallel_loop3A_526 : vector<1x16xf32> to vector<16xf32>
        %parallel_loop3A_528 = vector.shape_cast %parallel_loop3A_493 : vector<16xf32> to vector<1x16xf32>
        tpu.vector_store %arg17[%parallel_loop3A_524, %parallel_loop3A_525], %parallel_loop3A_528 {add = true, strides = array<i32>} : memref<64x128xf32, #tpu.memory_space<vmem>>, vector<1x16xf32>,
        %parallel_loop3A_529 = arith.index_cast %parallel_loop3A_481 : i32 to index
        %parallel_loop3A_530 = arith.constant 48 : index
        %parallel_loop3A_531 = tpu.vector_load %arg17[%parallel_loop3A_529, %parallel_loop3A_530] {strides = array<i32>} : memref<64x128xf32, #tpu.memory_space<vmem>>, vector<1x16xf32>,
        %parallel_loop3A_532 = vector.shape_cast %parallel_loop3A_531 : vector<1x16xf32> to vector<16xf32>
        %parallel_loop3A_533 = vector.shape_cast %parallel_loop3A_497 : vector<16xf32> to vector<1x16xf32>
        tpu.vector_store %arg17[%parallel_loop3A_529, %parallel_loop3A_530], %parallel_loop3A_533 {add = true, strides = array<i32>} : memref<64x128xf32, #tpu.memory_space<vmem>>, vector<1x16xf32>,
        %parallel_loop3A_534 = arith.index_cast %parallel_loop3A_481 : i32 to index
        %parallel_loop3A_535 = arith.constant 64 : index
        %parallel_loop3A_536 = tpu.vector_load %arg17[%parallel_loop3A_534, %parallel_loop3A_535] {strides = array<i32>} : memref<64x128xf32, #tpu.memory_space<vmem>>, vector<1x16xf32>,
        %parallel_loop3A_537 = vector.shape_cast %parallel_loop3A_536 : vector<1x16xf32> to vector<16xf32>
        %parallel_loop3A_538 = vector.shape_cast %parallel_loop3A_501 : vector<16xf32> to vector<1x16xf32>
        tpu.vector_store %arg17[%parallel_loop3A_534, %parallel_loop3A_535], %parallel_loop3A_538 {add = true, strides = array<i32>} : memref<64x128xf32, #tpu.memory_space<vmem>>, vector<1x16xf32>,
        %parallel_loop3A_539 = arith.index_cast %parallel_loop3A_481 : i32 to index
        %parallel_loop3A_540 = arith.constant 80 : index
        %parallel_loop3A_541 = tpu.vector_load %arg17[%parallel_loop3A_539, %parallel_loop3A_540] {strides = array<i32>} : memref<64x128xf32, #tpu.memory_space<vmem>>, vector<1x16xf32>,
        %parallel_loop3A_542 = vector.shape_cast %parallel_loop3A_541 : vector<1x16xf32> to vector<16xf32>
        %parallel_loop3A_543 = vector.shape_cast %parallel_loop3A_505 : vector<16xf32> to vector<1x16xf32>
        tpu.vector_store %arg17[%parallel_loop3A_539, %parallel_loop3A_540], %parallel_loop3A_543 {add = true, strides = array<i32>} : memref<64x128xf32, #tpu.memory_space<vmem>>, vector<1x16xf32>,
        %parallel_loop3A_544 = arith.index_cast %parallel_loop3A_481 : i32 to index
        %parallel_loop3A_545 = arith.constant 96 : index
        %parallel_loop3A_546 = tpu.vector_load %arg17[%parallel_loop3A_544, %parallel_loop3A_545] {strides = array<i32>} : memref<64x128xf32, #tpu.memory_space<vmem>>, vector<1x16xf32>,
        %parallel_loop3A_547 = vector.shape_cast %parallel_loop3A_546 : vector<1x16xf32> to vector<16xf32>
        %parallel_loop3A_548 = vector.shape_cast %parallel_loop3A_509 : vector<16xf32> to vector<1x16xf32>
        tpu.vector_store %arg17[%parallel_loop3A_544, %parallel_loop3A_545], %parallel_loop3A_548 {add = true, strides = array<i32>} : memref<64x128xf32, #tpu.memory_space<vmem>>, vector<1x16xf32>,
        %parallel_loop3A_549 = arith.index_cast %parallel_loop3A_481 : i32 to index
        %parallel_loop3A_550 = arith.constant 112 : index
        %parallel_loop3A_551 = tpu.vector_load %arg17[%parallel_loop3A_549, %parallel_loop3A_550] {strides = array<i32>} : memref<64x128xf32, #tpu.memory_space<vmem>>, vector<1x16xf32>,
        %parallel_loop3A_552 = vector.shape_cast %parallel_loop3A_551 : vector<1x16xf32> to vector<16xf32>
        %parallel_loop3A_553 = vector.shape_cast %parallel_loop3A_513 : vector<16xf32> to vector<1x16xf32>
        tpu.vector_store %arg17[%parallel_loop3A_549, %parallel_loop3A_550], %parallel_loop3A_553 {add = true, strides = array<i32>} : memref<64x128xf32, #tpu.memory_space<vmem>>, vector<1x16xf32>,
      } {sc.loop_unroll_factor = 2 : i64, sc.parallel_access}
      %mul3A_329 = arith.constant 64 : i32
      %mul3A_330 = arith.muli %add3A_298, %mul3A_329 : i32
      %add3A_331 = arith.addi %min3A_3, %mul3A_330 : i32
      %dma_start3A_332 = arith.constant 0 : i32
      %dma_start3A_333 = tpu.memref_slice %arg5[%add3A_331, %dma_start3A_332] : memref<200000x128xf32, #tpu.memory_space<hbm>> -> memref<64x128xf32, #tpu.memory_space<hbm>>
      %dma_start3A_334 = arith.constant 0 : i32
      %dma_start3A_335 = tpu.memref_slice %arg5[%add3A_331, %dma_start3A_334] : memref<200000x128xf32, #tpu.memory_space<hbm>> -> memref<64x128xf32, #tpu.memory_space<hbm>>
      tpu.enqueue_dma source(%arg17 : memref<64x128xf32, #tpu.memory_space<vmem>>) target(%dma_start3A_335 : memref<64x128xf32, #tpu.memory_space<hbm>>) target_semaphore(%arg38 : memref<!tpu.dma_semaphore, #tpu.memory_space<semaphore_mem>>)
      %add3A_336 = arith.constant 5 : i32
      %add3A_337 = arith.addi %add3A_298, %add3A_336 : i32
      %lt3A_338 = arith.constant 98 : i32
      %lt3A_339 = arith.cmpi slt, %add3A_337, %lt3A_338 : i32
      %convert_element_type3A_340 = arith.extui %lt3A_339 : i1 to i32
      %cond3A_341 = arith.constant 0 : i32
      %cond3A_342 = arith.cmpi ne, %convert_element_type3A_340, %cond3A_341 : i32
      scf.if %cond3A_342 {
        %ge3A = arith.constant 2 : i32
        %ge3A_481 = arith.cmpi sge, %add3A_298, %ge3A : i32
        %convert_element_type3A_482 = arith.extui %ge3A_481 : i1 to i32
        %cond3A_483 = arith.constant 0 : i32
        %cond3A_484 = arith.cmpi ne, %convert_element_type3A_482, %cond3A_483 : i32
        scf.if %cond3A_484 {
          %sub3A = arith.constant 2 : i32
          %sub3A_514 = arith.subi %add3A_298, %sub3A : i32
          %mul3A_515 = arith.constant 64 : i32
          %mul3A_516 = arith.muli %sub3A_514, %mul3A_515 : i32
          %add3A_517 = arith.addi %min3A_3, %mul3A_516 : i32
          %dma_wait3A_518 = arith.constant 0 : i32
          %dma_wait3A_519 = tpu.memref_slice %arg5[%add3A_517, %dma_wait3A_518] : memref<200000x128xf32, #tpu.memory_space<hbm>> -> memref<64x128xf32, #tpu.memory_space<hbm>>
          %dma_wait3A_520 = arith.constant 0 : i32
          %dma_wait3A_521 = tpu.memref_slice %arg5[%add3A_517, %dma_wait3A_520] : memref<200000x128xf32, #tpu.memory_space<hbm>> -> memref<64x128xf32, #tpu.memory_space<hbm>>
          tpu.wait_dma2 semaphore(%arg36 : memref<!tpu.dma_semaphore, #tpu.memory_space<semaphore_mem>>) src(%arg15 : memref<64x128xf32, #tpu.memory_space<vmem>>) dst(%dma_wait3A_521 : memref<64x128xf32, #tpu.memory_space<hbm>>)
        } else {
        }
        %add3A_485 = arith.constant 5 : i32
        %add3A_486 = arith.addi %add3A_298, %add3A_485 : i32
        %mul3A_487 = arith.constant 64 : i32
        %mul3A_488 = arith.muli %add3A_486, %mul3A_487 : i32
        %mul3A_489 = arith.constant 64 : i32
        %mul3A_490 = arith.muli %add3A_486, %mul3A_489 : i32
        %add3A_491 = arith.constant 32 : i32
        %add3A_492 = arith.addi %mul3A_490, %add3A_491 : i32
        %mul3A_493 = arith.constant 64 : i32
        %mul3A_494 = arith.muli %add3A_486, %mul3A_493 : i32
        %add3A_495 = arith.addi %min3A_3, %mul3A_494 : i32
        %dma_start3A_496 = arith.constant 0 : i32
        %dma_start3A_497 = arith.constant 0 : i32
        %dma_start3A_498 = tpu.memref_slice %arg8[%dma_start3A_496, %dma_start3A_497] : memref<64x128xf32, #tpu.memory_space<vmem>> -> memref<32x128xf32, #tpu.memory_space<vmem>>
        %dma_start3A_499 = tpu.memref_slice %arg6[%mul3A_488] : memref<6272xi32, #tpu.memory_space<vmem>> -> memref<32xi32, #tpu.memory_space<vmem>>
        %dma_start3A_500 = arith.constant 0 : i32
        %dma_start3A_501 = arith.constant 0 : i32
        %dma_start3A_502 = tpu.memref_slice %arg2[%dma_start3A_500, %dma_start3A_501] : memref<50000x128xf32, #tpu.memory_space<hbm>> -> memref<50000x128xf32, #tpu.memory_space<hbm>>
        tpu.enqueue_indirect_dma source(%dma_start3A_502 : memref<50000x128xf32, #tpu.memory_space<hbm>>) target(%dma_start3A_498 : memref<32x128xf32, #tpu.memory_space<vmem>>) offsets(%dma_start3A_499 : memref<32xi32, #tpu.memory_space<vmem>>) semaphore(%arg22 : memref<!tpu.dma_semaphore, #tpu.memory_space<semaphore_mem>>)
        %dma_start3A_503 = arith.constant 32 : i32
        %dma_start3A_504 = arith.constant 0 : i32
        %dma_start3A_505 = tpu.memref_slice %arg8[%dma_start3A_503, %dma_start3A_504] : memref<64x128xf32, #tpu.memory_space<vmem>> -> memref<32x128xf32, #tpu.memory_space<vmem>>
        %dma_start3A_506 = tpu.memref_slice %arg6[%add3A_492] : memref<6272xi32, #tpu.memory_space<vmem>> -> memref<32xi32, #tpu.memory_space<vmem>>
        %dma_start3A_507 = arith.constant 0 : i32
        %dma_start3A_508 = arith.constant 0 : i32
        %dma_start3A_509 = tpu.memref_slice %arg2[%dma_start3A_507, %dma_start3A_508] : memref<50000x128xf32, #tpu.memory_space<hbm>> -> memref<50000x128xf32, #tpu.memory_space<hbm>>
        tpu.enqueue_indirect_dma source(%dma_start3A_509 : memref<50000x128xf32, #tpu.memory_space<hbm>>) target(%dma_start3A_505 : memref<32x128xf32, #tpu.memory_space<vmem>>) offsets(%dma_start3A_506 : memref<32xi32, #tpu.memory_space<vmem>>) semaphore(%arg43 : memref<!tpu.dma_semaphore, #tpu.memory_space<semaphore_mem>>)
        %dma_start3A_510 = arith.constant 0 : i32
        %dma_start3A_511 = tpu.memref_slice %arg3[%add3A_495, %dma_start3A_510] : memref<200000x128xf32, #tpu.memory_space<hbm>> -> memref<64x128xf32, #tpu.memory_space<hbm>>
        %dma_start3A_512 = arith.constant 0 : i32
        %dma_start3A_513 = tpu.memref_slice %arg3[%add3A_495, %dma_start3A_512] : memref<200000x128xf32, #tpu.memory_space<hbm>> -> memref<64x128xf32, #tpu.memory_space<hbm>>
        tpu.enqueue_dma source(%dma_start3A_513 : memref<64x128xf32, #tpu.memory_space<hbm>>) target(%arg15 : memref<64x128xf32, #tpu.memory_space<vmem>>) target_semaphore(%arg29 : memref<!tpu.dma_semaphore, #tpu.memory_space<semaphore_mem>>)
      } else {
      }
      %add3A_343 = arith.constant 4 : i32
      %add3A_344 = arith.addi %add3A_162, %add3A_343 : i32
      %mul3A_345 = arith.constant 64 : i32
      %mul3A_346 = arith.muli %add3A_344, %mul3A_345 : i32
      %mul3A_347 = arith.constant 64 : i32
      %mul3A_348 = arith.muli %add3A_344, %mul3A_347 : i32
      %add3A_349 = arith.constant 32 : i32
      %add3A_350 = arith.addi %mul3A_348, %add3A_349 : i32
      %mul3A_351 = arith.constant 64 : i32
      %mul3A_352 = arith.muli %add3A_344, %mul3A_351 : i32
      %add3A_353 = arith.addi %min3A_3, %mul3A_352 : i32
      %dma_wait3A_354 = arith.constant 0 : i32
      %dma_wait3A_355 = arith.constant 0 : i32
      %dma_wait3A_356 = tpu.memref_slice %arg11[%dma_wait3A_354, %dma_wait3A_355] : memref<64x128xf32, #tpu.memory_space<vmem>> -> memref<32x128xf32, #tpu.memory_space<vmem>>
      %dma_wait3A_357 = tpu.memref_slice %arg6[%mul3A_346] : memref<6272xi32, #tpu.memory_space<vmem>> -> memref<32xi32, #tpu.memory_space<vmem>>
      %dma_wait3A_358 = arith.constant 0 : i32
      %dma_wait3A_359 = arith.constant 0 : i32
      %dma_wait3A_360 = tpu.memref_slice %arg2[%dma_wait3A_358, %dma_wait3A_359] : memref<50000x128xf32, #tpu.memory_space<hbm>> -> memref<50000x128xf32, #tpu.memory_space<hbm>>
      tpu.wait_indirect_dma semaphore(%arg25 : memref<!tpu.dma_semaphore, #tpu.memory_space<semaphore_mem>>) src(%dma_wait3A_360 : memref<50000x128xf32, #tpu.memory_space<hbm>>) dst(%dma_wait3A_356 : memref<32x128xf32, #tpu.memory_space<vmem>>)
      %dma_wait3A_361 = arith.constant 32 : i32
      %dma_wait3A_362 = arith.constant 0 : i32
      %dma_wait3A_363 = tpu.memref_slice %arg11[%dma_wait3A_361, %dma_wait3A_362] : memref<64x128xf32, #tpu.memory_space<vmem>> -> memref<32x128xf32, #tpu.memory_space<vmem>>
      %dma_wait3A_364 = tpu.memref_slice %arg6[%add3A_350] : memref<6272xi32, #tpu.memory_space<vmem>> -> memref<32xi32, #tpu.memory_space<vmem>>
      %dma_wait3A_365 = arith.constant 0 : i32
      %dma_wait3A_366 = arith.constant 0 : i32
      %dma_wait3A_367 = tpu.memref_slice %arg2[%dma_wait3A_365, %dma_wait3A_366] : memref<50000x128xf32, #tpu.memory_space<hbm>> -> memref<50000x128xf32, #tpu.memory_space<hbm>>
      tpu.wait_indirect_dma semaphore(%arg46 : memref<!tpu.dma_semaphore, #tpu.memory_space<semaphore_mem>>) src(%dma_wait3A_367 : memref<50000x128xf32, #tpu.memory_space<hbm>>) dst(%dma_wait3A_363 : memref<32x128xf32, #tpu.memory_space<vmem>>)
      %dma_wait3A_368 = arith.constant 0 : i32
      %dma_wait3A_369 = tpu.memref_slice %arg3[%add3A_353, %dma_wait3A_368] : memref<200000x128xf32, #tpu.memory_space<hbm>> -> memref<64x128xf32, #tpu.memory_space<hbm>>
      %dma_wait3A_370 = arith.constant 0 : i32
      %dma_wait3A_371 = tpu.memref_slice %arg3[%add3A_353, %dma_wait3A_370] : memref<200000x128xf32, #tpu.memory_space<hbm>> -> memref<64x128xf32, #tpu.memory_space<hbm>>
      tpu.wait_dma2 semaphore(%arg32 : memref<!tpu.dma_semaphore, #tpu.memory_space<semaphore_mem>>) src(%dma_wait3A_371 : memref<64x128xf32, #tpu.memory_space<hbm>>) dst(%arg18 : memref<64x128xf32, #tpu.memory_space<vmem>>)
      %parallel_loop3A_372 = arith.constant 0 : i32
      %parallel_loop3A_373 = arith.constant 64 : i32
      %parallel_loop3A_374 = arith.constant 1 : i32
      scf.for %parallel_loop3A_481 = %parallel_loop3A_372 to %parallel_loop3A_373 step %parallel_loop3A_374  : i32 {
        %parallel_loop3A_482 = arith.index_cast %parallel_loop3A_481 : i32 to index
        %parallel_loop3A_483 = arith.constant 0 : index
        %parallel_loop3A_484 = tpu.vector_load %arg11[%parallel_loop3A_482, %parallel_loop3A_483] {strides = array<i32>} : memref<64x128xf32, #tpu.memory_space<vmem>>, vector<1x16xf32>,
        %parallel_loop3A_485 = vector.shape_cast %parallel_loop3A_484 : vector<1x16xf32> to vector<16xf32>
        %parallel_loop3A_486 = arith.index_cast %parallel_loop3A_481 : i32 to index
        %parallel_loop3A_487 = arith.constant 16 : index
        %parallel_loop3A_488 = tpu.vector_load %arg11[%parallel_loop3A_486, %parallel_loop3A_487] {strides = array<i32>} : memref<64x128xf32, #tpu.memory_space<vmem>>, vector<1x16xf32>,
        %parallel_loop3A_489 = vector.shape_cast %parallel_loop3A_488 : vector<1x16xf32> to vector<16xf32>
        %parallel_loop3A_490 = arith.index_cast %parallel_loop3A_481 : i32 to index
        %parallel_loop3A_491 = arith.constant 32 : index
        %parallel_loop3A_492 = tpu.vector_load %arg11[%parallel_loop3A_490, %parallel_loop3A_491] {strides = array<i32>} : memref<64x128xf32, #tpu.memory_space<vmem>>, vector<1x16xf32>,
        %parallel_loop3A_493 = vector.shape_cast %parallel_loop3A_492 : vector<1x16xf32> to vector<16xf32>
        %parallel_loop3A_494 = arith.index_cast %parallel_loop3A_481 : i32 to index
        %parallel_loop3A_495 = arith.constant 48 : index
        %parallel_loop3A_496 = tpu.vector_load %arg11[%parallel_loop3A_494, %parallel_loop3A_495] {strides = array<i32>} : memref<64x128xf32, #tpu.memory_space<vmem>>, vector<1x16xf32>,
        %parallel_loop3A_497 = vector.shape_cast %parallel_loop3A_496 : vector<1x16xf32> to vector<16xf32>
        %parallel_loop3A_498 = arith.index_cast %parallel_loop3A_481 : i32 to index
        %parallel_loop3A_499 = arith.constant 64 : index
        %parallel_loop3A_500 = tpu.vector_load %arg11[%parallel_loop3A_498, %parallel_loop3A_499] {strides = array<i32>} : memref<64x128xf32, #tpu.memory_space<vmem>>, vector<1x16xf32>,
        %parallel_loop3A_501 = vector.shape_cast %parallel_loop3A_500 : vector<1x16xf32> to vector<16xf32>
        %parallel_loop3A_502 = arith.index_cast %parallel_loop3A_481 : i32 to index
        %parallel_loop3A_503 = arith.constant 80 : index
        %parallel_loop3A_504 = tpu.vector_load %arg11[%parallel_loop3A_502, %parallel_loop3A_503] {strides = array<i32>} : memref<64x128xf32, #tpu.memory_space<vmem>>, vector<1x16xf32>,
        %parallel_loop3A_505 = vector.shape_cast %parallel_loop3A_504 : vector<1x16xf32> to vector<16xf32>
        %parallel_loop3A_506 = arith.index_cast %parallel_loop3A_481 : i32 to index
        %parallel_loop3A_507 = arith.constant 96 : index
        %parallel_loop3A_508 = tpu.vector_load %arg11[%parallel_loop3A_506, %parallel_loop3A_507] {strides = array<i32>} : memref<64x128xf32, #tpu.memory_space<vmem>>, vector<1x16xf32>,
        %parallel_loop3A_509 = vector.shape_cast %parallel_loop3A_508 : vector<1x16xf32> to vector<16xf32>
        %parallel_loop3A_510 = arith.index_cast %parallel_loop3A_481 : i32 to index
        %parallel_loop3A_511 = arith.constant 112 : index
        %parallel_loop3A_512 = tpu.vector_load %arg11[%parallel_loop3A_510, %parallel_loop3A_511] {strides = array<i32>} : memref<64x128xf32, #tpu.memory_space<vmem>>, vector<1x16xf32>,
        %parallel_loop3A_513 = vector.shape_cast %parallel_loop3A_512 : vector<1x16xf32> to vector<16xf32>
        %parallel_loop3A_514 = arith.index_cast %parallel_loop3A_481 : i32 to index
        %parallel_loop3A_515 = arith.constant 0 : index
        %parallel_loop3A_516 = tpu.vector_load %arg18[%parallel_loop3A_514, %parallel_loop3A_515] {strides = array<i32>} : memref<64x128xf32, #tpu.memory_space<vmem>>, vector<1x16xf32>,
        %parallel_loop3A_517 = vector.shape_cast %parallel_loop3A_516 : vector<1x16xf32> to vector<16xf32>
        %parallel_loop3A_518 = vector.shape_cast %parallel_loop3A_485 : vector<16xf32> to vector<1x16xf32>
        tpu.vector_store %arg18[%parallel_loop3A_514, %parallel_loop3A_515], %parallel_loop3A_518 {add = true, strides = array<i32>} : memref<64x128xf32, #tpu.memory_space<vmem>>, vector<1x16xf32>,
        %parallel_loop3A_519 = arith.index_cast %parallel_loop3A_481 : i32 to index
        %parallel_loop3A_520 = arith.constant 16 : index
        %parallel_loop3A_521 = tpu.vector_load %arg18[%parallel_loop3A_519, %parallel_loop3A_520] {strides = array<i32>} : memref<64x128xf32, #tpu.memory_space<vmem>>, vector<1x16xf32>,
        %parallel_loop3A_522 = vector.shape_cast %parallel_loop3A_521 : vector<1x16xf32> to vector<16xf32>
        %parallel_loop3A_523 = vector.shape_cast %parallel_loop3A_489 : vector<16xf32> to vector<1x16xf32>
        tpu.vector_store %arg18[%parallel_loop3A_519, %parallel_loop3A_520], %parallel_loop3A_523 {add = true, strides = array<i32>} : memref<64x128xf32, #tpu.memory_space<vmem>>, vector<1x16xf32>,
        %parallel_loop3A_524 = arith.index_cast %parallel_loop3A_481 : i32 to index
        %parallel_loop3A_525 = arith.constant 32 : index
        %parallel_loop3A_526 = tpu.vector_load %arg18[%parallel_loop3A_524, %parallel_loop3A_525] {strides = array<i32>} : memref<64x128xf32, #tpu.memory_space<vmem>>, vector<1x16xf32>,
        %parallel_loop3A_527 = vector.shape_cast %parallel_loop3A_526 : vector<1x16xf32> to vector<16xf32>
        %parallel_loop3A_528 = vector.shape_cast %parallel_loop3A_493 : vector<16xf32> to vector<1x16xf32>
        tpu.vector_store %arg18[%parallel_loop3A_524, %parallel_loop3A_525], %parallel_loop3A_528 {add = true, strides = array<i32>} : memref<64x128xf32, #tpu.memory_space<vmem>>, vector<1x16xf32>,
        %parallel_loop3A_529 = arith.index_cast %parallel_loop3A_481 : i32 to index
        %parallel_loop3A_530 = arith.constant 48 : index
        %parallel_loop3A_531 = tpu.vector_load %arg18[%parallel_loop3A_529, %parallel_loop3A_530] {strides = array<i32>} : memref<64x128xf32, #tpu.memory_space<vmem>>, vector<1x16xf32>,
        %parallel_loop3A_532 = vector.shape_cast %parallel_loop3A_531 : vector<1x16xf32> to vector<16xf32>
        %parallel_loop3A_533 = vector.shape_cast %parallel_loop3A_497 : vector<16xf32> to vector<1x16xf32>
        tpu.vector_store %arg18[%parallel_loop3A_529, %parallel_loop3A_530], %parallel_loop3A_533 {add = true, strides = array<i32>} : memref<64x128xf32, #tpu.memory_space<vmem>>, vector<1x16xf32>,
        %parallel_loop3A_534 = arith.index_cast %parallel_loop3A_481 : i32 to index
        %parallel_loop3A_535 = arith.constant 64 : index
        %parallel_loop3A_536 = tpu.vector_load %arg18[%parallel_loop3A_534, %parallel_loop3A_535] {strides = array<i32>} : memref<64x128xf32, #tpu.memory_space<vmem>>, vector<1x16xf32>,
        %parallel_loop3A_537 = vector.shape_cast %parallel_loop3A_536 : vector<1x16xf32> to vector<16xf32>
        %parallel_loop3A_538 = vector.shape_cast %parallel_loop3A_501 : vector<16xf32> to vector<1x16xf32>
        tpu.vector_store %arg18[%parallel_loop3A_534, %parallel_loop3A_535], %parallel_loop3A_538 {add = true, strides = array<i32>} : memref<64x128xf32, #tpu.memory_space<vmem>>, vector<1x16xf32>,
        %parallel_loop3A_539 = arith.index_cast %parallel_loop3A_481 : i32 to index
        %parallel_loop3A_540 = arith.constant 80 : index
        %parallel_loop3A_541 = tpu.vector_load %arg18[%parallel_loop3A_539, %parallel_loop3A_540] {strides = array<i32>} : memref<64x128xf32, #tpu.memory_space<vmem>>, vector<1x16xf32>,
        %parallel_loop3A_542 = vector.shape_cast %parallel_loop3A_541 : vector<1x16xf32> to vector<16xf32>
        %parallel_loop3A_543 = vector.shape_cast %parallel_loop3A_505 : vector<16xf32> to vector<1x16xf32>
        tpu.vector_store %arg18[%parallel_loop3A_539, %parallel_loop3A_540], %parallel_loop3A_543 {add = true, strides = array<i32>} : memref<64x128xf32, #tpu.memory_space<vmem>>, vector<1x16xf32>,
        %parallel_loop3A_544 = arith.index_cast %parallel_loop3A_481 : i32 to index
        %parallel_loop3A_545 = arith.constant 96 : index
        %parallel_loop3A_546 = tpu.vector_load %arg18[%parallel_loop3A_544, %parallel_loop3A_545] {strides = array<i32>} : memref<64x128xf32, #tpu.memory_space<vmem>>, vector<1x16xf32>,
        %parallel_loop3A_547 = vector.shape_cast %parallel_loop3A_546 : vector<1x16xf32> to vector<16xf32>
        %parallel_loop3A_548 = vector.shape_cast %parallel_loop3A_509 : vector<16xf32> to vector<1x16xf32>
        tpu.vector_store %arg18[%parallel_loop3A_544, %parallel_loop3A_545], %parallel_loop3A_548 {add = true, strides = array<i32>} : memref<64x128xf32, #tpu.memory_space<vmem>>, vector<1x16xf32>,
        %parallel_loop3A_549 = arith.index_cast %parallel_loop3A_481 : i32 to index
        %parallel_loop3A_550 = arith.constant 112 : index
        %parallel_loop3A_551 = tpu.vector_load %arg18[%parallel_loop3A_549, %parallel_loop3A_550] {strides = array<i32>} : memref<64x128xf32, #tpu.memory_space<vmem>>, vector<1x16xf32>,
        %parallel_loop3A_552 = vector.shape_cast %parallel_loop3A_551 : vector<1x16xf32> to vector<16xf32>
        %parallel_loop3A_553 = vector.shape_cast %parallel_loop3A_513 : vector<16xf32> to vector<1x16xf32>
        tpu.vector_store %arg18[%parallel_loop3A_549, %parallel_loop3A_550], %parallel_loop3A_553 {add = true, strides = array<i32>} : memref<64x128xf32, #tpu.memory_space<vmem>>, vector<1x16xf32>,
      } {sc.loop_unroll_factor = 2 : i64, sc.parallel_access}
      %mul3A_375 = arith.constant 64 : i32
      %mul3A_376 = arith.muli %add3A_344, %mul3A_375 : i32
      %add3A_377 = arith.addi %min3A_3, %mul3A_376 : i32
      %dma_start3A_378 = arith.constant 0 : i32
      %dma_start3A_379 = tpu.memref_slice %arg5[%add3A_377, %dma_start3A_378] : memref<200000x128xf32, #tpu.memory_space<hbm>> -> memref<64x128xf32, #tpu.memory_space<hbm>>
      %dma_start3A_380 = arith.constant 0 : i32
      %dma_start3A_381 = tpu.memref_slice %arg5[%add3A_377, %dma_start3A_380] : memref<200000x128xf32, #tpu.memory_space<hbm>> -> memref<64x128xf32, #tpu.memory_space<hbm>>
      tpu.enqueue_dma source(%arg18 : memref<64x128xf32, #tpu.memory_space<vmem>>) target(%dma_start3A_381 : memref<64x128xf32, #tpu.memory_space<hbm>>) target_semaphore(%arg39 : memref<!tpu.dma_semaphore, #tpu.memory_space<semaphore_mem>>)
      %add3A_382 = arith.constant 5 : i32
      %add3A_383 = arith.addi %add3A_344, %add3A_382 : i32
      %lt3A_384 = arith.constant 98 : i32
      %lt3A_385 = arith.cmpi slt, %add3A_383, %lt3A_384 : i32
      %convert_element_type3A_386 = arith.extui %lt3A_385 : i1 to i32
      %cond3A_387 = arith.constant 0 : i32
      %cond3A_388 = arith.cmpi ne, %convert_element_type3A_386, %cond3A_387 : i32
      scf.if %cond3A_388 {
        %ge3A = arith.constant 2 : i32
        %ge3A_481 = arith.cmpi sge, %add3A_344, %ge3A : i32
        %convert_element_type3A_482 = arith.extui %ge3A_481 : i1 to i32
        %cond3A_483 = arith.constant 0 : i32
        %cond3A_484 = arith.cmpi ne, %convert_element_type3A_482, %cond3A_483 : i32
        scf.if %cond3A_484 {
          %sub3A = arith.constant 2 : i32
          %sub3A_514 = arith.subi %add3A_344, %sub3A : i32
          %mul3A_515 = arith.constant 64 : i32
          %mul3A_516 = arith.muli %sub3A_514, %mul3A_515 : i32
          %add3A_517 = arith.addi %min3A_3, %mul3A_516 : i32
          %dma_wait3A_518 = arith.constant 0 : i32
          %dma_wait3A_519 = tpu.memref_slice %arg5[%add3A_517, %dma_wait3A_518] : memref<200000x128xf32, #tpu.memory_space<hbm>> -> memref<64x128xf32, #tpu.memory_space<hbm>>
          %dma_wait3A_520 = arith.constant 0 : i32
          %dma_wait3A_521 = tpu.memref_slice %arg5[%add3A_517, %dma_wait3A_520] : memref<200000x128xf32, #tpu.memory_space<hbm>> -> memref<64x128xf32, #tpu.memory_space<hbm>>
          tpu.wait_dma2 semaphore(%arg37 : memref<!tpu.dma_semaphore, #tpu.memory_space<semaphore_mem>>) src(%arg16 : memref<64x128xf32, #tpu.memory_space<vmem>>) dst(%dma_wait3A_521 : memref<64x128xf32, #tpu.memory_space<hbm>>)
        } else {
        }
        %add3A_485 = arith.constant 5 : i32
        %add3A_486 = arith.addi %add3A_344, %add3A_485 : i32
        %mul3A_487 = arith.constant 64 : i32
        %mul3A_488 = arith.muli %add3A_486, %mul3A_487 : i32
        %mul3A_489 = arith.constant 64 : i32
        %mul3A_490 = arith.muli %add3A_486, %mul3A_489 : i32
        %add3A_491 = arith.constant 32 : i32
        %add3A_492 = arith.addi %mul3A_490, %add3A_491 : i32
        %mul3A_493 = arith.constant 64 : i32
        %mul3A_494 = arith.muli %add3A_486, %mul3A_493 : i32
        %add3A_495 = arith.addi %min3A_3, %mul3A_494 : i32
        %dma_start3A_496 = arith.constant 0 : i32
        %dma_start3A_497 = arith.constant 0 : i32
        %dma_start3A_498 = tpu.memref_slice %arg9[%dma_start3A_496, %dma_start3A_497] : memref<64x128xf32, #tpu.memory_space<vmem>> -> memref<32x128xf32, #tpu.memory_space<vmem>>
        %dma_start3A_499 = tpu.memref_slice %arg6[%mul3A_488] : memref<6272xi32, #tpu.memory_space<vmem>> -> memref<32xi32, #tpu.memory_space<vmem>>
        %dma_start3A_500 = arith.constant 0 : i32
        %dma_start3A_501 = arith.constant 0 : i32
        %dma_start3A_502 = tpu.memref_slice %arg2[%dma_start3A_500, %dma_start3A_501] : memref<50000x128xf32, #tpu.memory_space<hbm>> -> memref<50000x128xf32, #tpu.memory_space<hbm>>
        tpu.enqueue_indirect_dma source(%dma_start3A_502 : memref<50000x128xf32, #tpu.memory_space<hbm>>) target(%dma_start3A_498 : memref<32x128xf32, #tpu.memory_space<vmem>>) offsets(%dma_start3A_499 : memref<32xi32, #tpu.memory_space<vmem>>) semaphore(%arg23 : memref<!tpu.dma_semaphore, #tpu.memory_space<semaphore_mem>>)
        %dma_start3A_503 = arith.constant 32 : i32
        %dma_start3A_504 = arith.constant 0 : i32
        %dma_start3A_505 = tpu.memref_slice %arg9[%dma_start3A_503, %dma_start3A_504] : memref<64x128xf32, #tpu.memory_space<vmem>> -> memref<32x128xf32, #tpu.memory_space<vmem>>
        %dma_start3A_506 = tpu.memref_slice %arg6[%add3A_492] : memref<6272xi32, #tpu.memory_space<vmem>> -> memref<32xi32, #tpu.memory_space<vmem>>
        %dma_start3A_507 = arith.constant 0 : i32
        %dma_start3A_508 = arith.constant 0 : i32
        %dma_start3A_509 = tpu.memref_slice %arg2[%dma_start3A_507, %dma_start3A_508] : memref<50000x128xf32, #tpu.memory_space<hbm>> -> memref<50000x128xf32, #tpu.memory_space<hbm>>
        tpu.enqueue_indirect_dma source(%dma_start3A_509 : memref<50000x128xf32, #tpu.memory_space<hbm>>) target(%dma_start3A_505 : memref<32x128xf32, #tpu.memory_space<vmem>>) offsets(%dma_start3A_506 : memref<32xi32, #tpu.memory_space<vmem>>) semaphore(%arg44 : memref<!tpu.dma_semaphore, #tpu.memory_space<semaphore_mem>>)
        %dma_start3A_510 = arith.constant 0 : i32
        %dma_start3A_511 = tpu.memref_slice %arg3[%add3A_495, %dma_start3A_510] : memref<200000x128xf32, #tpu.memory_space<hbm>> -> memref<64x128xf32, #tpu.memory_space<hbm>>
        %dma_start3A_512 = arith.constant 0 : i32
        %dma_start3A_513 = tpu.memref_slice %arg3[%add3A_495, %dma_start3A_512] : memref<200000x128xf32, #tpu.memory_space<hbm>> -> memref<64x128xf32, #tpu.memory_space<hbm>>
        tpu.enqueue_dma source(%dma_start3A_513 : memref<64x128xf32, #tpu.memory_space<hbm>>) target(%arg16 : memref<64x128xf32, #tpu.memory_space<vmem>>) target_semaphore(%arg30 : memref<!tpu.dma_semaphore, #tpu.memory_space<semaphore_mem>>)
      } else {
      }
      %add3A_389 = arith.constant 5 : i32
      %add3A_390 = arith.addi %add3A_162, %add3A_389 : i32
      %mul3A_391 = arith.constant 64 : i32
      %mul3A_392 = arith.muli %add3A_390, %mul3A_391 : i32
      %mul3A_393 = arith.constant 64 : i32
      %mul3A_394 = arith.muli %add3A_390, %mul3A_393 : i32
      %add3A_395 = arith.constant 32 : i32
      %add3A_396 = arith.addi %mul3A_394, %add3A_395 : i32
      %mul3A_397 = arith.constant 64 : i32
      %mul3A_398 = arith.muli %add3A_390, %mul3A_397 : i32
      %add3A_399 = arith.addi %min3A_3, %mul3A_398 : i32
      %dma_wait3A_400 = arith.constant 0 : i32
      %dma_wait3A_401 = arith.constant 0 : i32
      %dma_wait3A_402 = tpu.memref_slice %arg12[%dma_wait3A_400, %dma_wait3A_401] : memref<64x128xf32, #tpu.memory_space<vmem>> -> memref<32x128xf32, #tpu.memory_space<vmem>>
      %dma_wait3A_403 = tpu.memref_slice %arg6[%mul3A_392] : memref<6272xi32, #tpu.memory_space<vmem>> -> memref<32xi32, #tpu.memory_space<vmem>>
      %dma_wait3A_404 = arith.constant 0 : i32
      %dma_wait3A_405 = arith.constant 0 : i32
      %dma_wait3A_406 = tpu.memref_slice %arg2[%dma_wait3A_404, %dma_wait3A_405] : memref<50000x128xf32, #tpu.memory_space<hbm>> -> memref<50000x128xf32, #tpu.memory_space<hbm>>
      tpu.wait_indirect_dma semaphore(%arg26 : memref<!tpu.dma_semaphore, #tpu.memory_space<semaphore_mem>>) src(%dma_wait3A_406 : memref<50000x128xf32, #tpu.memory_space<hbm>>) dst(%dma_wait3A_402 : memref<32x128xf32, #tpu.memory_space<vmem>>)
      %dma_wait3A_407 = arith.constant 32 : i32
      %dma_wait3A_408 = arith.constant 0 : i32
      %dma_wait3A_409 = tpu.memref_slice %arg12[%dma_wait3A_407, %dma_wait3A_408] : memref<64x128xf32, #tpu.memory_space<vmem>> -> memref<32x128xf32, #tpu.memory_space<vmem>>
      %dma_wait3A_410 = tpu.memref_slice %arg6[%add3A_396] : memref<6272xi32, #tpu.memory_space<vmem>> -> memref<32xi32, #tpu.memory_space<vmem>>
      %dma_wait3A_411 = arith.constant 0 : i32
      %dma_wait3A_412 = arith.constant 0 : i32
      %dma_wait3A_413 = tpu.memref_slice %arg2[%dma_wait3A_411, %dma_wait3A_412] : memref<50000x128xf32, #tpu.memory_space<hbm>> -> memref<50000x128xf32, #tpu.memory_space<hbm>>
      tpu.wait_indirect_dma semaphore(%arg47 : memref<!tpu.dma_semaphore, #tpu.memory_space<semaphore_mem>>) src(%dma_wait3A_413 : memref<50000x128xf32, #tpu.memory_space<hbm>>) dst(%dma_wait3A_409 : memref<32x128xf32, #tpu.memory_space<vmem>>)
      %dma_wait3A_414 = arith.constant 0 : i32
      %dma_wait3A_415 = tpu.memref_slice %arg3[%add3A_399, %dma_wait3A_414] : memref<200000x128xf32, #tpu.memory_space<hbm>> -> memref<64x128xf32, #tpu.memory_space<hbm>>
      %dma_wait3A_416 = arith.constant 0 : i32
      %dma_wait3A_417 = tpu.memref_slice %arg3[%add3A_399, %dma_wait3A_416] : memref<200000x128xf32, #tpu.memory_space<hbm>> -> memref<64x128xf32, #tpu.memory_space<hbm>>
      tpu.wait_dma2 semaphore(%arg33 : memref<!tpu.dma_semaphore, #tpu.memory_space<semaphore_mem>>) src(%dma_wait3A_417 : memref<64x128xf32, #tpu.memory_space<hbm>>) dst(%arg19 : memref<64x128xf32, #tpu.memory_space<vmem>>)
      %parallel_loop3A_418 = arith.constant 0 : i32
      %parallel_loop3A_419 = arith.constant 64 : i32
      %parallel_loop3A_420 = arith.constant 1 : i32
      scf.for %parallel_loop3A_481 = %parallel_loop3A_418 to %parallel_loop3A_419 step %parallel_loop3A_420  : i32 {
        %parallel_loop3A_482 = arith.index_cast %parallel_loop3A_481 : i32 to index
        %parallel_loop3A_483 = arith.constant 0 : index
        %parallel_loop3A_484 = tpu.vector_load %arg12[%parallel_loop3A_482, %parallel_loop3A_483] {strides = array<i32>} : memref<64x128xf32, #tpu.memory_space<vmem>>, vector<1x16xf32>,
        %parallel_loop3A_485 = vector.shape_cast %parallel_loop3A_484 : vector<1x16xf32> to vector<16xf32>
        %parallel_loop3A_486 = arith.index_cast %parallel_loop3A_481 : i32 to index
        %parallel_loop3A_487 = arith.constant 16 : index
        %parallel_loop3A_488 = tpu.vector_load %arg12[%parallel_loop3A_486, %parallel_loop3A_487] {strides = array<i32>} : memref<64x128xf32, #tpu.memory_space<vmem>>, vector<1x16xf32>,
        %parallel_loop3A_489 = vector.shape_cast %parallel_loop3A_488 : vector<1x16xf32> to vector<16xf32>
        %parallel_loop3A_490 = arith.index_cast %parallel_loop3A_481 : i32 to index
        %parallel_loop3A_491 = arith.constant 32 : index
        %parallel_loop3A_492 = tpu.vector_load %arg12[%parallel_loop3A_490, %parallel_loop3A_491] {strides = array<i32>} : memref<64x128xf32, #tpu.memory_space<vmem>>, vector<1x16xf32>,
        %parallel_loop3A_493 = vector.shape_cast %parallel_loop3A_492 : vector<1x16xf32> to vector<16xf32>
        %parallel_loop3A_494 = arith.index_cast %parallel_loop3A_481 : i32 to index
        %parallel_loop3A_495 = arith.constant 48 : index
        %parallel_loop3A_496 = tpu.vector_load %arg12[%parallel_loop3A_494, %parallel_loop3A_495] {strides = array<i32>} : memref<64x128xf32, #tpu.memory_space<vmem>>, vector<1x16xf32>,
        %parallel_loop3A_497 = vector.shape_cast %parallel_loop3A_496 : vector<1x16xf32> to vector<16xf32>
        %parallel_loop3A_498 = arith.index_cast %parallel_loop3A_481 : i32 to index
        %parallel_loop3A_499 = arith.constant 64 : index
        %parallel_loop3A_500 = tpu.vector_load %arg12[%parallel_loop3A_498, %parallel_loop3A_499] {strides = array<i32>} : memref<64x128xf32, #tpu.memory_space<vmem>>, vector<1x16xf32>,
        %parallel_loop3A_501 = vector.shape_cast %parallel_loop3A_500 : vector<1x16xf32> to vector<16xf32>
        %parallel_loop3A_502 = arith.index_cast %parallel_loop3A_481 : i32 to index
        %parallel_loop3A_503 = arith.constant 80 : index
        %parallel_loop3A_504 = tpu.vector_load %arg12[%parallel_loop3A_502, %parallel_loop3A_503] {strides = array<i32>} : memref<64x128xf32, #tpu.memory_space<vmem>>, vector<1x16xf32>,
        %parallel_loop3A_505 = vector.shape_cast %parallel_loop3A_504 : vector<1x16xf32> to vector<16xf32>
        %parallel_loop3A_506 = arith.index_cast %parallel_loop3A_481 : i32 to index
        %parallel_loop3A_507 = arith.constant 96 : index
        %parallel_loop3A_508 = tpu.vector_load %arg12[%parallel_loop3A_506, %parallel_loop3A_507] {strides = array<i32>} : memref<64x128xf32, #tpu.memory_space<vmem>>, vector<1x16xf32>,
        %parallel_loop3A_509 = vector.shape_cast %parallel_loop3A_508 : vector<1x16xf32> to vector<16xf32>
        %parallel_loop3A_510 = arith.index_cast %parallel_loop3A_481 : i32 to index
        %parallel_loop3A_511 = arith.constant 112 : index
        %parallel_loop3A_512 = tpu.vector_load %arg12[%parallel_loop3A_510, %parallel_loop3A_511] {strides = array<i32>} : memref<64x128xf32, #tpu.memory_space<vmem>>, vector<1x16xf32>,
        %parallel_loop3A_513 = vector.shape_cast %parallel_loop3A_512 : vector<1x16xf32> to vector<16xf32>
        %parallel_loop3A_514 = arith.index_cast %parallel_loop3A_481 : i32 to index
        %parallel_loop3A_515 = arith.constant 0 : index
        %parallel_loop3A_516 = tpu.vector_load %arg19[%parallel_loop3A_514, %parallel_loop3A_515] {strides = array<i32>} : memref<64x128xf32, #tpu.memory_space<vmem>>, vector<1x16xf32>,
        %parallel_loop3A_517 = vector.shape_cast %parallel_loop3A_516 : vector<1x16xf32> to vector<16xf32>
        %parallel_loop3A_518 = vector.shape_cast %parallel_loop3A_485 : vector<16xf32> to vector<1x16xf32>
        tpu.vector_store %arg19[%parallel_loop3A_514, %parallel_loop3A_515], %parallel_loop3A_518 {add = true, strides = array<i32>} : memref<64x128xf32, #tpu.memory_space<vmem>>, vector<1x16xf32>,
        %parallel_loop3A_519 = arith.index_cast %parallel_loop3A_481 : i32 to index
        %parallel_loop3A_520 = arith.constant 16 : index
        %parallel_loop3A_521 = tpu.vector_load %arg19[%parallel_loop3A_519, %parallel_loop3A_520] {strides = array<i32>} : memref<64x128xf32, #tpu.memory_space<vmem>>, vector<1x16xf32>,
        %parallel_loop3A_522 = vector.shape_cast %parallel_loop3A_521 : vector<1x16xf32> to vector<16xf32>
        %parallel_loop3A_523 = vector.shape_cast %parallel_loop3A_489 : vector<16xf32> to vector<1x16xf32>
        tpu.vector_store %arg19[%parallel_loop3A_519, %parallel_loop3A_520], %parallel_loop3A_523 {add = true, strides = array<i32>} : memref<64x128xf32, #tpu.memory_space<vmem>>, vector<1x16xf32>,
        %parallel_loop3A_524 = arith.index_cast %parallel_loop3A_481 : i32 to index
        %parallel_loop3A_525 = arith.constant 32 : index
        %parallel_loop3A_526 = tpu.vector_load %arg19[%parallel_loop3A_524, %parallel_loop3A_525] {strides = array<i32>} : memref<64x128xf32, #tpu.memory_space<vmem>>, vector<1x16xf32>,
        %parallel_loop3A_527 = vector.shape_cast %parallel_loop3A_526 : vector<1x16xf32> to vector<16xf32>
        %parallel_loop3A_528 = vector.shape_cast %parallel_loop3A_493 : vector<16xf32> to vector<1x16xf32>
        tpu.vector_store %arg19[%parallel_loop3A_524, %parallel_loop3A_525], %parallel_loop3A_528 {add = true, strides = array<i32>} : memref<64x128xf32, #tpu.memory_space<vmem>>, vector<1x16xf32>,
        %parallel_loop3A_529 = arith.index_cast %parallel_loop3A_481 : i32 to index
        %parallel_loop3A_530 = arith.constant 48 : index
        %parallel_loop3A_531 = tpu.vector_load %arg19[%parallel_loop3A_529, %parallel_loop3A_530] {strides = array<i32>} : memref<64x128xf32, #tpu.memory_space<vmem>>, vector<1x16xf32>,
        %parallel_loop3A_532 = vector.shape_cast %parallel_loop3A_531 : vector<1x16xf32> to vector<16xf32>
        %parallel_loop3A_533 = vector.shape_cast %parallel_loop3A_497 : vector<16xf32> to vector<1x16xf32>
        tpu.vector_store %arg19[%parallel_loop3A_529, %parallel_loop3A_530], %parallel_loop3A_533 {add = true, strides = array<i32>} : memref<64x128xf32, #tpu.memory_space<vmem>>, vector<1x16xf32>,
        %parallel_loop3A_534 = arith.index_cast %parallel_loop3A_481 : i32 to index
        %parallel_loop3A_535 = arith.constant 64 : index
        %parallel_loop3A_536 = tpu.vector_load %arg19[%parallel_loop3A_534, %parallel_loop3A_535] {strides = array<i32>} : memref<64x128xf32, #tpu.memory_space<vmem>>, vector<1x16xf32>,
        %parallel_loop3A_537 = vector.shape_cast %parallel_loop3A_536 : vector<1x16xf32> to vector<16xf32>
        %parallel_loop3A_538 = vector.shape_cast %parallel_loop3A_501 : vector<16xf32> to vector<1x16xf32>
        tpu.vector_store %arg19[%parallel_loop3A_534, %parallel_loop3A_535], %parallel_loop3A_538 {add = true, strides = array<i32>} : memref<64x128xf32, #tpu.memory_space<vmem>>, vector<1x16xf32>,
        %parallel_loop3A_539 = arith.index_cast %parallel_loop3A_481 : i32 to index
        %parallel_loop3A_540 = arith.constant 80 : index
        %parallel_loop3A_541 = tpu.vector_load %arg19[%parallel_loop3A_539, %parallel_loop3A_540] {strides = array<i32>} : memref<64x128xf32, #tpu.memory_space<vmem>>, vector<1x16xf32>,
        %parallel_loop3A_542 = vector.shape_cast %parallel_loop3A_541 : vector<1x16xf32> to vector<16xf32>
        %parallel_loop3A_543 = vector.shape_cast %parallel_loop3A_505 : vector<16xf32> to vector<1x16xf32>
        tpu.vector_store %arg19[%parallel_loop3A_539, %parallel_loop3A_540], %parallel_loop3A_543 {add = true, strides = array<i32>} : memref<64x128xf32, #tpu.memory_space<vmem>>, vector<1x16xf32>,
        %parallel_loop3A_544 = arith.index_cast %parallel_loop3A_481 : i32 to index
        %parallel_loop3A_545 = arith.constant 96 : index
        %parallel_loop3A_546 = tpu.vector_load %arg19[%parallel_loop3A_544, %parallel_loop3A_545] {strides = array<i32>} : memref<64x128xf32, #tpu.memory_space<vmem>>, vector<1x16xf32>,
        %parallel_loop3A_547 = vector.shape_cast %parallel_loop3A_546 : vector<1x16xf32> to vector<16xf32>
        %parallel_loop3A_548 = vector.shape_cast %parallel_loop3A_509 : vector<16xf32> to vector<1x16xf32>
        tpu.vector_store %arg19[%parallel_loop3A_544, %parallel_loop3A_545], %parallel_loop3A_548 {add = true, strides = array<i32>} : memref<64x128xf32, #tpu.memory_space<vmem>>, vector<1x16xf32>,
        %parallel_loop3A_549 = arith.index_cast %parallel_loop3A_481 : i32 to index
        %parallel_loop3A_550 = arith.constant 112 : index
        %parallel_loop3A_551 = tpu.vector_load %arg19[%parallel_loop3A_549, %parallel_loop3A_550] {strides = array<i32>} : memref<64x128xf32, #tpu.memory_space<vmem>>, vector<1x16xf32>,
        %parallel_loop3A_552 = vector.shape_cast %parallel_loop3A_551 : vector<1x16xf32> to vector<16xf32>
        %parallel_loop3A_553 = vector.shape_cast %parallel_loop3A_513 : vector<16xf32> to vector<1x16xf32>
        tpu.vector_store %arg19[%parallel_loop3A_549, %parallel_loop3A_550], %parallel_loop3A_553 {add = true, strides = array<i32>} : memref<64x128xf32, #tpu.memory_space<vmem>>, vector<1x16xf32>,
      } {sc.loop_unroll_factor = 2 : i64, sc.parallel_access}
      %mul3A_421 = arith.constant 64 : i32
      %mul3A_422 = arith.muli %add3A_390, %mul3A_421 : i32
      %add3A_423 = arith.addi %min3A_3, %mul3A_422 : i32
      %dma_start3A_424 = arith.constant 0 : i32
      %dma_start3A_425 = tpu.memref_slice %arg5[%add3A_423, %dma_start3A_424] : memref<200000x128xf32, #tpu.memory_space<hbm>> -> memref<64x128xf32, #tpu.memory_space<hbm>>
      %dma_start3A_426 = arith.constant 0 : i32
      %dma_start3A_427 = tpu.memref_slice %arg5[%add3A_423, %dma_start3A_426] : memref<200000x128xf32, #tpu.memory_space<hbm>> -> memref<64x128xf32, #tpu.memory_space<hbm>>
      tpu.enqueue_dma source(%arg19 : memref<64x128xf32, #tpu.memory_space<vmem>>) target(%dma_start3A_427 : memref<64x128xf32, #tpu.memory_space<hbm>>) target_semaphore(%arg40 : memref<!tpu.dma_semaphore, #tpu.memory_space<semaphore_mem>>)
      %add3A_428 = arith.constant 5 : i32
      %add3A_429 = arith.addi %add3A_390, %add3A_428 : i32
      %lt3A_430 = arith.constant 98 : i32
      %lt3A_431 = arith.cmpi slt, %add3A_429, %lt3A_430 : i32
      %convert_element_type3A_432 = arith.extui %lt3A_431 : i1 to i32
      %cond3A_433 = arith.constant 0 : i32
      %cond3A_434 = arith.cmpi ne, %convert_element_type3A_432, %cond3A_433 : i32
      scf.if %cond3A_434 {
        %ge3A = arith.constant 2 : i32
        %ge3A_481 = arith.cmpi sge, %add3A_390, %ge3A : i32
        %convert_element_type3A_482 = arith.extui %ge3A_481 : i1 to i32
        %cond3A_483 = arith.constant 0 : i32
        %cond3A_484 = arith.cmpi ne, %convert_element_type3A_482, %cond3A_483 : i32
        scf.if %cond3A_484 {
          %sub3A = arith.constant 2 : i32
          %sub3A_514 = arith.subi %add3A_390, %sub3A : i32
          %mul3A_515 = arith.constant 64 : i32
          %mul3A_516 = arith.muli %sub3A_514, %mul3A_515 : i32
          %add3A_517 = arith.addi %min3A_3, %mul3A_516 : i32
          %dma_wait3A_518 = arith.constant 0 : i32
          %dma_wait3A_519 = tpu.memref_slice %arg5[%add3A_517, %dma_wait3A_518] : memref<200000x128xf32, #tpu.memory_space<hbm>> -> memref<64x128xf32, #tpu.memory_space<hbm>>
          %dma_wait3A_520 = arith.constant 0 : i32
          %dma_wait3A_521 = tpu.memref_slice %arg5[%add3A_517, %dma_wait3A_520] : memref<200000x128xf32, #tpu.memory_space<hbm>> -> memref<64x128xf32, #tpu.memory_space<hbm>>
          tpu.wait_dma2 semaphore(%arg38 : memref<!tpu.dma_semaphore, #tpu.memory_space<semaphore_mem>>) src(%arg17 : memref<64x128xf32, #tpu.memory_space<vmem>>) dst(%dma_wait3A_521 : memref<64x128xf32, #tpu.memory_space<hbm>>)
        } else {
        }
        %add3A_485 = arith.constant 5 : i32
        %add3A_486 = arith.addi %add3A_390, %add3A_485 : i32
        %mul3A_487 = arith.constant 64 : i32
        %mul3A_488 = arith.muli %add3A_486, %mul3A_487 : i32
        %mul3A_489 = arith.constant 64 : i32
        %mul3A_490 = arith.muli %add3A_486, %mul3A_489 : i32
        %add3A_491 = arith.constant 32 : i32
        %add3A_492 = arith.addi %mul3A_490, %add3A_491 : i32
        %mul3A_493 = arith.constant 64 : i32
        %mul3A_494 = arith.muli %add3A_486, %mul3A_493 : i32
        %add3A_495 = arith.addi %min3A_3, %mul3A_494 : i32
        %dma_start3A_496 = arith.constant 0 : i32
        %dma_start3A_497 = arith.constant 0 : i32
        %dma_start3A_498 = tpu.memref_slice %arg10[%dma_start3A_496, %dma_start3A_497] : memref<64x128xf32, #tpu.memory_space<vmem>> -> memref<32x128xf32, #tpu.memory_space<vmem>>
        %dma_start3A_499 = tpu.memref_slice %arg6[%mul3A_488] : memref<6272xi32, #tpu.memory_space<vmem>> -> memref<32xi32, #tpu.memory_space<vmem>>
        %dma_start3A_500 = arith.constant 0 : i32
        %dma_start3A_501 = arith.constant 0 : i32
        %dma_start3A_502 = tpu.memref_slice %arg2[%dma_start3A_500, %dma_start3A_501] : memref<50000x128xf32, #tpu.memory_space<hbm>> -> memref<50000x128xf32, #tpu.memory_space<hbm>>
        tpu.enqueue_indirect_dma source(%dma_start3A_502 : memref<50000x128xf32, #tpu.memory_space<hbm>>) target(%dma_start3A_498 : memref<32x128xf32, #tpu.memory_space<vmem>>) offsets(%dma_start3A_499 : memref<32xi32, #tpu.memory_space<vmem>>) semaphore(%arg24 : memref<!tpu.dma_semaphore, #tpu.memory_space<semaphore_mem>>)
        %dma_start3A_503 = arith.constant 32 : i32
        %dma_start3A_504 = arith.constant 0 : i32
        %dma_start3A_505 = tpu.memref_slice %arg10[%dma_start3A_503, %dma_start3A_504] : memref<64x128xf32, #tpu.memory_space<vmem>> -> memref<32x128xf32, #tpu.memory_space<vmem>>
        %dma_start3A_506 = tpu.memref_slice %arg6[%add3A_492] : memref<6272xi32, #tpu.memory_space<vmem>> -> memref<32xi32, #tpu.memory_space<vmem>>
        %dma_start3A_507 = arith.constant 0 : i32
        %dma_start3A_508 = arith.constant 0 : i32
        %dma_start3A_509 = tpu.memref_slice %arg2[%dma_start3A_507, %dma_start3A_508] : memref<50000x128xf32, #tpu.memory_space<hbm>> -> memref<50000x128xf32, #tpu.memory_space<hbm>>
        tpu.enqueue_indirect_dma source(%dma_start3A_509 : memref<50000x128xf32, #tpu.memory_space<hbm>>) target(%dma_start3A_505 : memref<32x128xf32, #tpu.memory_space<vmem>>) offsets(%dma_start3A_506 : memref<32xi32, #tpu.memory_space<vmem>>) semaphore(%arg45 : memref<!tpu.dma_semaphore, #tpu.memory_space<semaphore_mem>>)
        %dma_start3A_510 = arith.constant 0 : i32
        %dma_start3A_511 = tpu.memref_slice %arg3[%add3A_495, %dma_start3A_510] : memref<200000x128xf32, #tpu.memory_space<hbm>> -> memref<64x128xf32, #tpu.memory_space<hbm>>
        %dma_start3A_512 = arith.constant 0 : i32
        %dma_start3A_513 = tpu.memref_slice %arg3[%add3A_495, %dma_start3A_512] : memref<200000x128xf32, #tpu.memory_space<hbm>> -> memref<64x128xf32, #tpu.memory_space<hbm>>
        tpu.enqueue_dma source(%dma_start3A_513 : memref<64x128xf32, #tpu.memory_space<hbm>>) target(%arg17 : memref<64x128xf32, #tpu.memory_space<vmem>>) target_semaphore(%arg31 : memref<!tpu.dma_semaphore, #tpu.memory_space<semaphore_mem>>)
      } else {
      }
      %add3A_435 = arith.constant 6 : i32
      %add3A_436 = arith.addi %add3A_162, %add3A_435 : i32
      %mul3A_437 = arith.constant 64 : i32
      %mul3A_438 = arith.muli %add3A_436, %mul3A_437 : i32
      %mul3A_439 = arith.constant 64 : i32
      %mul3A_440 = arith.muli %add3A_436, %mul3A_439 : i32
      %add3A_441 = arith.constant 32 : i32
      %add3A_442 = arith.addi %mul3A_440, %add3A_441 : i32
      %mul3A_443 = arith.constant 64 : i32
      %mul3A_444 = arith.muli %add3A_436, %mul3A_443 : i32
      %add3A_445 = arith.addi %min3A_3, %mul3A_444 : i32
      %dma_wait3A_446 = arith.constant 0 : i32
      %dma_wait3A_447 = arith.constant 0 : i32
      %dma_wait3A_448 = tpu.memref_slice %arg13[%dma_wait3A_446, %dma_wait3A_447] : memref<64x128xf32, #tpu.memory_space<vmem>> -> memref<32x128xf32, #tpu.memory_space<vmem>>
      %dma_wait3A_449 = tpu.memref_slice %arg6[%mul3A_438] : memref<6272xi32, #tpu.memory_space<vmem>> -> memref<32xi32, #tpu.memory_space<vmem>>
      %dma_wait3A_450 = arith.constant 0 : i32
      %dma_wait3A_451 = arith.constant 0 : i32
      %dma_wait3A_452 = tpu.memref_slice %arg2[%dma_wait3A_450, %dma_wait3A_451] : memref<50000x128xf32, #tpu.memory_space<hbm>> -> memref<50000x128xf32, #tpu.memory_space<hbm>>
      tpu.wait_indirect_dma semaphore(%arg27 : memref<!tpu.dma_semaphore, #tpu.memory_space<semaphore_mem>>) src(%dma_wait3A_452 : memref<50000x128xf32, #tpu.memory_space<hbm>>) dst(%dma_wait3A_448 : memref<32x128xf32, #tpu.memory_space<vmem>>)
      %dma_wait3A_453 = arith.constant 32 : i32
      %dma_wait3A_454 = arith.constant 0 : i32
      %dma_wait3A_455 = tpu.memref_slice %arg13[%dma_wait3A_453, %dma_wait3A_454] : memref<64x128xf32, #tpu.memory_space<vmem>> -> memref<32x128xf32, #tpu.memory_space<vmem>>
      %dma_wait3A_456 = tpu.memref_slice %arg6[%add3A_442] : memref<6272xi32, #tpu.memory_space<vmem>> -> memref<32xi32, #tpu.memory_space<vmem>>
      %dma_wait3A_457 = arith.constant 0 : i32
      %dma_wait3A_458 = arith.constant 0 : i32
      %dma_wait3A_459 = tpu.memref_slice %arg2[%dma_wait3A_457, %dma_wait3A_458] : memref<50000x128xf32, #tpu.memory_space<hbm>> -> memref<50000x128xf32, #tpu.memory_space<hbm>>
      tpu.wait_indirect_dma semaphore(%arg48 : memref<!tpu.dma_semaphore, #tpu.memory_space<semaphore_mem>>) src(%dma_wait3A_459 : memref<50000x128xf32, #tpu.memory_space<hbm>>) dst(%dma_wait3A_455 : memref<32x128xf32, #tpu.memory_space<vmem>>)
      %dma_wait3A_460 = arith.constant 0 : i32
      %dma_wait3A_461 = tpu.memref_slice %arg3[%add3A_445, %dma_wait3A_460] : memref<200000x128xf32, #tpu.memory_space<hbm>> -> memref<64x128xf32, #tpu.memory_space<hbm>>
      %dma_wait3A_462 = arith.constant 0 : i32
      %dma_wait3A_463 = tpu.memref_slice %arg3[%add3A_445, %dma_wait3A_462] : memref<200000x128xf32, #tpu.memory_space<hbm>> -> memref<64x128xf32, #tpu.memory_space<hbm>>
      tpu.wait_dma2 semaphore(%arg34 : memref<!tpu.dma_semaphore, #tpu.memory_space<semaphore_mem>>) src(%dma_wait3A_463 : memref<64x128xf32, #tpu.memory_space<hbm>>) dst(%arg20 : memref<64x128xf32, #tpu.memory_space<vmem>>)
      %parallel_loop3A_464 = arith.constant 0 : i32
      %parallel_loop3A_465 = arith.constant 64 : i32
      %parallel_loop3A_466 = arith.constant 1 : i32
      scf.for %parallel_loop3A_481 = %parallel_loop3A_464 to %parallel_loop3A_465 step %parallel_loop3A_466  : i32 {
        %parallel_loop3A_482 = arith.index_cast %parallel_loop3A_481 : i32 to index
        %parallel_loop3A_483 = arith.constant 0 : index
        %parallel_loop3A_484 = tpu.vector_load %arg13[%parallel_loop3A_482, %parallel_loop3A_483] {strides = array<i32>} : memref<64x128xf32, #tpu.memory_space<vmem>>, vector<1x16xf32>,
        %parallel_loop3A_485 = vector.shape_cast %parallel_loop3A_484 : vector<1x16xf32> to vector<16xf32>
        %parallel_loop3A_486 = arith.index_cast %parallel_loop3A_481 : i32 to index
        %parallel_loop3A_487 = arith.constant 16 : index
        %parallel_loop3A_488 = tpu.vector_load %arg13[%parallel_loop3A_486, %parallel_loop3A_487] {strides = array<i32>} : memref<64x128xf32, #tpu.memory_space<vmem>>, vector<1x16xf32>,
        %parallel_loop3A_489 = vector.shape_cast %parallel_loop3A_488 : vector<1x16xf32> to vector<16xf32>
        %parallel_loop3A_490 = arith.index_cast %parallel_loop3A_481 : i32 to index
        %parallel_loop3A_491 = arith.constant 32 : index
        %parallel_loop3A_492 = tpu.vector_load %arg13[%parallel_loop3A_490, %parallel_loop3A_491] {strides = array<i32>} : memref<64x128xf32, #tpu.memory_space<vmem>>, vector<1x16xf32>,
        %parallel_loop3A_493 = vector.shape_cast %parallel_loop3A_492 : vector<1x16xf32> to vector<16xf32>
        %parallel_loop3A_494 = arith.index_cast %parallel_loop3A_481 : i32 to index
        %parallel_loop3A_495 = arith.constant 48 : index
        %parallel_loop3A_496 = tpu.vector_load %arg13[%parallel_loop3A_494, %parallel_loop3A_495] {strides = array<i32>} : memref<64x128xf32, #tpu.memory_space<vmem>>, vector<1x16xf32>,
        %parallel_loop3A_497 = vector.shape_cast %parallel_loop3A_496 : vector<1x16xf32> to vector<16xf32>
        %parallel_loop3A_498 = arith.index_cast %parallel_loop3A_481 : i32 to index
        %parallel_loop3A_499 = arith.constant 64 : index
        %parallel_loop3A_500 = tpu.vector_load %arg13[%parallel_loop3A_498, %parallel_loop3A_499] {strides = array<i32>} : memref<64x128xf32, #tpu.memory_space<vmem>>, vector<1x16xf32>,
        %parallel_loop3A_501 = vector.shape_cast %parallel_loop3A_500 : vector<1x16xf32> to vector<16xf32>
        %parallel_loop3A_502 = arith.index_cast %parallel_loop3A_481 : i32 to index
        %parallel_loop3A_503 = arith.constant 80 : index
        %parallel_loop3A_504 = tpu.vector_load %arg13[%parallel_loop3A_502, %parallel_loop3A_503] {strides = array<i32>} : memref<64x128xf32, #tpu.memory_space<vmem>>, vector<1x16xf32>,
        %parallel_loop3A_505 = vector.shape_cast %parallel_loop3A_504 : vector<1x16xf32> to vector<16xf32>
        %parallel_loop3A_506 = arith.index_cast %parallel_loop3A_481 : i32 to index
        %parallel_loop3A_507 = arith.constant 96 : index
        %parallel_loop3A_508 = tpu.vector_load %arg13[%parallel_loop3A_506, %parallel_loop3A_507] {strides = array<i32>} : memref<64x128xf32, #tpu.memory_space<vmem>>, vector<1x16xf32>,
        %parallel_loop3A_509 = vector.shape_cast %parallel_loop3A_508 : vector<1x16xf32> to vector<16xf32>
        %parallel_loop3A_510 = arith.index_cast %parallel_loop3A_481 : i32 to index
        %parallel_loop3A_511 = arith.constant 112 : index
        %parallel_loop3A_512 = tpu.vector_load %arg13[%parallel_loop3A_510, %parallel_loop3A_511] {strides = array<i32>} : memref<64x128xf32, #tpu.memory_space<vmem>>, vector<1x16xf32>,
        %parallel_loop3A_513 = vector.shape_cast %parallel_loop3A_512 : vector<1x16xf32> to vector<16xf32>
        %parallel_loop3A_514 = arith.index_cast %parallel_loop3A_481 : i32 to index
        %parallel_loop3A_515 = arith.constant 0 : index
        %parallel_loop3A_516 = tpu.vector_load %arg20[%parallel_loop3A_514, %parallel_loop3A_515] {strides = array<i32>} : memref<64x128xf32, #tpu.memory_space<vmem>>, vector<1x16xf32>,
        %parallel_loop3A_517 = vector.shape_cast %parallel_loop3A_516 : vector<1x16xf32> to vector<16xf32>
        %parallel_loop3A_518 = vector.shape_cast %parallel_loop3A_485 : vector<16xf32> to vector<1x16xf32>
        tpu.vector_store %arg20[%parallel_loop3A_514, %parallel_loop3A_515], %parallel_loop3A_518 {add = true, strides = array<i32>} : memref<64x128xf32, #tpu.memory_space<vmem>>, vector<1x16xf32>,
        %parallel_loop3A_519 = arith.index_cast %parallel_loop3A_481 : i32 to index
        %parallel_loop3A_520 = arith.constant 16 : index
        %parallel_loop3A_521 = tpu.vector_load %arg20[%parallel_loop3A_519, %parallel_loop3A_520] {strides = array<i32>} : memref<64x128xf32, #tpu.memory_space<vmem>>, vector<1x16xf32>,
        %parallel_loop3A_522 = vector.shape_cast %parallel_loop3A_521 : vector<1x16xf32> to vector<16xf32>
        %parallel_loop3A_523 = vector.shape_cast %parallel_loop3A_489 : vector<16xf32> to vector<1x16xf32>
        tpu.vector_store %arg20[%parallel_loop3A_519, %parallel_loop3A_520], %parallel_loop3A_523 {add = true, strides = array<i32>} : memref<64x128xf32, #tpu.memory_space<vmem>>, vector<1x16xf32>,
        %parallel_loop3A_524 = arith.index_cast %parallel_loop3A_481 : i32 to index
        %parallel_loop3A_525 = arith.constant 32 : index
        %parallel_loop3A_526 = tpu.vector_load %arg20[%parallel_loop3A_524, %parallel_loop3A_525] {strides = array<i32>} : memref<64x128xf32, #tpu.memory_space<vmem>>, vector<1x16xf32>,
        %parallel_loop3A_527 = vector.shape_cast %parallel_loop3A_526 : vector<1x16xf32> to vector<16xf32>
        %parallel_loop3A_528 = vector.shape_cast %parallel_loop3A_493 : vector<16xf32> to vector<1x16xf32>
        tpu.vector_store %arg20[%parallel_loop3A_524, %parallel_loop3A_525], %parallel_loop3A_528 {add = true, strides = array<i32>} : memref<64x128xf32, #tpu.memory_space<vmem>>, vector<1x16xf32>,
        %parallel_loop3A_529 = arith.index_cast %parallel_loop3A_481 : i32 to index
        %parallel_loop3A_530 = arith.constant 48 : index
        %parallel_loop3A_531 = tpu.vector_load %arg20[%parallel_loop3A_529, %parallel_loop3A_530] {strides = array<i32>} : memref<64x128xf32, #tpu.memory_space<vmem>>, vector<1x16xf32>,
        %parallel_loop3A_532 = vector.shape_cast %parallel_loop3A_531 : vector<1x16xf32> to vector<16xf32>
        %parallel_loop3A_533 = vector.shape_cast %parallel_loop3A_497 : vector<16xf32> to vector<1x16xf32>
        tpu.vector_store %arg20[%parallel_loop3A_529, %parallel_loop3A_530], %parallel_loop3A_533 {add = true, strides = array<i32>} : memref<64x128xf32, #tpu.memory_space<vmem>>, vector<1x16xf32>,
        %parallel_loop3A_534 = arith.index_cast %parallel_loop3A_481 : i32 to index
        %parallel_loop3A_535 = arith.constant 64 : index
        %parallel_loop3A_536 = tpu.vector_load %arg20[%parallel_loop3A_534, %parallel_loop3A_535] {strides = array<i32>} : memref<64x128xf32, #tpu.memory_space<vmem>>, vector<1x16xf32>,
        %parallel_loop3A_537 = vector.shape_cast %parallel_loop3A_536 : vector<1x16xf32> to vector<16xf32>
        %parallel_loop3A_538 = vector.shape_cast %parallel_loop3A_501 : vector<16xf32> to vector<1x16xf32>
        tpu.vector_store %arg20[%parallel_loop3A_534, %parallel_loop3A_535], %parallel_loop3A_538 {add = true, strides = array<i32>} : memref<64x128xf32, #tpu.memory_space<vmem>>, vector<1x16xf32>,
        %parallel_loop3A_539 = arith.index_cast %parallel_loop3A_481 : i32 to index
        %parallel_loop3A_540 = arith.constant 80 : index
        %parallel_loop3A_541 = tpu.vector_load %arg20[%parallel_loop3A_539, %parallel_loop3A_540] {strides = array<i32>} : memref<64x128xf32, #tpu.memory_space<vmem>>, vector<1x16xf32>,
        %parallel_loop3A_542 = vector.shape_cast %parallel_loop3A_541 : vector<1x16xf32> to vector<16xf32>
        %parallel_loop3A_543 = vector.shape_cast %parallel_loop3A_505 : vector<16xf32> to vector<1x16xf32>
        tpu.vector_store %arg20[%parallel_loop3A_539, %parallel_loop3A_540], %parallel_loop3A_543 {add = true, strides = array<i32>} : memref<64x128xf32, #tpu.memory_space<vmem>>, vector<1x16xf32>,
        %parallel_loop3A_544 = arith.index_cast %parallel_loop3A_481 : i32 to index
        %parallel_loop3A_545 = arith.constant 96 : index
        %parallel_loop3A_546 = tpu.vector_load %arg20[%parallel_loop3A_544, %parallel_loop3A_545] {strides = array<i32>} : memref<64x128xf32, #tpu.memory_space<vmem>>, vector<1x16xf32>,
        %parallel_loop3A_547 = vector.shape_cast %parallel_loop3A_546 : vector<1x16xf32> to vector<16xf32>
        %parallel_loop3A_548 = vector.shape_cast %parallel_loop3A_509 : vector<16xf32> to vector<1x16xf32>
        tpu.vector_store %arg20[%parallel_loop3A_544, %parallel_loop3A_545], %parallel_loop3A_548 {add = true, strides = array<i32>} : memref<64x128xf32, #tpu.memory_space<vmem>>, vector<1x16xf32>,
        %parallel_loop3A_549 = arith.index_cast %parallel_loop3A_481 : i32 to index
        %parallel_loop3A_550 = arith.constant 112 : index
        %parallel_loop3A_551 = tpu.vector_load %arg20[%parallel_loop3A_549, %parallel_loop3A_550] {strides = array<i32>} : memref<64x128xf32, #tpu.memory_space<vmem>>, vector<1x16xf32>,
        %parallel_loop3A_552 = vector.shape_cast %parallel_loop3A_551 : vector<1x16xf32> to vector<16xf32>
        %parallel_loop3A_553 = vector.shape_cast %parallel_loop3A_513 : vector<16xf32> to vector<1x16xf32>
        tpu.vector_store %arg20[%parallel_loop3A_549, %parallel_loop3A_550], %parallel_loop3A_553 {add = true, strides = array<i32>} : memref<64x128xf32, #tpu.memory_space<vmem>>, vector<1x16xf32>,
      } {sc.loop_unroll_factor = 2 : i64, sc.parallel_access}
      %mul3A_467 = arith.constant 64 : i32
      %mul3A_468 = arith.muli %add3A_436, %mul3A_467 : i32
      %add3A_469 = arith.addi %min3A_3, %mul3A_468 : i32
      %dma_start3A_470 = arith.constant 0 : i32
      %dma_start3A_471 = tpu.memref_slice %arg5[%add3A_469, %dma_start3A_470] : memref<200000x128xf32, #tpu.memory_space<hbm>> -> memref<64x128xf32, #tpu.memory_space<hbm>>
      %dma_start3A_472 = arith.constant 0 : i32
      %dma_start3A_473 = tpu.memref_slice %arg5[%add3A_469, %dma_start3A_472] : memref<200000x128xf32, #tpu.memory_space<hbm>> -> memref<64x128xf32, #tpu.memory_space<hbm>>
      tpu.enqueue_dma source(%arg20 : memref<64x128xf32, #tpu.memory_space<vmem>>) target(%dma_start3A_473 : memref<64x128xf32, #tpu.memory_space<hbm>>) target_semaphore(%arg41 : memref<!tpu.dma_semaphore, #tpu.memory_space<semaphore_mem>>)
      %add3A_474 = arith.constant 5 : i32
      %add3A_475 = arith.addi %add3A_436, %add3A_474 : i32
      %lt3A_476 = arith.constant 98 : i32
      %lt3A_477 = arith.cmpi slt, %add3A_475, %lt3A_476 : i32
      %convert_element_type3A_478 = arith.extui %lt3A_477 : i1 to i32
      %cond3A_479 = arith.constant 0 : i32
      %cond3A_480 = arith.cmpi ne, %convert_element_type3A_478, %cond3A_479 : i32
      scf.if %cond3A_480 {
        %ge3A = arith.constant 2 : i32
        %ge3A_481 = arith.cmpi sge, %add3A_436, %ge3A : i32
        %convert_element_type3A_482 = arith.extui %ge3A_481 : i1 to i32
        %cond3A_483 = arith.constant 0 : i32
        %cond3A_484 = arith.cmpi ne, %convert_element_type3A_482, %cond3A_483 : i32
        scf.if %cond3A_484 {
          %sub3A = arith.constant 2 : i32
          %sub3A_514 = arith.subi %add3A_436, %sub3A : i32
          %mul3A_515 = arith.constant 64 : i32
          %mul3A_516 = arith.muli %sub3A_514, %mul3A_515 : i32
          %add3A_517 = arith.addi %min3A_3, %mul3A_516 : i32
          %dma_wait3A_518 = arith.constant 0 : i32
          %dma_wait3A_519 = tpu.memref_slice %arg5[%add3A_517, %dma_wait3A_518] : memref<200000x128xf32, #tpu.memory_space<hbm>> -> memref<64x128xf32, #tpu.memory_space<hbm>>
          %dma_wait3A_520 = arith.constant 0 : i32
          %dma_wait3A_521 = tpu.memref_slice %arg5[%add3A_517, %dma_wait3A_520] : memref<200000x128xf32, #tpu.memory_space<hbm>> -> memref<64x128xf32, #tpu.memory_space<hbm>>
          tpu.wait_dma2 semaphore(%arg39 : memref<!tpu.dma_semaphore, #tpu.memory_space<semaphore_mem>>) src(%arg18 : memref<64x128xf32, #tpu.memory_space<vmem>>) dst(%dma_wait3A_521 : memref<64x128xf32, #tpu.memory_space<hbm>>)
        } else {
        }
        %add3A_485 = arith.constant 5 : i32
        %add3A_486 = arith.addi %add3A_436, %add3A_485 : i32
        %mul3A_487 = arith.constant 64 : i32
        %mul3A_488 = arith.muli %add3A_486, %mul3A_487 : i32
        %mul3A_489 = arith.constant 64 : i32
        %mul3A_490 = arith.muli %add3A_486, %mul3A_489 : i32
        %add3A_491 = arith.constant 32 : i32
        %add3A_492 = arith.addi %mul3A_490, %add3A_491 : i32
        %mul3A_493 = arith.constant 64 : i32
        %mul3A_494 = arith.muli %add3A_486, %mul3A_493 : i32
        %add3A_495 = arith.addi %min3A_3, %mul3A_494 : i32
        %dma_start3A_496 = arith.constant 0 : i32
        %dma_start3A_497 = arith.constant 0 : i32
        %dma_start3A_498 = tpu.memref_slice %arg11[%dma_start3A_496, %dma_start3A_497] : memref<64x128xf32, #tpu.memory_space<vmem>> -> memref<32x128xf32, #tpu.memory_space<vmem>>
        %dma_start3A_499 = tpu.memref_slice %arg6[%mul3A_488] : memref<6272xi32, #tpu.memory_space<vmem>> -> memref<32xi32, #tpu.memory_space<vmem>>
        %dma_start3A_500 = arith.constant 0 : i32
        %dma_start3A_501 = arith.constant 0 : i32
        %dma_start3A_502 = tpu.memref_slice %arg2[%dma_start3A_500, %dma_start3A_501] : memref<50000x128xf32, #tpu.memory_space<hbm>> -> memref<50000x128xf32, #tpu.memory_space<hbm>>
        tpu.enqueue_indirect_dma source(%dma_start3A_502 : memref<50000x128xf32, #tpu.memory_space<hbm>>) target(%dma_start3A_498 : memref<32x128xf32, #tpu.memory_space<vmem>>) offsets(%dma_start3A_499 : memref<32xi32, #tpu.memory_space<vmem>>) semaphore(%arg25 : memref<!tpu.dma_semaphore, #tpu.memory_space<semaphore_mem>>)
        %dma_start3A_503 = arith.constant 32 : i32
        %dma_start3A_504 = arith.constant 0 : i32
        %dma_start3A_505 = tpu.memref_slice %arg11[%dma_start3A_503, %dma_start3A_504] : memref<64x128xf32, #tpu.memory_space<vmem>> -> memref<32x128xf32, #tpu.memory_space<vmem>>
        %dma_start3A_506 = tpu.memref_slice %arg6[%add3A_492] : memref<6272xi32, #tpu.memory_space<vmem>> -> memref<32xi32, #tpu.memory_space<vmem>>
        %dma_start3A_507 = arith.constant 0 : i32
        %dma_start3A_508 = arith.constant 0 : i32
        %dma_start3A_509 = tpu.memref_slice %arg2[%dma_start3A_507, %dma_start3A_508] : memref<50000x128xf32, #tpu.memory_space<hbm>> -> memref<50000x128xf32, #tpu.memory_space<hbm>>
        tpu.enqueue_indirect_dma source(%dma_start3A_509 : memref<50000x128xf32, #tpu.memory_space<hbm>>) target(%dma_start3A_505 : memref<32x128xf32, #tpu.memory_space<vmem>>) offsets(%dma_start3A_506 : memref<32xi32, #tpu.memory_space<vmem>>) semaphore(%arg46 : memref<!tpu.dma_semaphore, #tpu.memory_space<semaphore_mem>>)
        %dma_start3A_510 = arith.constant 0 : i32
        %dma_start3A_511 = tpu.memref_slice %arg3[%add3A_495, %dma_start3A_510] : memref<200000x128xf32, #tpu.memory_space<hbm>> -> memref<64x128xf32, #tpu.memory_space<hbm>>
        %dma_start3A_512 = arith.constant 0 : i32
        %dma_start3A_513 = tpu.memref_slice %arg3[%add3A_495, %dma_start3A_512] : memref<200000x128xf32, #tpu.memory_space<hbm>> -> memref<64x128xf32, #tpu.memory_space<hbm>>
        tpu.enqueue_dma source(%dma_start3A_513 : memref<64x128xf32, #tpu.memory_space<hbm>>) target(%arg18 : memref<64x128xf32, #tpu.memory_space<vmem>>) target_semaphore(%arg32 : memref<!tpu.dma_semaphore, #tpu.memory_space<semaphore_mem>>)
      } else {
      }
    }
    %scan3A_116 = arith.constant 14 : i32
    %add3A_117 = arith.constant 5824 : i32
    %add3A_118 = arith.addi %min3A_3, %add3A_117 : i32
    %dma_wait3A = arith.constant 0 : i32
    %dma_wait3A_119 = tpu.memref_slice %arg5[%add3A_118, %dma_wait3A] : memref<200000x128xf32, #tpu.memory_space<hbm>> -> memref<64x128xf32, #tpu.memory_space<hbm>>
    %dma_wait3A_120 = arith.constant 0 : i32
    %dma_wait3A_121 = tpu.memref_slice %arg5[%add3A_118, %dma_wait3A_120] : memref<200000x128xf32, #tpu.memory_space<hbm>> -> memref<64x128xf32, #tpu.memory_space<hbm>>
    tpu.wait_dma2 semaphore(%arg35 : memref<!tpu.dma_semaphore, #tpu.memory_space<semaphore_mem>>) src(%arg14 : memref<64x128xf32, #tpu.memory_space<vmem>>) dst(%dma_wait3A_121 : memref<64x128xf32, #tpu.memory_space<hbm>>)
    %add3A_122 = arith.constant 5888 : i32
    %add3A_123 = arith.addi %min3A_3, %add3A_122 : i32
    %dma_wait3A_124 = arith.constant 0 : i32
    %dma_wait3A_125 = tpu.memref_slice %arg5[%add3A_123, %dma_wait3A_124] : memref<200000x128xf32, #tpu.memory_space<hbm>> -> memref<64x128xf32, #tpu.memory_space<hbm>>
    %dma_wait3A_126 = arith.constant 0 : i32
    %dma_wait3A_127 = tpu.memref_slice %arg5[%add3A_123, %dma_wait3A_126] : memref<200000x128xf32, #tpu.memory_space<hbm>> -> memref<64x128xf32, #tpu.memory_space<hbm>>
    tpu.wait_dma2 semaphore(%arg36 : memref<!tpu.dma_semaphore, #tpu.memory_space<semaphore_mem>>) src(%arg15 : memref<64x128xf32, #tpu.memory_space<vmem>>) dst(%dma_wait3A_127 : memref<64x128xf32, #tpu.memory_space<hbm>>)
    %add3A_128 = arith.constant 5952 : i32
    %add3A_129 = arith.addi %min3A_3, %add3A_128 : i32
    %dma_wait3A_130 = arith.constant 0 : i32
    %dma_wait3A_131 = tpu.memref_slice %arg5[%add3A_129, %dma_wait3A_130] : memref<200000x128xf32, #tpu.memory_space<hbm>> -> memref<64x128xf32, #tpu.memory_space<hbm>>
    %dma_wait3A_132 = arith.constant 0 : i32
    %dma_wait3A_133 = tpu.memref_slice %arg5[%add3A_129, %dma_wait3A_132] : memref<200000x128xf32, #tpu.memory_space<hbm>> -> memref<64x128xf32, #tpu.memory_space<hbm>>
    tpu.wait_dma2 semaphore(%arg37 : memref<!tpu.dma_semaphore, #tpu.memory_space<semaphore_mem>>) src(%arg16 : memref<64x128xf32, #tpu.memory_space<vmem>>) dst(%dma_wait3A_133 : memref<64x128xf32, #tpu.memory_space<hbm>>)
    %add3A_134 = arith.constant 6016 : i32
    %add3A_135 = arith.addi %min3A_3, %add3A_134 : i32
    %dma_wait3A_136 = arith.constant 0 : i32
    %dma_wait3A_137 = tpu.memref_slice %arg5[%add3A_135, %dma_wait3A_136] : memref<200000x128xf32, #tpu.memory_space<hbm>> -> memref<64x128xf32, #tpu.memory_space<hbm>>
    %dma_wait3A_138 = arith.constant 0 : i32
    %dma_wait3A_139 = tpu.memref_slice %arg5[%add3A_135, %dma_wait3A_138] : memref<200000x128xf32, #tpu.memory_space<hbm>> -> memref<64x128xf32, #tpu.memory_space<hbm>>
    tpu.wait_dma2 semaphore(%arg38 : memref<!tpu.dma_semaphore, #tpu.memory_space<semaphore_mem>>) src(%arg17 : memref<64x128xf32, #tpu.memory_space<vmem>>) dst(%dma_wait3A_139 : memref<64x128xf32, #tpu.memory_space<hbm>>)
    %add3A_140 = arith.constant 6080 : i32
    %add3A_141 = arith.addi %min3A_3, %add3A_140 : i32
    %dma_wait3A_142 = arith.constant 0 : i32
    %dma_wait3A_143 = tpu.memref_slice %arg5[%add3A_141, %dma_wait3A_142] : memref<200000x128xf32, #tpu.memory_space<hbm>> -> memref<64x128xf32, #tpu.memory_space<hbm>>
    %dma_wait3A_144 = arith.constant 0 : i32
    %dma_wait3A_145 = tpu.memref_slice %arg5[%add3A_141, %dma_wait3A_144] : memref<200000x128xf32, #tpu.memory_space<hbm>> -> memref<64x128xf32, #tpu.memory_space<hbm>>
    tpu.wait_dma2 semaphore(%arg39 : memref<!tpu.dma_semaphore, #tpu.memory_space<semaphore_mem>>) src(%arg18 : memref<64x128xf32, #tpu.memory_space<vmem>>) dst(%dma_wait3A_145 : memref<64x128xf32, #tpu.memory_space<hbm>>)
    %add3A_146 = arith.constant 6144 : i32
    %add3A_147 = arith.addi %min3A_3, %add3A_146 : i32
    %dma_wait3A_148 = arith.constant 0 : i32
    %dma_wait3A_149 = tpu.memref_slice %arg5[%add3A_147, %dma_wait3A_148] : memref<200000x128xf32, #tpu.memory_space<hbm>> -> memref<64x128xf32, #tpu.memory_space<hbm>>
    %dma_wait3A_150 = arith.constant 0 : i32
    %dma_wait3A_151 = tpu.memref_slice %arg5[%add3A_147, %dma_wait3A_150] : memref<200000x128xf32, #tpu.memory_space<hbm>> -> memref<64x128xf32, #tpu.memory_space<hbm>>
    tpu.wait_dma2 semaphore(%arg40 : memref<!tpu.dma_semaphore, #tpu.memory_space<semaphore_mem>>) src(%arg19 : memref<64x128xf32, #tpu.memory_space<vmem>>) dst(%dma_wait3A_151 : memref<64x128xf32, #tpu.memory_space<hbm>>)
    %add3A_152 = arith.constant 6208 : i32
    %add3A_153 = arith.addi %min3A_3, %add3A_152 : i32
    %dma_wait3A_154 = arith.constant 0 : i32
    %dma_wait3A_155 = tpu.memref_slice %arg5[%add3A_153, %dma_wait3A_154] : memref<200000x128xf32, #tpu.memory_space<hbm>> -> memref<64x128xf32, #tpu.memory_space<hbm>>
    %dma_wait3A_156 = arith.constant 0 : i32
    %dma_wait3A_157 = tpu.memref_slice %arg5[%add3A_153, %dma_wait3A_156] : memref<200000x128xf32, #tpu.memory_space<hbm>> -> memref<64x128xf32, #tpu.memory_space<hbm>>
    tpu.wait_dma2 semaphore(%arg41 : memref<!tpu.dma_semaphore, #tpu.memory_space<semaphore_mem>>) src(%arg20 : memref<64x128xf32, #tpu.memory_space<vmem>>) dst(%dma_wait3A_157 : memref<64x128xf32, #tpu.memory_space<hbm>>)
    return
  }
}

module attributes {stable_mosaic.version = 14 : i64} {
  func.func @_tc_probe_body(%arg0: i32, %arg1: memref<1000x128xf32, #tpu.memory_space<vmem>>, %arg2: memref<8x128xf32, #tpu.memory_space<vmem>>) attributes {dimension_semantics = [#tpu.dimension_semantics<arbitrary>], iteration_bounds = array<i64: 200>, scalar_prefetch = 0 : i64, scratch_operands = 0 : i64, tpu.core_type = #tpu.core_type<tc>, window_params = [{transform_indices = @transform_0, window_bounds = array<i64: 1000, 128>}, {transform_indices = @transform_1, window_bounds = array<i64: 8, 128>}]} {
    %get3A = arith.constant 0 : index
    %get3A_0 = arith.constant 0 : index
    %get3A_1 = vector.load %arg1[%get3A, %get3A_0] : memref<1000x128xf32, #tpu.memory_space<vmem>>, vector<1000x128xf32>
    %reduce_sum3A = arith.constant dense<0.000000e+00> : vector<128xf32>
    %reduce_sum3A_2 = vector.multi_reduction <add>, %get3A_1, %reduce_sum3A [0] : vector<1000x128xf32> to vector<128xf32>
    %broadcast_in_dim3A = vector.shape_cast %reduce_sum3A_2 : vector<128xf32> to vector<1x128xf32>
    %broadcast_in_dim3A_3 = vector.shape_cast %broadcast_in_dim3A : vector<1x128xf32> to vector<1x128xf32>
    %broadcast_in_dim3A_4 = vector.broadcast %broadcast_in_dim3A_3 : vector<1x128xf32> to vector<8x128xf32>
    %swap3A = arith.constant 0 : index
    %swap3A_5 = arith.constant 0 : index
    %swap3A_6 = vector.load %arg2[%swap3A, %swap3A_5] : memref<8x128xf32, #tpu.memory_space<vmem>>, vector<8x128xf32>
    tpu.vector_store %arg2[%swap3A, %swap3A_5], %broadcast_in_dim3A_4 {strides = array<i32>} : memref<8x128xf32, #tpu.memory_space<vmem>>, vector<8x128xf32>,
    return
  }
  func.func @transform_0(%arg0: i32) -> (i32, i32) {
    %c0_i32 = arith.constant 0 : i32
    %c0_i32_0 = arith.constant 0 : i32
    return %arg0, %c0_i32 : i32, i32
  }
  func.func @transform_1(%arg0: i32) -> (i32, i32) {
    %c0_i32 = arith.constant 0 : i32
    %c0_i32_0 = arith.constant 0 : i32
    return %arg0, %c0_i32 : i32, i32
  }
}

</mosaic_0001>

<sc_bundles>
// kernel: kernel.4.cloned.1.call-start
scs
__scs_entry_jumppad:
0x0: {  	(pc) =	sbr.rel $0x88, $3  }
0x1: {  	(tag) =	ssettag $0x0;
	lr =	simm.s32 $0x1  }
0x2: {  	[smem:$0x3F9E] =	sst lr;
	_ =	strace $0xD0000000  }
0x3: {  	_ = 	snop  }
0x4: {  	_ = 	snop  }
0x5: {  	_ = 	snop  }
0x6: {  	_ = 	snop  }
0x7: {  	_ = 	snop  }
__scs_overlays_trampoline_lowered:
0x8: {  	[smem:$0x3FAD] =	sst s0  }
0x9: {  	[smem:$0x3FAE] =	sst s1  }
0xa: {  	[smem:$0x3FAF] =	sst s2  }
0xb: {  	[smem:$0x3FB0] =	sst s3  }
0xc: {  	[smem:$0x3FB1] =	sst s4  }
0xd: {  	[smem:$0x3FB2] =	sst s5  }
0xe: {  	[smem:$0x3FB3] =	sst s6  }
0xf: {  	[smem:$0x3FB4] =	sst s7  }
0x10: {  	[smem:$0x3FB5] =	sst s8  }
0x11: {  	[smem:$0x3FB6] =	sst s9;
	s0 =	simm.s32 @!p0 $0x0  }
0x12: {  	s1 =	sld [smem:$0x3F9C];
	s0 =	simm.s32 @p0 $0x1  }
0x13: {  	[smem:$0x3FB7] =	sst s0;
	s0 =	simm.s32 @!p1 $0x0  }
0x14: {  	s2 =	sld [smem:$0x3F9B];
	s0 =	simm.s32 @p1 $0x1  }
0x15: {  	[smem:$0x3FB8] =	sst s0;
	s0 =	simm.s32 @!p2 $0x0  }
0x16: {  	s3 =	sld [smem:$0x3FDB];
	s0 =	simm.s32 @p2 $0x1  }
0x17: {  	s4 =	simm.s32 $0x1BF5;
	[smem:$0x3FBA] =	sst s0  }
0x18: {  	s0 =	sld [smem:$0x3F9D];
	_ =	swait.ge [sflag:s4], $0x0  }
0x19: {  	s7 =	sld [smem:$0x3F9E]  }
0x1a: {  	s8 =	sadd.s32 $0xFFFFE003, lr  }
0x1b: {  	s9 =	sadd.s32 $0xFFFFFEF7, lr;
	s5 =	simm.s32 $0xFFFFFFFF;
	p2 =	slt.u32 s8, $0xFFFFF086  }
0x1c: {  	p1 =	slt.u32 s9, $0xF7A;
	s5 =	simm.s32 @!p2 $0x0  }
0x1d: {  	s5 =	simm.s32 @p1 $0x1;
	p0 =	seq.s32 s7, s2  }
0x1e: {  	s7 =	smul.u32 @!p0 $0xF7A, s2;
	p2 =	seq.s32 @!p0 s5, $0x0  }
0x1f: {  	s9 =	smul.u32 $0xF7A, s1;
	s8 =	simm.s32 @!p0 $0x1BF5;
	p2 =	por !p2, p0  }
0x20: {  	[sflag:s8] =	ssyncset.s32 @!p0 $0xFFFFF086;
	s6 =	sadd.s32 @!p0 s3, s7;
	s7 =	simm.s32 @!p0 $0x108  }
0x21: {  	s3 =	sadd.s32 s3, s9;
	s6 =	sadd.s32 @!p0 $0x88, s6;
	s7 =	simm.s32 @p2 $0x1082  }
0x22: {  	[simem:s7], [sflag:s8] =	dma.local @!p0 [hbm:s6], $0xF7A  }
0x23: {  	s9 =	sor.u32 $0xD0000000, s2;
	s6 =	simm.s32 $0x108;
	_ =	swait.ge @!p0 [sflag:s8], $0x0  }
0x24: {  	s3 =	sadd.s32 $0x88, s3;
	s6 =	simm.s32 @!p1 $0x1082;
	[sflag:s4] =	ssyncset.s32 $0xFFFFF086  }
0x25: {  	[simem:s6], [sflag:s4] =	dma.local [hbm:s3], $0xF7A  }
0x26: {  	[smem:$0x3F9E] =	sst s1;
	(tag) =	ssettag s2;
	_ =	strace s9  }
0x27: {  	s1 =	sld [smem:$0x3FAE]  }
0x28: {  	s2 =	sld [smem:$0x3FAF]  }
0x29: {  	s4 =	sld [smem:$0x3FB1]  }
0x2a: {  	p0 =	seq.s32 s5, $0x0;
	s5 =	sld [smem:$0x3FB2]  }
0x2b: {  	s6 =	sld [smem:$0x3FB3]  }
0x2c: {  	s7 =	sld [smem:$0x3FB4]  }
0x2d: {  	s3 =	simm.s32 $0x108;
	s8 =	sld [smem:$0x3FB5]  }
0x2e: {  	s3 =	simm.s32 @!p0 $0x1082;
	s9 =	sld [smem:$0x3FB6]  }
0x2f: {  	lr =	sadd.s32 s0, s3;
	s0 =	sld [smem:$0x3FAD]  }
0x30: {  	s3 =	sld [smem:$0x3FB0]  }
0x31: {  	[smem:$0x3FB9] =	sst s10  }
0x32: {  	s10 =	sld [smem:$0x3FB7];
	_ =	sdelay $0x3  }
0x33: {  	p0 =	seq.s32 s10, $0x1;
	s10 =	sld [smem:$0x3FB9];
	_ =	sdelay $0x3  }
0x34: {  	[smem:$0x3FB9] =	sst s10  }
0x35: {  	s10 =	sld [smem:$0x3FB8];
	_ =	sdelay $0x3  }
0x36: {  	p1 =	seq.s32 s10, $0x1;
	s10 =	sld [smem:$0x3FB9];
	_ =	sdelay $0x3  }
0x37: {  	[smem:$0x3FB9] =	sst s10  }
0x38: {  	s10 =	sld [smem:$0x3FBA]  }
0x39: {  	_ = 	snop;
	(pc) =	sbr.ind lr, $3  }
0x3a: {  	_ = 	snop  }
0x3b: {  	_ = 	snop  }
0x3c: {  	p2 =	seq.s32 s10, $0x1;
	s10 =	sld [smem:$0x3FB9]  }
0x3d: {  	_ =	shalt  }
0x3e: {  	_ =	shalt  }
0x3f: {  	_ =	shalt  }
0x40: {  	_ =	shalt  }
0x41: {  	_ =	shalt  }
0x42: {  	_ =	shalt  }
0x43: {  	_ =	shalt  }
0x44: {  	_ =	shalt  }
0x45: {  	_ =	shalt  }
0x46: {  	_ =	shalt  }
0x47: {  	_ =	shalt  }
0x48: {  	_ =	shalt  }
0x49: {  	_ =	shalt  }
0x4a: {  	_ =	shalt  }
0x4b: {  	_ =	shalt  }
0x4c: {  	_ =	shalt  }
0x4d: {  	_ =	shalt  }
0x4e: {  	_ =	shalt  }
0x4f: {  	_ =	shalt  }
0x50: {  	_ =	shalt  }
0x51: {  	_ =	shalt  }
0x52: {  	_ =	shalt  }
0x53: {  	_ =	shalt  }
0x54: {  	_ =	shalt  }
0x55: {  	_ =	shalt  }
0x56: {  	_ =	shalt  }
0x57: {  	_ =	shalt  }
0x58: {  	_ =	shalt  }
0x59: {  	_ =	shalt  }
0x5a: {  	_ =	shalt  }
0x5b: {  	_ =	shalt  }
0x5c: {  	_ =	shalt  }
0x5d: {  	_ =	shalt  }
0x5e: {  	_ =	shalt  }
0x5f: {  	_ =	shalt  }
0x60: {  	_ =	shalt  }
0x61: {  	_ =	shalt  }
0x62: {  	_ =	shalt  }
0x63: {  	_ =	shalt  }
0x64: {  	_ =	shalt  }
0x65: {  	_ =	shalt  }
0x66: {  	_ =	shalt  }
0x67: {  	_ =	shalt  }
0x68: {  	_ =	shalt  }
0x69: {  	_ =	shalt  }
0x6a: {  	_ =	shalt  }
0x6b: {  	_ =	shalt  }
0x6c: {  	_ =	shalt  }
0x6d: {  	_ =	shalt  }
0x6e: {  	_ =	shalt  }
0x6f: {  	_ =	shalt  }
0x70: {  	_ =	shalt  }
0x71: {  	_ =	shalt  }
0x72: {  	_ =	shalt  }
0x73: {  	_ =	shalt  }
0x74: {  	_ =	shalt  }
0x75: {  	_ =	shalt  }
0x76: {  	_ =	shalt  }
0x77: {  	_ =	shalt  }
0x78: {  	_ =	shalt  }
0x79: {  	_ =	shalt  }
0x7a: {  	_ =	shalt  }
0x7b: {  	_ =	shalt  }
0x7c: {  	_ =	shalt  }
0x7d: {  	_ =	shalt  }
0x7e: {  	_ =	shalt  }
0x7f: {  	_ =	shalt  }
0x80: {  	_ =	shalt  }
0x81: {  	_ =	shalt  }
0x82: {  	_ =	shalt  }
0x83: {  	_ =	shalt  }
0x84: {  	_ =	shalt  }
0x85: {  	_ =	shalt  }
0x86: {  	_ =	shalt  }
0x87: {  	_ =	shalt  }
.Lfunc_end0:
.L_simem_size_0:
called_computation_lowered:
.L_overlay_start_0:
0x88: {  	s2 =	sld [smem:$0x3FD9]  }
0x89: {  	s3 =	sld [smem:$0x3FFE];
	_ =	sdelay $0x1  }
0x8a: {  	s1 =	srdreg.scid  }
0x8b: {  	s0 =	sand.u32 $0x1, s1  }
0x8c: {  	s18 =	sshll.u32 s0, $0xA;
	s2 =	sadd.s32 s3, s2  }
0x8d: {  	s2 =	sadd.s32 s2, s18  }
0x8e: {  	[smem:$0x3FC5] =	sst s2  }
0x8f: {  	_ = 	snop  }
0x90: {  	s2 =	sld [smem:$0x3FC9]  }
0x91: {  	s19 =	sld [smem:$0x3FC8]  }
0x92: {  	s4 =	sld [smem:$0x3FC7]  }
0x93: {  	s5 =	sld [smem:$0x3FD0];
	(tm) =	ssettm $0x1  }
0x94: {  	s6 =	sld [smem:$0x3FFB];
	_ =	sdelay $0x3  }
0x95: {  	_ =	strace s6  }
0x96: {  	s6 =	sld [smem:$0x3FFC];
	_ =	sdelay $0x3  }
0x97: {  	_ =	strace s6  }
0x98: {  	s6 =	sld [smem:$0x3FFD];
	_ =	sdelay $0x3  }
0x99: {  	_ =	strace s6  }
0x9a: {  	_ =	strace $0x8FFFFFFF  }
0x9b: {  	s20 =	sld [smem:$0x3FDB];
	_ =	sdelay $0x1  }
0x9c: {  	s7 =	simm.s32 $_scs_section_size  }
0x9d: {  	s8 =	simm.s32 $_size__tile_overlayer_lowered;
	s9 =	simm.s32 $_tile_overlayer_lowered  }
0x9e: {  	s23 =	simm.s32 $0x1BFF;
	s22 =	sshll.u32 s9, $0x1;
	s6 =	sadd.s32 s7, s20  }
0x9f: {  	s10 =	simm.s32 $0x0;
	s21 =	sshll.u32 s8, $0x1;
	s8 =	sadd.s32 s22, s6  }
0xa0: {  	[timem:s10], [sflag:s23] =	dma.local [hbm:s8], s21  }
0xa1: {  	_ =	swait.ge [sflag:s23], s21  }
0xa2: {  	s7 =	ssub.s32 $0x0, s21;
	[sflag:s23] =	ssyncset.done $0x0  }
0xa3: {  	[sflag:s23] =	ssyncadd.s32 s7;
	_ =	sdelay $0x1  }
0xa4: {  	s24 =	simm.s32 $0x1B8B  }
0xa5: {  	_ =	swait.ge [sflag:s24], $0x1  }
0xa6: {  	[sflag:s24] =	ssyncset.done $0x0  }
0xa7: {  	s25 =	simm.s32 $0x1B8E;
	[sflag:s24] =	ssyncadd.s32 $0xFFFFFFFF  }
0xa8: {  	s26 =	simm.s32 $execute0_lowered;
	[smem:$0x3FD2] =	sst s25  }
0xa9: {  	s7 =	sshll.u32 s26, $0x1;
	_ =	strace $0x80000046;
	[dreg:$0x1] =	wrdreg $0xFFFFFFFF  }
0xaa: {  	s28 =	simm.s32 $_size_execute0_lowered;
	s6 =	sadd.s32 s6, s7;
	[dreg:$0x0] =	wrdreg $0x0  }
0xab: {  	s7 =	sshll.u32 s28, $0x1;
	[dreg:$0x2] =	wrdreg s6  }
0xac: {  	[dreg:$0x3] =	wrdreg s7  }
0xad: {  	[dreg:$0x4] =	wrdreg $0xC0  }
0xae: {  	_ =	task [dreg:s10], $0x5FFFF  }
0xaf: {  	[dreg:$0x1] =	wrdreg $0xFFFFFFFF  }
0xb0: {  	[dreg:$0x0] =	wrdreg $0x60  }
0xb1: {  	[dreg:$0x2] =	wrdreg s2  }
0xb2: {  	[dreg:$0x3] =	wrdreg s19  }
0xb3: {  	[dreg:$0x4] =	wrdreg s4  }
0xb4: {  	[dreg:$0x5] =	wrdreg s5  }
0xb5: {  	[dreg:$0x6] =	wrdreg $0x9  }
0xb6: {  	_ =	task.clear_ibuf [dreg:s10], $0x7FFFF;
	_ =	strace $0x90000046  }
0xb7: {  	s29 =	simm.s32 $0x9;
	_ =	strace $0x80000048  }
0xb8: {  	_ =	swait.ge [sflag:s29], $0x1  }
0xb9: {  	[sflag:s29] =	ssyncadd.s32 $0xFFFFFFFF  }
0xba: {  	_ =	strace $0x90000048  }
0xbb: {  	_ =	sfence  }
0xbc: {  	s30 =	sld [smem:$0x0];
	_ =	sdelay $0x2  }
0xbd: {  	s31 =	sshll.u32 s1, $0xD;
	s1 =	sshrl.u32 s1, $0x2  }
0xbe: {  	s3 =	sand.u32 $0x4000, s31;
	s1 =	sadd.s32 s1, s30  }
0xbf: {  	s0 =	sor.u32 s3, s0;
	s1 =	sshll.u32 s1, $0x11  }
0xc0: {  	s0 =	sor.u32 s1, s0  }
0xc1: {  	s0 =	sadd.s32 $0x8F2B, s0  }
0xc2: {  	[sflag:s0] =	ssyncadd.remote.s32 $0x1  }
0xc3: {  	_ =	sfence.sel $0xFFFF  }
0xc4: {  	[dreg:$0x0] =	wrdreg $0xFFFFFFFF;
	(pc) =	sbr.abs _section_cstart, $3  }
0xc5: {  	[dreg:$0x1] =	wrdreg $0xFFFFFFFF  }
0xc6: {  	_ =	task.clear_ibuf [dreg:s10], $0x2FFFF;
	_ =	strace $0x9FFFFFFF  }
0xc7: {  	(tm) =	ssettm $0x7FFFFFFF  }
tec
execute0_lowered:
.L_overlay_start_1:
0x0: {  	(tag) =	ssettag $0x1  }
0x1: {  	s1 =	rddreg [dreg:$0x0]  }
0x2: {  	s2 =	rddreg [dreg:$0x1]  }
0x3: {  	s0 =	srdreg.scid;
	s4 =	rddreg [dreg:$0x2]  }
0x4: {  	s3 =	stileid.u32;
	s11 =	rddreg [dreg:$0x3]  }
0x5: {  	s5 =	simm.s32 $0x0;
	s0 =	sand.u32 $0x1, s0;
	s3 =	sshll.u32 s3, $0x1  }
0x6: {  	s31 =	simm.s32 $0x18;
	s30 =	simm.s32 $0x4;
	s3 =	sor.u32 s0, s3  }
0x7: {  	s13 =	simm.s32 $0xB;
	s0 =	ssub.s32 $0x2, s0;
	s3 =	smul.u32 $0x1880, s3  }
0x8: {  	s29 =	simm.s32 $0xC;
	s28 =	simm.s32 $0x1B;
	s17 =	sshrl.u32 s0, $0x1  }
0x9: {  	[smem:$0x7FF] =	sst s5;
	s0 =	ssub.s32 s0, s17;
	s6 =	smin.u32 s3, $0x2F4C0  }
0xa: {  	_ =	strace $0x80000047;
	s0 =	smax.u32 s0, $0x1;
	s18 =	sshrl.u32 s6, $0x3  }
0xb: {  	s7 =	sshll.u32 s6, $0x4;
	[dreg:$0xf] =	wrdreg s0;
	s3 =	sadd.s32 s4, s18  }
0xc: {  	s14 =	simm.s32 $0x7;
	s8 =	sadd.s32 s2, s7;
	[dreg:$0x6] =	wrdreg s3  }
0xd: {  	s15 =	simm.s32 $0x1C;
	s19 =	sadd.s32 $0x400, s8;
	[dreg:$0x5] =	wrdreg s8  }
0xe: {  	s16 =	simm.s32 $0xE;
	s20 =	sadd.s32 $0x800, s8;
	[dreg:$0x7] =	wrdreg s19  }
0xf: {  	s9 =	simm.s32 $0x0;
	s21 =	sadd.s32 $0xC00, s8;
	[dreg:$0x8] =	wrdreg s20  }
0x10: {  	s12 =	sadd.s32 s11, s7;
	s23 =	sadd.s32 $0x1000, s8;
	[dreg:$0x9] =	wrdreg s21  }
0x11: {  	s22 =	sshll.u32 s6, $0x7;
	s24 =	sadd.s32 $0x400, s12;
	[dreg:$0xa] =	wrdreg s23  }
0x12: {  	s17 =	simm.s32 $0x13;
	s3 =	sadd.s32 $0x4000, s22;
	[dreg:$0xb] =	wrdreg s24  }
.Ltmp0:
0x13: {  	s25 =	sadd.s32 $0xC00, s12;
	[dreg:$0xc] =	wrdreg s3;
	(pc) =	sbr.rel .LBB2_1-.Ltmp0, $4  }
0x14: {  	s0 =	simm.s32 $0xA;
	s26 =	sadd.s32 $0x1000, s12;
	[dreg:$0xd] =	wrdreg s25  }
0x15: {  	s18 =	simm.s32 $0x5;
	s4 =	simm.s32 $0xD;
	[dreg:$0xe] =	wrdreg s26  }
0x16: {  	s20 =	simm.s32 $0x20;
	s26 =	simm.s32 $0x17880;
	s25 =	simm.s32 $0x19880  }
0x17: {  	s3 =	simm.s32 $0x19;
	s23 =	simm.s32 $0x1A;
	s21 =	simm.s32 $0x6  }
.LBB2_18:
0x18: {  	s7 =	simm.s32 $0xF  }
0x19: {  	_ =	swait.ge [sflag:s7], $0x2000  }
0x1a: {  	[sflag:s7] =	ssyncset.done $0x0  }
0x1b: {  	s9 =	simm.s32 $0x10;
	[sflag:s7] =	ssyncadd.s32 $0xFFFFE000  }
0x1c: {  	_ =	swait.ge [sflag:s9], $0x2000  }
0x1d: {  	[sflag:s9] =	ssyncset.done $0x0  }
0x1e: {  	s10 =	simm.s32 $0x11;
	[sflag:s9] =	ssyncadd.s32 $0xFFFFE000  }
0x1f: {  	_ =	swait.ge [sflag:s10], $0x2000  }
0x20: {  	[sflag:s10] =	ssyncset.done $0x0  }
0x21: {  	s19 =	simm.s32 $0x12;
	[sflag:s10] =	ssyncadd.s32 $0xFFFFE000  }
0x22: {  	_ =	swait.ge [sflag:s19], $0x2000  }
0x23: {  	[sflag:s19] =	ssyncset.done $0x0  }
0x24: {  	[sflag:s19] =	ssyncadd.s32 $0xFFFFE000  }
0x25: {  	_ =	swait.ge [sflag:s17], $0x2000  }
0x26: {  	[sflag:s17] =	ssyncset.done $0x0  }
0x27: {  	s22 =	simm.s32 $0x14;
	[sflag:s17] =	ssyncadd.s32 $0xFFFFE000  }
0x28: {  	_ =	swait.ge [sflag:s22], $0x2000  }
0x29: {  	[sflag:s22] =	ssyncset.done $0x0  }
0x2a: {  	s8 =	simm.s32 $0x15;
	[sflag:s22] =	ssyncadd.s32 $0xFFFFE000  }
0x2b: {  	_ =	swait.ge [sflag:s8], $0x2000  }
0x2c: {  	s9 =	rddreg [dreg:$0x10]  }
0x2d: {  	s24 =	rddreg [dreg:$0xf];
	s9 =	sadd.s32 $0x1, s9  }
0x2e: {  	p0 =	sne.s32 s9, s24  }
.Ltmp1:
0x2f: {  	_ = 	snop;
	(pc) =	sbr.rel @!p0 .LBB2_19-.Ltmp1, $3  }
0x30: {  	_ =	sdelay $0x1  }
0x31: {  	[sflag:s8] =	ssyncset.done $0x0  }
0x32: {  	[sflag:s8] =	ssyncadd.s32 $0xFFFFE000  }
.LBB2_1:
0x33: {  	[dreg:$0x10] =	wrdreg s9  }
0x34: {  	s7 =	rddreg [dreg:$0x6];
	s10 =	simm.s32 $0x1D  }
0x35: {  	[tilespmem:s5], [sflag:$0x1D] =	stream.linear.gather [hbm4b:s7+s5], $0x1880, $0x38;
	[tilespmem:$0x1D880] =	vst v63  }
0x36: {  	_ =	swait.ge [sflag:s10], $0x1880  }
0x37: {  	[sflag:s10] =	ssyncset.done $0x0  }
0x38: {  	s19 =	simm.s32 $0x1880;
	[sflag:s10] =	ssyncadd.s32 $0xFFFFE780  }
0x39: {  	[tilespmem:s19], [sflag:$0x1] =	stream.indirect.gather [hbm4b:s1+s20], $0x80, s5, s20, $0xb8;
	[tilespmem:$0x1D880] =	vst v63  }
0x3a: {  	s22 =	simm.s32 $0x2880  }
0x3b: {  	[tilespmem:s22], [sflag:$0x16] =	stream.indirect.gather [hbm4b:s1+s20], $0x80, s20, s20, $0xb8;
	[tilespmem:$0x1D880] =	vst v63  }
0x3c: {  	s8 =	simm.s32 $0xF880;
	s24 =	rddreg [dreg:$0x5]  }
0x3d: {  	[tilespmem:s8], [sflag:$0x8] =	stream.linear.gather [hbm4b:s24+s5], $0x2000, $0x38;
	[tilespmem:$0x1D880] =	vst v63  }
0x3e: {  	s9 =	simm.s32 $0x3880;
	s8 =	simm.s32 $0x40  }
0x3f: {  	[tilespmem:s9], [sflag:$0x2] =	stream.indirect.gather [hbm4b:s1+s20], $0x80, s8, s20, $0xb8;
	[tilespmem:$0x1D880] =	vst v63  }
0x40: {  	s10 =	simm.s32 $0x60;
	s19 =	simm.s32 $0x4880  }
0x41: {  	[tilespmem:s19], [sflag:$0x17] =	stream.indirect.gather [hbm4b:s1+s20], $0x80, s10, s20, $0xb8;
	[tilespmem:$0x1D880] =	vst v63  }
0x42: {  	s22 =	rddreg [dreg:$0x7];
	s24 =	simm.s32 $0x11880  }
0x43: {  	[tilespmem:s24], [sflag:$0x9] =	stream.linear.gather [hbm4b:s22+s5], $0x2000, $0x38;
	[tilespmem:$0x1D880] =	vst v63  }
0x44: {  	s8 =	simm.s32 $0x80;
	s9 =	simm.s32 $0x5880  }
0x45: {  	[tilespmem:s9], [sflag:$0x3] =	stream.indirect.gather [hbm4b:s1+s20], $0x80, s8, s20, $0xb8;
	[tilespmem:$0x1D880] =	vst v63  }
0x46: {  	s10 =	simm.s32 $0xA0;
	s19 =	simm.s32 $0x6880  }
0x47: {  	[tilespmem:s19], [sflag:$0x18] =	stream.indirect.gather [hbm4b:s1+s20], $0x80, s10, s20, $0xb8;
	[tilespmem:$0x1D880] =	vst v63  }
0x48: {  	s22 =	rddreg [dreg:$0x8];
	s24 =	simm.s32 $0x13880  }
0x49: {  	[tilespmem:s24], [sflag:$0xA] =	stream.linear.gather [hbm4b:s22+s5], $0x2000, $0x38;
	[tilespmem:$0x1D880] =	vst v63  }
0x4a: {  	s8 =	simm.s32 $0xC0;
	s9 =	simm.s32 $0x7880  }
0x4b: {  	[tilespmem:s9], [sflag:$0x4] =	stream.indirect.gather [hbm4b:s1+s20], $0x80, s8, s20, $0xb8;
	[tilespmem:$0x1D880] =	vst v63  }
0x4c: {  	s10 =	simm.s32 $0xE0;
	s19 =	simm.s32 $0x8880  }
0x4d: {  	[tilespmem:s19], [sflag:$0x19] =	stream.indirect.gather [hbm4b:s1+s20], $0x80, s10, s20, $0xb8;
	[tilespmem:$0x1D880] =	vst v63  }
0x4e: {  	s22 =	rddreg [dreg:$0x9];
	s24 =	simm.s32 $0x15880  }
0x4f: {  	[tilespmem:s24], [sflag:$0xB] =	stream.linear.gather [hbm4b:s22+s5], $0x2000, $0x38;
	[tilespmem:$0x1D880] =	vst v63  }
0x50: {  	s9 =	simm.s32 $0x100;
	s10 =	simm.s32 $0x9880  }
0x51: {  	[tilespmem:s10], [sflag:$0x5] =	stream.indirect.gather [hbm4b:s1+s20], $0x80, s9, s20, $0xb8;
	[tilespmem:$0x1D880] =	vst v63  }
0x52: {  	s19 =	simm.s32 $0x120;
	s22 =	simm.s32 $0xA880  }
0x53: {  	[tilespmem:s22], [sflag:$0x1A] =	stream.indirect.gather [hbm4b:s1+s20], $0x80, s19, s20, $0xb8;
	[tilespmem:$0x1D880] =	vst v63  }
0x54: {  	s24 =	rddreg [dreg:$0xa];
	s22 =	simm.s32 $0x0  }
0x55: {  	[tilespmem:s26], [sflag:$0xC] =	stream.linear.gather [hbm4b:s24+s5], $0x2000, $0x38;
	[tilespmem:$0x1D880] =	vst v63  }
.LBB2_2:
0x56: {  	s7 =	simm.s32 $0x1  }
0x57: {  	_ =	swait.ge [sflag:s7], $0x1000  }
0x58: {  	[sflag:s7] =	ssyncset.done $0x0  }
0x59: {  	s24 =	simm.s32 $0x16;
	[sflag:s7] =	ssyncadd.s32 $0xFFFFF000  }
0x5a: {  	_ =	swait.ge [sflag:s24], $0x1000  }
0x5b: {  	[sflag:s24] =	ssyncset.done $0x0  }
0x5c: {  	s26 =	simm.s32 $0x8;
	[sflag:s24] =	ssyncadd.s32 $0xFFFFF000  }
0x5d: {  	_ =	swait.ge [sflag:s26], $0x2000  }
0x5e: {  	[sflag:s26] =	ssyncset.done $0x0  }
0x5f: {  	s7 =	simm.s32 $0x0;
	[sflag:s26] =	ssyncadd.s32 $0xFFFFE000  }
0x60: {  	v0 =	vld [tilespmem:s7+$0x1970]  }
0x61: {  	v1 =	vld [tilespmem:s7+$0x1880]  }
0x62: {  	v2 =	vld [tilespmem:s7+$0x1890]  }
0x63: {  	v3 =	vld [tilespmem:s7+$0x18A0]  }
0x64: {  	v4 =	vld [tilespmem:s7+$0x18B0]  }
0x65: {  	v5 =	vld [tilespmem:s7+$0x18C0]  }
0x66: {  	v6 =	vld [tilespmem:s7+$0x18D0]  }
0x67: {  	v7 =	vld [tilespmem:s7+$0x18E0]  }
0x68: {  	v8 =	vld [tilespmem:s7+$0x18F0]  }
0x69: {  	v9 =	vld [tilespmem:s7+$0x1900]  }
0x6a: {  	v10 =	vld [tilespmem:s7+$0x1910]  }
0x6b: {  	v11 =	vld [tilespmem:s7+$0x1920]  }
0x6c: {  	v12 =	vld [tilespmem:s7+$0x1930]  }
0x6d: {  	v13 =	vld [tilespmem:s7+$0x1940]  }
0x6e: {  	v14 =	vld [tilespmem:s7+$0x1950]  }
0x6f: {  	[tilespmem:s7+$0xF970] =	vst.add.f32.msk $0xffff, v0  }
0x70: {  	v0 =	vld [tilespmem:s7+$0x1960]  }
0x71: {  	[tilespmem:s7+$0xF880] =	vst.add.f32.msk $0xffff, v1  }
0x72: {  	[tilespmem:s7+$0xF890] =	vst.add.f32.msk $0xffff, v2  }
0x73: {  	[tilespmem:s7+$0xF8A0] =	vst.add.f32.msk $0xffff, v3  }
0x74: {  	[tilespmem:s7+$0xF8B0] =	vst.add.f32.msk $0xffff, v4  }
0x75: {  	[tilespmem:s7+$0xF8C0] =	vst.add.f32.msk $0xffff, v5  }
0x76: {  	[tilespmem:s7+$0xF8D0] =	vst.add.f32.msk $0xffff, v6  }
0x77: {  	[tilespmem:s7+$0xF8E0] =	vst.add.f32.msk $0xffff, v7  }
0x78: {  	[tilespmem:s7+$0xF8F0] =	vst.add.f32.msk $0xffff, v8  }
0x79: {  	[tilespmem:s7+$0xF900] =	vst.add.f32.msk $0xffff, v9  }
0x7a: {  	[tilespmem:s7+$0xF910] =	vst.add.f32.msk $0xffff, v10  }
0x7b: {  	[tilespmem:s7+$0xF920] =	vst.add.f32.msk $0xffff, v11  }
0x7c: {  	[tilespmem:s7+$0xF930] =	vst.add.f32.msk $0xffff, v12  }
0x7d: {  	[tilespmem:s7+$0xF940] =	vst.add.f32.msk $0xffff, v13  }
0x7e: {  	s8 =	simm.s32 $0x0;
	s9 =	simm.s32 $0x400;
	[tilespmem:s7+$0xF950] =	vst.add.f32.msk $0xffff, v14  }
.LBB2_3:
0x7f: {  	s8 =	sadd.s32 $0x2, s8;
	[tilespmem:s7+$0xF960] =	vst.add.f32.msk $0xffff, v0;
	s7 =	sshra.s32 s9, $0x2  }
0x80: {  	v0 =	vld [tilespmem:s7+$0x1970];
	p0 =	slt.u32 s8, $0x3E  }
0x81: {  	v1 =	vld [tilespmem:s7+$0x1880]  }
0x82: {  	v2 =	vld [tilespmem:s7+$0x1890]  }
0x83: {  	v3 =	vld [tilespmem:s7+$0x18A0]  }
0x84: {  	v4 =	vld [tilespmem:s7+$0x18B0]  }
0x85: {  	[tilespmem:s7+$0xF970] =	vst.add.f32.msk $0xffff, v0  }
0x86: {  	v5 =	vld [tilespmem:s7+$0x18C0]  }
0x87: {  	v6 =	vld [tilespmem:s7+$0x18D0]  }
0x88: {  	v7 =	vld [tilespmem:s7+$0x18E0]  }
0x89: {  	v8 =	vld [tilespmem:s7+$0x18F0]  }
0x8a: {  	v9 =	vld [tilespmem:s7+$0x1900]  }
0x8b: {  	v10 =	vld [tilespmem:s7+$0x1910]  }
0x8c: {  	v11 =	vld [tilespmem:s7+$0x1920]  }
0x8d: {  	v12 =	vld [tilespmem:s7+$0x1930]  }
0x8e: {  	v13 =	vld [tilespmem:s7+$0x1940]  }
0x8f: {  	v14 =	vld [tilespmem:s7+$0x1950]  }
0x90: {  	v0 =	vld [tilespmem:s7+$0x1960]  }
0x91: {  	[tilespmem:s7+$0xF880] =	vst.add.f32.msk $0xffff, v1  }
0x92: {  	[tilespmem:s7+$0xF890] =	vst.add.f32.msk $0xffff, v2  }
0x93: {  	[tilespmem:s7+$0xF8A0] =	vst.add.f32.msk $0xffff, v3  }
0x94: {  	[tilespmem:s7+$0xF8B0] =	vst.add.f32.msk $0xffff, v4  }
0x95: {  	[tilespmem:s7+$0xF8C0] =	vst.add.f32.msk $0xffff, v5  }
0x96: {  	[tilespmem:s7+$0xF8D0] =	vst.add.f32.msk $0xffff, v6  }
0x97: {  	[tilespmem:s7+$0xF8E0] =	vst.add.f32.msk $0xffff, v7  }
0x98: {  	[tilespmem:s7+$0xF8F0] =	vst.add.f32.msk $0xffff, v8  }
0x99: {  	[tilespmem:s7+$0xF900] =	vst.add.f32.msk $0xffff, v9  }
.Ltmp2:
0x9a: {  	[tilespmem:s7+$0xF910] =	vst.add.f32.msk $0xffff, v10;
	(pc) =	sbr.rel @p0 .LBB2_3-.Ltmp2, $4  }
0x9b: {  	[tilespmem:s7+$0xF920] =	vst.add.f32.msk $0xffff, v11  }
0x9c: {  	[tilespmem:s7+$0xF930] =	vst.add.f32.msk $0xffff, v12  }
0x9d: {  	[tilespmem:s7+$0xF940] =	vst.add.f32.msk $0xffff, v13  }
0x9e: {  	s9 =	sadd.s32 $0x400, s9;
	[tilespmem:s7+$0xF950] =	vst.add.f32.msk $0xffff, v14  }
0x9f: {  	s8 =	smul.u32 $0x1C0, s22;
	_ =	sdelay $0x1  }
0xa0: {  	s9 =	sadd.s32 s6, s8  }
0xa1: {  	s24 =	simm.s32 $0xF880;
	p0 =	seq.s32 s22, $0x0;
	s9 =	sshll.u32 s9, $0x4  }
0xa2: {  	[tilespmem:s7+$0xF960] =	vst.add.f32.msk $0xffff, v0;
	s7 =	smul.u32 $0x7, s22;
	s19 =	sadd.s32 s11, s9;
	s9 =	simm.s32 @!p0 $0x14  }
0xa3: {  	[hbm4b:s19+s5] =	stream.linear.scatter [tilespmem:s24], [sflag:$0xF], $0x2000, $0x38;
	[tilespmem:$0x1D880] =	vst v63  }
0xa4: {  	_ =	swait.ge @!p0 [sflag:s9], $0x2000  }
0xa5: {  	s24 =	sadd.s32 $0x5, s7;
	[sflag:s9] =	ssyncset.done @!p0 $0x0  }
0xa6: {  	s10 =	simm.s32 $0xB880;
	[sflag:s9] =	ssyncadd.s32 @!p0 $0xFFFFE000;
	s9 =	sshll.u32 s24, $0x6  }
0xa7: {  	[tilespmem:s10], [sflag:$0x6] =	stream.indirect.gather [hbm4b:s1+s20], $0x80, s9, s20, $0xb8;
	[tilespmem:$0x1D880] =	vst v63  }
0xa8: {  	s26 =	sor.u32 $0x20, s9;
	s9 =	sadd.s32 s6, s9  }
0xa9: {  	s19 =	simm.s32 $0xC880;
	s9 =	sshll.u32 s9, $0x4  }
0xaa: {  	[tilespmem:s19], [sflag:$0x1B] =	stream.indirect.gather [hbm4b:s1+s20], $0x80, s26, s20, $0xb8;
	[tilespmem:$0x1D880] =	vst v63  }
0xab: {  	s9 =	sadd.s32 s2, s9;
	s26 =	simm.s32 $0x0;
	s19 =	simm.s32 $0x2  }
0xac: {  	[tilespmem:s25], [sflag:$0xD] =	stream.linear.gather [hbm4b:s9+s26], $0x2000, $0x38;
	[tilespmem:$0x1D880] =	vst v63  }
0xad: {  	_ =	swait.ge [sflag:s19], $0x1000  }
0xae: {  	[sflag:s19] =	ssyncset.done $0x0  }
0xaf: {  	s25 =	simm.s32 $0x17;
	[sflag:s19] =	ssyncadd.s32 $0xFFFFF000  }
0xb0: {  	_ =	swait.ge [sflag:s25], $0x1000  }
0xb1: {  	[sflag:s25] =	ssyncset.done $0x0  }
0xb2: {  	s26 =	simm.s32 $0x9;
	[sflag:s25] =	ssyncadd.s32 $0xFFFFF000  }
0xb3: {  	_ =	swait.ge [sflag:s26], $0x2000  }
0xb4: {  	[sflag:s26] =	ssyncset.done $0x0  }
0xb5: {  	[sflag:s26] =	ssyncadd.s32 $0xFFFFE000;
	s26 =	simm.s32 $0x0  }
0xb6: {  	v0 =	vld [tilespmem:s26+$0x3970]  }
0xb7: {  	v1 =	vld [tilespmem:s26+$0x3880]  }
0xb8: {  	v2 =	vld [tilespmem:s26+$0x3890]  }
0xb9: {  	v3 =	vld [tilespmem:s26+$0x38A0]  }
0xba: {  	v4 =	vld [tilespmem:s26+$0x38B0]  }
0xbb: {  	v5 =	vld [tilespmem:s26+$0x38C0]  }
0xbc: {  	v6 =	vld [tilespmem:s26+$0x38D0]  }
0xbd: {  	v7 =	vld [tilespmem:s26+$0x38E0]  }
0xbe: {  	v8 =	vld [tilespmem:s26+$0x38F0]  }
0xbf: {  	v9 =	vld [tilespmem:s26+$0x3900]  }
0xc0: {  	v10 =	vld [tilespmem:s26+$0x3910]  }
0xc1: {  	v11 =	vld [tilespmem:s26+$0x3920]  }
0xc2: {  	v12 =	vld [tilespmem:s26+$0x3930]  }
0xc3: {  	v13 =	vld [tilespmem:s26+$0x3940]  }
0xc4: {  	v14 =	vld [tilespmem:s26+$0x3950]  }
0xc5: {  	[tilespmem:s26+$0x11970] =	vst.add.f32.msk $0xffff, v0  }
0xc6: {  	v0 =	vld [tilespmem:s26+$0x3960]  }
0xc7: {  	[tilespmem:s26+$0x11880] =	vst.add.f32.msk $0xffff, v1  }
0xc8: {  	[tilespmem:s26+$0x11890] =	vst.add.f32.msk $0xffff, v2  }
0xc9: {  	[tilespmem:s26+$0x118A0] =	vst.add.f32.msk $0xffff, v3  }
0xca: {  	[tilespmem:s26+$0x118B0] =	vst.add.f32.msk $0xffff, v4  }
0xcb: {  	[tilespmem:s26+$0x118C0] =	vst.add.f32.msk $0xffff, v5  }
0xcc: {  	[tilespmem:s26+$0x118D0] =	vst.add.f32.msk $0xffff, v6  }
0xcd: {  	[tilespmem:s26+$0x118E0] =	vst.add.f32.msk $0xffff, v7  }
0xce: {  	[tilespmem:s26+$0x118F0] =	vst.add.f32.msk $0xffff, v8  }
0xcf: {  	[tilespmem:s26+$0x11900] =	vst.add.f32.msk $0xffff, v9  }
0xd0: {  	[tilespmem:s26+$0x11910] =	vst.add.f32.msk $0xffff, v10  }
0xd1: {  	[tilespmem:s26+$0x11920] =	vst.add.f32.msk $0xffff, v11  }
0xd2: {  	[tilespmem:s26+$0x11930] =	vst.add.f32.msk $0xffff, v12  }
0xd3: {  	[tilespmem:s26+$0x11940] =	vst.add.f32.msk $0xffff, v13  }
0xd4: {  	s9 =	simm.s32 $0x400;
	s25 =	simm.s32 $0x0;
	[tilespmem:s26+$0x11950] =	vst.add.f32.msk $0xffff, v14  }
.LBB2_5:
0xd5: {  	s25 =	sadd.s32 $0x2, s25;
	[tilespmem:s26+$0x11960] =	vst.add.f32.msk $0xffff, v0;
	s26 =	sshra.s32 s9, $0x2  }
0xd6: {  	v0 =	vld [tilespmem:s26+$0x3970];
	p1 =	slt.u32 s25, $0x3E  }
0xd7: {  	v1 =	vld [tilespmem:s26+$0x3880]  }
0xd8: {  	v2 =	vld [tilespmem:s26+$0x3890]  }
0xd9: {  	v3 =	vld [tilespmem:s26+$0x38A0]  }
0xda: {  	v4 =	vld [tilespmem:s26+$0x38B0]  }
0xdb: {  	[tilespmem:s26+$0x11970] =	vst.add.f32.msk $0xffff, v0  }
0xdc: {  	v5 =	vld [tilespmem:s26+$0x38C0]  }
0xdd: {  	v6 =	vld [tilespmem:s26+$0x38D0]  }
0xde: {  	v7 =	vld [tilespmem:s26+$0x38E0]  }
0xdf: {  	v8 =	vld [tilespmem:s26+$0x38F0]  }
0xe0: {  	v9 =	vld [tilespmem:s26+$0x3900]  }
0xe1: {  	v10 =	vld [tilespmem:s26+$0x3910]  }
0xe2: {  	v11 =	vld [tilespmem:s26+$0x3920]  }
0xe3: {  	v12 =	vld [tilespmem:s26+$0x3930]  }
0xe4: {  	v13 =	vld [tilespmem:s26+$0x3940]  }
0xe5: {  	v14 =	vld [tilespmem:s26+$0x3950]  }
0xe6: {  	v0 =	vld [tilespmem:s26+$0x3960]  }
0xe7: {  	[tilespmem:s26+$0x11880] =	vst.add.f32.msk $0xffff, v1  }
0xe8: {  	[tilespmem:s26+$0x11890] =	vst.add.f32.msk $0xffff, v2  }
0xe9: {  	[tilespmem:s26+$0x118A0] =	vst.add.f32.msk $0xffff, v3  }
0xea: {  	[tilespmem:s26+$0x118B0] =	vst.add.f32.msk $0xffff, v4  }
0xeb: {  	[tilespmem:s26+$0x118C0] =	vst.add.f32.msk $0xffff, v5  }
0xec: {  	[tilespmem:s26+$0x118D0] =	vst.add.f32.msk $0xffff, v6  }
0xed: {  	[tilespmem:s26+$0x118E0] =	vst.add.f32.msk $0xffff, v7  }
0xee: {  	[tilespmem:s26+$0x118F0] =	vst.add.f32.msk $0xffff, v8  }
0xef: {  	[tilespmem:s26+$0x11900] =	vst.add.f32.msk $0xffff, v9  }
.Ltmp3:
0xf0: {  	[tilespmem:s26+$0x11910] =	vst.add.f32.msk $0xffff, v10;
	(pc) =	sbr.rel @p1 .LBB2_5-.Ltmp3, $4  }
0xf1: {  	[tilespmem:s26+$0x11920] =	vst.add.f32.msk $0xffff, v11  }
0xf2: {  	[tilespmem:s26+$0x11930] =	vst.add.f32.msk $0xffff, v12  }
0xf3: {  	[tilespmem:s26+$0x11940] =	vst.add.f32.msk $0xffff, v13  }
0xf4: {  	s9 =	sadd.s32 $0x400, s9;
	[tilespmem:s26+$0x11950] =	vst.add.f32.msk $0xffff, v14  }
0xf5: {  	s25 =	smul.u32 $0x1C00, s22;
	[tilespmem:s26+$0x11960] =	vst.add.f32.msk $0xffff, v0  }
0xf6: {  	s9 =	rddreg [dreg:$0xb]  }
0xf7: {  	s10 =	simm.s32 $0x11880;
	s9 =	sadd.s32 s25, s9  }
0xf8: {  	[hbm4b:s9+s5] =	stream.linear.scatter [tilespmem:s10], [sflag:$0x10], $0x2000, $0x38;
	[tilespmem:$0x1D880] =	vst v63  }
0xf9: {  	s9 =	simm.s32 @!p0 $0x15  }
0xfa: {  	_ =	swait.ge @!p0 [sflag:s9], $0x2000  }
0xfb: {  	s7 =	sadd.s32 $0x6, s7;
	[sflag:s9] =	ssyncset.done @!p0 $0x0  }
0xfc: {  	s19 =	simm.s32 $0xD880;
	[sflag:s9] =	ssyncadd.s32 @!p0 $0xFFFFE000;
	s9 =	sshll.u32 s7, $0x6  }
0xfd: {  	[tilespmem:s19], [sflag:$0x7] =	stream.indirect.gather [hbm4b:s1+s20], $0x80, s9, s20, $0xb8;
	[tilespmem:$0x1D880] =	vst v63  }
0xfe: {  	s26 =	sor.u32 $0x20, s9;
	s9 =	sadd.s32 s6, s9  }
0xff: {  	s19 =	simm.s32 $0xE880;
	s9 =	sshll.u32 s9, $0x4  }
0x100: {  	[tilespmem:s19], [sflag:$0x1C] =	stream.indirect.gather [hbm4b:s1+s20], $0x80, s26, s20, $0xb8;
	[tilespmem:$0x1D880] =	vst v63  }
0x101: {  	s9 =	sadd.s32 s2, s9;
	s19 =	simm.s32 $0x0;
	s26 =	simm.s32 $0x1B880  }
0x102: {  	[tilespmem:s26], [sflag:$0xE] =	stream.linear.gather [hbm4b:s9+s19], $0x2000, $0x38;
	[tilespmem:$0x1D880] =	vst v63  }
0x103: {  	s26 =	simm.s32 $0x3  }
0x104: {  	_ =	swait.ge [sflag:s26], $0x1000  }
0x105: {  	[sflag:s26] =	ssyncset.done $0x0  }
0x106: {  	[sflag:s26] =	ssyncadd.s32 $0xFFFFF000  }
0x107: {  	_ =	swait.ge [sflag:s31], $0x1000  }
0x108: {  	[sflag:s31] =	ssyncset.done $0x0  }
0x109: {  	[sflag:s31] =	ssyncadd.s32 $0xFFFFF000  }
0x10a: {  	_ =	swait.ge [sflag:s0], $0x2000  }
0x10b: {  	[sflag:s0] =	ssyncset.done $0x0  }
0x10c: {  	s26 =	simm.s32 $0x0;
	[sflag:s0] =	ssyncadd.s32 $0xFFFFE000  }
0x10d: {  	v0 =	vld [tilespmem:s26+$0x5970]  }
0x10e: {  	v1 =	vld [tilespmem:s26+$0x5880]  }
0x10f: {  	v2 =	vld [tilespmem:s26+$0x5890]  }
0x110: {  	v3 =	vld [tilespmem:s26+$0x58A0]  }
0x111: {  	v4 =	vld [tilespmem:s26+$0x58B0]  }
0x112: {  	v5 =	vld [tilespmem:s26+$0x58C0]  }
0x113: {  	v6 =	vld [tilespmem:s26+$0x58D0]  }
0x114: {  	v7 =	vld [tilespmem:s26+$0x58E0]  }
0x115: {  	v8 =	vld [tilespmem:s26+$0x58F0]  }
0x116: {  	v9 =	vld [tilespmem:s26+$0x5900]  }
0x117: {  	v10 =	vld [tilespmem:s26+$0x5910]  }
0x118: {  	v11 =	vld [tilespmem:s26+$0x5920]  }
0x119: {  	v12 =	vld [tilespmem:s26+$0x5930]  }
0x11a: {  	v13 =	vld [tilespmem:s26+$0x5940]  }
0x11b: {  	v14 =	vld [tilespmem:s26+$0x5950]  }
0x11c: {  	[tilespmem:s26+$0x13970] =	vst.add.f32.msk $0xffff, v0  }
0x11d: {  	v0 =	vld [tilespmem:s26+$0x5960]  }
0x11e: {  	[tilespmem:s26+$0x13880] =	vst.add.f32.msk $0xffff, v1  }
0x11f: {  	[tilespmem:s26+$0x13890] =	vst.add.f32.msk $0xffff, v2  }
0x120: {  	[tilespmem:s26+$0x138A0] =	vst.add.f32.msk $0xffff, v3  }
0x121: {  	[tilespmem:s26+$0x138B0] =	vst.add.f32.msk $0xffff, v4  }
0x122: {  	[tilespmem:s26+$0x138C0] =	vst.add.f32.msk $0xffff, v5  }
0x123: {  	[tilespmem:s26+$0x138D0] =	vst.add.f32.msk $0xffff, v6  }
0x124: {  	[tilespmem:s26+$0x138E0] =	vst.add.f32.msk $0xffff, v7  }
0x125: {  	[tilespmem:s26+$0x138F0] =	vst.add.f32.msk $0xffff, v8  }
0x126: {  	[tilespmem:s26+$0x13900] =	vst.add.f32.msk $0xffff, v9  }
0x127: {  	[tilespmem:s26+$0x13910] =	vst.add.f32.msk $0xffff, v10  }
0x128: {  	[tilespmem:s26+$0x13920] =	vst.add.f32.msk $0xffff, v11  }
0x129: {  	[tilespmem:s26+$0x13930] =	vst.add.f32.msk $0xffff, v12  }
0x12a: {  	[tilespmem:s26+$0x13940] =	vst.add.f32.msk $0xffff, v13  }
0x12b: {  	s10 =	simm.s32 $0x400;
	s9 =	simm.s32 $0x0;
	[tilespmem:s26+$0x13950] =	vst.add.f32.msk $0xffff, v14  }
.LBB2_7:
0x12c: {  	s9 =	sadd.s32 $0x2, s9;
	[tilespmem:s26+$0x13960] =	vst.add.f32.msk $0xffff, v0;
	s26 =	sshra.s32 s10, $0x2  }
0x12d: {  	v0 =	vld [tilespmem:s26+$0x5970];
	p0 =	slt.u32 s9, $0x3E  }
0x12e: {  	v1 =	vld [tilespmem:s26+$0x5880]  }
0x12f: {  	v2 =	vld [tilespmem:s26+$0x5890]  }
0x130: {  	v3 =	vld [tilespmem:s26+$0x58A0]  }
0x131: {  	v4 =	vld [tilespmem:s26+$0x58B0]  }
0x132: {  	[tilespmem:s26+$0x13970] =	vst.add.f32.msk $0xffff, v0  }
0x133: {  	v5 =	vld [tilespmem:s26+$0x58C0]  }
0x134: {  	v6 =	vld [tilespmem:s26+$0x58D0]  }
0x135: {  	v7 =	vld [tilespmem:s26+$0x58E0]  }
0x136: {  	v8 =	vld [tilespmem:s26+$0x58F0]  }
0x137: {  	v9 =	vld [tilespmem:s26+$0x5900]  }
0x138: {  	v10 =	vld [tilespmem:s26+$0x5910]  }
0x139: {  	v11 =	vld [tilespmem:s26+$0x5920]  }
0x13a: {  	v12 =	vld [tilespmem:s26+$0x5930]  }
0x13b: {  	v13 =	vld [tilespmem:s26+$0x5940]  }
0x13c: {  	v14 =	vld [tilespmem:s26+$0x5950]  }
0x13d: {  	v0 =	vld [tilespmem:s26+$0x5960]  }
0x13e: {  	[tilespmem:s26+$0x13880] =	vst.add.f32.msk $0xffff, v1  }
0x13f: {  	[tilespmem:s26+$0x13890] =	vst.add.f32.msk $0xffff, v2  }
0x140: {  	[tilespmem:s26+$0x138A0] =	vst.add.f32.msk $0xffff, v3  }
0x141: {  	[tilespmem:s26+$0x138B0] =	vst.add.f32.msk $0xffff, v4  }
0x142: {  	[tilespmem:s26+$0x138C0] =	vst.add.f32.msk $0xffff, v5  }
0x143: {  	[tilespmem:s26+$0x138D0] =	vst.add.f32.msk $0xffff, v6  }
0x144: {  	[tilespmem:s26+$0x138E0] =	vst.add.f32.msk $0xffff, v7  }
0x145: {  	[tilespmem:s26+$0x138F0] =	vst.add.f32.msk $0xffff, v8  }
0x146: {  	[tilespmem:s26+$0x13900] =	vst.add.f32.msk $0xffff, v9  }
.Ltmp4:
0x147: {  	[tilespmem:s26+$0x13910] =	vst.add.f32.msk $0xffff, v10;
	(pc) =	sbr.rel @p0 .LBB2_7-.Ltmp4, $4  }
0x148: {  	[tilespmem:s26+$0x13920] =	vst.add.f32.msk $0xffff, v11  }
0x149: {  	[tilespmem:s26+$0x13930] =	vst.add.f32.msk $0xffff, v12  }
0x14a: {  	[tilespmem:s26+$0x13940] =	vst.add.f32.msk $0xffff, v13  }
0x14b: {  	s10 =	sadd.s32 $0x400, s10;
	[tilespmem:s26+$0x13950] =	vst.add.f32.msk $0xffff, v14  }
0x14c: {  	s9 =	smul.u32 $0xE000, s22  }
0x14d: {  	s10 =	rddreg [dreg:$0xc]  }
0x14e: {  	s9 =	sadd.s32 s9, s10  }
0x14f: {  	s9 =	sshrl.u32 s9, $0x3  }
0x150: {  	[tilespmem:s26+$0x13960] =	vst.add.f32.msk $0xffff, v0;
	s26 =	simm.s32 $0x13880;
	p0 =	seq.s32 s22, $0xD;
	s9 =	sadd.s32 s11, s9  }
0x151: {  	[hbm4b:s9+s5] =	stream.linear.scatter [tilespmem:s26], [sflag:$0x11], $0x2000, $0x38;
	[tilespmem:$0x1D880] =	vst v63  }
0x152: {  	s9 =	simm.s32 @!p0 $0xF  }
0x153: {  	_ =	swait.ge @!p0 [sflag:s9], $0x2000  }
0x154: {  	s10 =	simm.s32 @!p0 $0x20;
	[sflag:s9] =	ssyncset.done @!p0 $0x0  }
0x155: {  	s26 =	simm.s32 @!p0 $0x1880;
	[sflag:s9] =	ssyncadd.s32 @!p0 $0xFFFFE000;
	s9 =	sadd.s32 @!p0 $0x1C0, s8  }
0x156: {  	[tilespmem:s26], [sflag:$0x1] =	stream.indirect.gather @!p0 [hbm4b:s1+s10], $0x80, s9, s10, $0xb8;
	[tilespmem:$0x1D880] =	vst v63  }
0x157: {  	s19 =	smov.u32 s11;
	s9 =	sadd.s32 @!p0 s6, s9  }
0x158: {  	s11 =	simm.s32 @!p0 $0x2880;
	s26 =	sadd.s32 @!p0 $0x1E0, s8;
	s9 =	sshll.u32 @!p0 s9, $0x4  }
0x159: {  	[tilespmem:s11], [sflag:$0x16] =	stream.indirect.gather @!p0 [hbm4b:s1+s10], $0x80, s26, s10, $0xb8;
	[tilespmem:$0x1D880] =	vst v63  }
0x15a: {  	s9 =	sadd.s32 @!p0 s2, s9;
	s10 =	simm.s32 @!p0 $0x0;
	s11 =	simm.s32 @!p0 $0xF880  }
0x15b: {  	[tilespmem:s11], [sflag:$0x8] =	stream.linear.gather @!p0 [hbm4b:s9+s10], $0x2000, $0x38;
	[tilespmem:$0x1D880] =	vst v63  }
0x15c: {  	_ =	swait.ge [sflag:s30], $0x1000  }
0x15d: {  	[sflag:s30] =	ssyncset.done $0x0  }
0x15e: {  	[sflag:s30] =	ssyncadd.s32 $0xFFFFF000  }
0x15f: {  	_ =	swait.ge [sflag:s3], $0x1000  }
0x160: {  	[sflag:s3] =	ssyncset.done $0x0  }
0x161: {  	[sflag:s3] =	ssyncadd.s32 $0xFFFFF000  }
0x162: {  	_ =	swait.ge [sflag:s13], $0x2000  }
0x163: {  	[sflag:s13] =	ssyncset.done $0x0  }
0x164: {  	s26 =	simm.s32 $0x0;
	[sflag:s13] =	ssyncadd.s32 $0xFFFFE000  }
0x165: {  	v0 =	vld [tilespmem:s26+$0x7970]  }
0x166: {  	v1 =	vld [tilespmem:s26+$0x7880]  }
0x167: {  	v2 =	vld [tilespmem:s26+$0x7890]  }
0x168: {  	v3 =	vld [tilespmem:s26+$0x78A0]  }
0x169: {  	v4 =	vld [tilespmem:s26+$0x78B0]  }
0x16a: {  	v5 =	vld [tilespmem:s26+$0x78C0]  }
0x16b: {  	v6 =	vld [tilespmem:s26+$0x78D0]  }
0x16c: {  	v7 =	vld [tilespmem:s26+$0x78E0]  }
0x16d: {  	v8 =	vld [tilespmem:s26+$0x78F0]  }
0x16e: {  	v9 =	vld [tilespmem:s26+$0x7900]  }
0x16f: {  	v10 =	vld [tilespmem:s26+$0x7910]  }
0x170: {  	v11 =	vld [tilespmem:s26+$0x7920]  }
0x171: {  	v12 =	vld [tilespmem:s26+$0x7930]  }
0x172: {  	v13 =	vld [tilespmem:s26+$0x7940]  }
0x173: {  	v14 =	vld [tilespmem:s26+$0x7950]  }
0x174: {  	[tilespmem:s26+$0x15970] =	vst.add.f32.msk $0xffff, v0  }
0x175: {  	v0 =	vld [tilespmem:s26+$0x7960]  }
0x176: {  	[tilespmem:s26+$0x15880] =	vst.add.f32.msk $0xffff, v1  }
0x177: {  	[tilespmem:s26+$0x15890] =	vst.add.f32.msk $0xffff, v2  }
0x178: {  	[tilespmem:s26+$0x158A0] =	vst.add.f32.msk $0xffff, v3  }
0x179: {  	[tilespmem:s26+$0x158B0] =	vst.add.f32.msk $0xffff, v4  }
0x17a: {  	[tilespmem:s26+$0x158C0] =	vst.add.f32.msk $0xffff, v5  }
0x17b: {  	[tilespmem:s26+$0x158D0] =	vst.add.f32.msk $0xffff, v6  }
0x17c: {  	[tilespmem:s26+$0x158E0] =	vst.add.f32.msk $0xffff, v7  }
0x17d: {  	[tilespmem:s26+$0x158F0] =	vst.add.f32.msk $0xffff, v8  }
0x17e: {  	[tilespmem:s26+$0x15900] =	vst.add.f32.msk $0xffff, v9  }
0x17f: {  	[tilespmem:s26+$0x15910] =	vst.add.f32.msk $0xffff, v10  }
0x180: {  	[tilespmem:s26+$0x15920] =	vst.add.f32.msk $0xffff, v11  }
0x181: {  	[tilespmem:s26+$0x15930] =	vst.add.f32.msk $0xffff, v12  }
0x182: {  	[tilespmem:s26+$0x15940] =	vst.add.f32.msk $0xffff, v13  }
0x183: {  	s9 =	simm.s32 $0x0;
	s10 =	simm.s32 $0x400;
	[tilespmem:s26+$0x15950] =	vst.add.f32.msk $0xffff, v14  }
.LBB2_9:
0x184: {  	s9 =	sadd.s32 $0x2, s9;
	[tilespmem:s26+$0x15960] =	vst.add.f32.msk $0xffff, v0;
	s26 =	sshra.s32 s10, $0x2  }
0x185: {  	v0 =	vld [tilespmem:s26+$0x7970];
	p1 =	slt.u32 s9, $0x3E  }
0x186: {  	v1 =	vld [tilespmem:s26+$0x7880]  }
0x187: {  	v2 =	vld [tilespmem:s26+$0x7890]  }
0x188: {  	v3 =	vld [tilespmem:s26+$0x78A0]  }
0x189: {  	v4 =	vld [tilespmem:s26+$0x78B0]  }
0x18a: {  	[tilespmem:s26+$0x15970] =	vst.add.f32.msk $0xffff, v0  }
0x18b: {  	v5 =	vld [tilespmem:s26+$0x78C0]  }
0x18c: {  	v6 =	vld [tilespmem:s26+$0x78D0]  }
0x18d: {  	v7 =	vld [tilespmem:s26+$0x78E0]  }
0x18e: {  	v8 =	vld [tilespmem:s26+$0x78F0]  }
0x18f: {  	v9 =	vld [tilespmem:s26+$0x7900]  }
0x190: {  	v10 =	vld [tilespmem:s26+$0x7910]  }
0x191: {  	v11 =	vld [tilespmem:s26+$0x7920]  }
0x192: {  	v12 =	vld [tilespmem:s26+$0x7930]  }
0x193: {  	v13 =	vld [tilespmem:s26+$0x7940]  }
0x194: {  	v14 =	vld [tilespmem:s26+$0x7950]  }
0x195: {  	v0 =	vld [tilespmem:s26+$0x7960]  }
0x196: {  	[tilespmem:s26+$0x15880] =	vst.add.f32.msk $0xffff, v1  }
0x197: {  	[tilespmem:s26+$0x15890] =	vst.add.f32.msk $0xffff, v2  }
0x198: {  	[tilespmem:s26+$0x158A0] =	vst.add.f32.msk $0xffff, v3  }
0x199: {  	[tilespmem:s26+$0x158B0] =	vst.add.f32.msk $0xffff, v4  }
0x19a: {  	[tilespmem:s26+$0x158C0] =	vst.add.f32.msk $0xffff, v5  }
0x19b: {  	[tilespmem:s26+$0x158D0] =	vst.add.f32.msk $0xffff, v6  }
0x19c: {  	[tilespmem:s26+$0x158E0] =	vst.add.f32.msk $0xffff, v7  }
0x19d: {  	[tilespmem:s26+$0x158F0] =	vst.add.f32.msk $0xffff, v8  }
0x19e: {  	[tilespmem:s26+$0x15900] =	vst.add.f32.msk $0xffff, v9  }
.Ltmp5:
0x19f: {  	[tilespmem:s26+$0x15910] =	vst.add.f32.msk $0xffff, v10;
	(pc) =	sbr.rel @p1 .LBB2_9-.Ltmp5, $4  }
0x1a0: {  	[tilespmem:s26+$0x15920] =	vst.add.f32.msk $0xffff, v11  }
0x1a1: {  	[tilespmem:s26+$0x15930] =	vst.add.f32.msk $0xffff, v12  }
0x1a2: {  	[tilespmem:s26+$0x15940] =	vst.add.f32.msk $0xffff, v13  }
0x1a3: {  	s10 =	sadd.s32 $0x400, s10;
	[tilespmem:s26+$0x15950] =	vst.add.f32.msk $0xffff, v14  }
0x1a4: {  	[tilespmem:s26+$0x15960] =	vst.add.f32.msk $0xffff, v0  }
0x1a5: {  	s9 =	rddreg [dreg:$0xd]  }
0x1a6: {  	s10 =	simm.s32 $0x15880;
	s9 =	sadd.s32 s25, s9  }
0x1a7: {  	[hbm4b:s9+s5] =	stream.linear.scatter [tilespmem:s10], [sflag:$0x12], $0x2000, $0x38;
	[tilespmem:$0x1D880] =	vst v63  }
0x1a8: {  	s9 =	simm.s32 @!p0 $0x10  }
0x1a9: {  	_ =	swait.ge @!p0 [sflag:s9], $0x2000  }
0x1aa: {  	s11 =	simm.s32 @!p0 $0x3880;
	[sflag:s9] =	ssyncset.done @!p0 $0x0  }
0x1ab: {  	s10 =	simm.s32 @!p0 $0x20;
	[sflag:s9] =	ssyncadd.s32 @!p0 $0xFFFFE000;
	s9 =	sadd.s32 @!p0 $0x200, s8  }
0x1ac: {  	[tilespmem:s11], [sflag:$0x2] =	stream.indirect.gather @!p0 [hbm4b:s1+s10], $0x80, s9, s10, $0xb8;
	[tilespmem:$0x1D880] =	vst v63  }
0x1ad: {  	s9 =	sadd.s32 @!p0 s6, s9  }
0x1ae: {  	s26 =	simm.s32 @!p0 $0x4880;
	s11 =	sadd.s32 @!p0 $0x220, s8;
	s9 =	sshll.u32 @!p0 s9, $0x4  }
0x1af: {  	[tilespmem:s26], [sflag:$0x17] =	stream.indirect.gather @!p0 [hbm4b:s1+s10], $0x80, s11, s10, $0xb8;
	[tilespmem:$0x1D880] =	vst v63  }
0x1b0: {  	s9 =	sadd.s32 @!p0 s2, s9;
	s10 =	simm.s32 @!p0 $0x0;
	s11 =	simm.s32 @!p0 $0x11880  }
0x1b1: {  	[tilespmem:s11], [sflag:$0x9] =	stream.linear.gather @!p0 [hbm4b:s9+s10], $0x2000, $0x38;
	[tilespmem:$0x1D880] =	vst v63  }
0x1b2: {  	_ =	swait.ge [sflag:s18], $0x1000  }
0x1b3: {  	[sflag:s18] =	ssyncset.done $0x0  }
0x1b4: {  	[sflag:s18] =	ssyncadd.s32 $0xFFFFF000  }
0x1b5: {  	_ =	swait.ge [sflag:s23], $0x1000  }
0x1b6: {  	[sflag:s23] =	ssyncset.done $0x0  }
0x1b7: {  	[sflag:s23] =	ssyncadd.s32 $0xFFFFF000  }
0x1b8: {  	_ =	swait.ge [sflag:s29], $0x2000  }
0x1b9: {  	[sflag:s29] =	ssyncset.done $0x0  }
0x1ba: {  	s26 =	simm.s32 $0x0;
	[sflag:s29] =	ssyncadd.s32 $0xFFFFE000  }
0x1bb: {  	v0 =	vld [tilespmem:s26+$0x9970]  }
0x1bc: {  	v1 =	vld [tilespmem:s26+$0x9880]  }
0x1bd: {  	v2 =	vld [tilespmem:s26+$0x9890]  }
0x1be: {  	v3 =	vld [tilespmem:s26+$0x98A0]  }
0x1bf: {  	v4 =	vld [tilespmem:s26+$0x98B0]  }
0x1c0: {  	v5 =	vld [tilespmem:s26+$0x98C0]  }
0x1c1: {  	v6 =	vld [tilespmem:s26+$0x98D0]  }
0x1c2: {  	v7 =	vld [tilespmem:s26+$0x98E0]  }
0x1c3: {  	v8 =	vld [tilespmem:s26+$0x98F0]  }
0x1c4: {  	v9 =	vld [tilespmem:s26+$0x9900]  }
0x1c5: {  	v10 =	vld [tilespmem:s26+$0x9910]  }
0x1c6: {  	v11 =	vld [tilespmem:s26+$0x9920]  }
0x1c7: {  	v12 =	vld [tilespmem:s26+$0x9930]  }
0x1c8: {  	v13 =	vld [tilespmem:s26+$0x9940]  }
0x1c9: {  	v14 =	vld [tilespmem:s26+$0x9950]  }
0x1ca: {  	[tilespmem:s26+$0x17970] =	vst.add.f32.msk $0xffff, v0  }
0x1cb: {  	v0 =	vld [tilespmem:s26+$0x9960]  }
0x1cc: {  	[tilespmem:s26+$0x17880] =	vst.add.f32.msk $0xffff, v1  }
0x1cd: {  	[tilespmem:s26+$0x17890] =	vst.add.f32.msk $0xffff, v2  }
0x1ce: {  	[tilespmem:s26+$0x178A0] =	vst.add.f32.msk $0xffff, v3  }
0x1cf: {  	[tilespmem:s26+$0x178B0] =	vst.add.f32.msk $0xffff, v4  }
0x1d0: {  	[tilespmem:s26+$0x178C0] =	vst.add.f32.msk $0xffff, v5  }
0x1d1: {  	[tilespmem:s26+$0x178D0] =	vst.add.f32.msk $0xffff, v6  }
0x1d2: {  	[tilespmem:s26+$0x178E0] =	vst.add.f32.msk $0xffff, v7  }
0x1d3: {  	[tilespmem:s26+$0x178F0] =	vst.add.f32.msk $0xffff, v8  }
0x1d4: {  	[tilespmem:s26+$0x17900] =	vst.add.f32.msk $0xffff, v9  }
0x1d5: {  	[tilespmem:s26+$0x17910] =	vst.add.f32.msk $0xffff, v10  }
0x1d6: {  	[tilespmem:s26+$0x17920] =	vst.add.f32.msk $0xffff, v11  }
0x1d7: {  	[tilespmem:s26+$0x17930] =	vst.add.f32.msk $0xffff, v12  }
0x1d8: {  	[tilespmem:s26+$0x17940] =	vst.add.f32.msk $0xffff, v13  }
0x1d9: {  	s9 =	simm.s32 $0x0;
	s10 =	simm.s32 $0x400;
	[tilespmem:s26+$0x17950] =	vst.add.f32.msk $0xffff, v14  }
.LBB2_11:
0x1da: {  	s9 =	sadd.s32 $0x2, s9;
	[tilespmem:s26+$0x17960] =	vst.add.f32.msk $0xffff, v0;
	s26 =	sshra.s32 s10, $0x2  }
0x1db: {  	v0 =	vld [tilespmem:s26+$0x9970];
	p1 =	slt.u32 s9, $0x3E  }
0x1dc: {  	v1 =	vld [tilespmem:s26+$0x9880]  }
0x1dd: {  	v2 =	vld [tilespmem:s26+$0x9890]  }
0x1de: {  	v3 =	vld [tilespmem:s26+$0x98A0]  }
0x1df: {  	v4 =	vld [tilespmem:s26+$0x98B0]  }
0x1e0: {  	[tilespmem:s26+$0x17970] =	vst.add.f32.msk $0xffff, v0  }
0x1e1: {  	v5 =	vld [tilespmem:s26+$0x98C0]  }
0x1e2: {  	v6 =	vld [tilespmem:s26+$0x98D0]  }
0x1e3: {  	v7 =	vld [tilespmem:s26+$0x98E0]  }
0x1e4: {  	v8 =	vld [tilespmem:s26+$0x98F0]  }
0x1e5: {  	v9 =	vld [tilespmem:s26+$0x9900]  }
0x1e6: {  	v10 =	vld [tilespmem:s26+$0x9910]  }
0x1e7: {  	v11 =	vld [tilespmem:s26+$0x9920]  }
0x1e8: {  	v12 =	vld [tilespmem:s26+$0x9930]  }
0x1e9: {  	v13 =	vld [tilespmem:s26+$0x9940]  }
0x1ea: {  	v14 =	vld [tilespmem:s26+$0x9950]  }
0x1eb: {  	v0 =	vld [tilespmem:s26+$0x9960]  }
0x1ec: {  	[tilespmem:s26+$0x17880] =	vst.add.f32.msk $0xffff, v1  }
0x1ed: {  	[tilespmem:s26+$0x17890] =	vst.add.f32.msk $0xffff, v2  }
0x1ee: {  	[tilespmem:s26+$0x178A0] =	vst.add.f32.msk $0xffff, v3  }
0x1ef: {  	[tilespmem:s26+$0x178B0] =	vst.add.f32.msk $0xffff, v4  }
0x1f0: {  	[tilespmem:s26+$0x178C0] =	vst.add.f32.msk $0xffff, v5  }
0x1f1: {  	[tilespmem:s26+$0x178D0] =	vst.add.f32.msk $0xffff, v6  }
0x1f2: {  	[tilespmem:s26+$0x178E0] =	vst.add.f32.msk $0xffff, v7  }
0x1f3: {  	[tilespmem:s26+$0x178F0] =	vst.add.f32.msk $0xffff, v8  }
0x1f4: {  	[tilespmem:s26+$0x17900] =	vst.add.f32.msk $0xffff, v9  }
.Ltmp6:
0x1f5: {  	[tilespmem:s26+$0x17910] =	vst.add.f32.msk $0xffff, v10;
	(pc) =	sbr.rel @p1 .LBB2_11-.Ltmp6, $4  }
0x1f6: {  	[tilespmem:s26+$0x17920] =	vst.add.f32.msk $0xffff, v11  }
0x1f7: {  	[tilespmem:s26+$0x17930] =	vst.add.f32.msk $0xffff, v12  }
0x1f8: {  	[tilespmem:s26+$0x17940] =	vst.add.f32.msk $0xffff, v13  }
0x1f9: {  	s10 =	sadd.s32 $0x400, s10;
	[tilespmem:s26+$0x17950] =	vst.add.f32.msk $0xffff, v14  }
0x1fa: {  	[tilespmem:s26+$0x17960] =	vst.add.f32.msk $0xffff, v0  }
0x1fb: {  	s9 =	rddreg [dreg:$0xe]  }
0x1fc: {  	s26 =	simm.s32 $0x17880;
	s9 =	sadd.s32 s25, s9  }
0x1fd: {  	[hbm4b:s9+s5] =	stream.linear.scatter [tilespmem:s26], [sflag:$0x13], $0x2000, $0x38;
	[tilespmem:$0x1D880] =	vst v63  }
0x1fe: {  	s9 =	simm.s32 @!p0 $0x11  }
0x1ff: {  	_ =	swait.ge @!p0 [sflag:s9], $0x2000  }
0x200: {  	s10 =	simm.s32 @!p0 $0x20;
	[sflag:s9] =	ssyncset.done @!p0 $0x0  }
0x201: {  	s11 =	simm.s32 @!p0 $0x5880;
	[sflag:s9] =	ssyncadd.s32 @!p0 $0xFFFFE000;
	s9 =	sadd.s32 @!p0 $0x240, s8  }
0x202: {  	[tilespmem:s11], [sflag:$0x3] =	stream.indirect.gather @!p0 [hbm4b:s1+s10], $0x80, s9, s10, $0xb8;
	[tilespmem:$0x1D880] =	vst v63  }
0x203: {  	s9 =	sadd.s32 @!p0 s6, s9  }
0x204: {  	s25 =	simm.s32 @!p0 $0x6880;
	s11 =	sadd.s32 @!p0 $0x260, s8;
	s9 =	sshll.u32 @!p0 s9, $0x4  }
0x205: {  	[tilespmem:s25], [sflag:$0x18] =	stream.indirect.gather @!p0 [hbm4b:s1+s10], $0x80, s11, s10, $0xb8;
	[tilespmem:$0x1D880] =	vst v63  }
0x206: {  	s9 =	sadd.s32 @!p0 s2, s9;
	s10 =	simm.s32 @!p0 $0x0;
	s11 =	simm.s32 @!p0 $0x13880  }
0x207: {  	[tilespmem:s11], [sflag:$0xA] =	stream.linear.gather @!p0 [hbm4b:s9+s10], $0x2000, $0x38;
	[tilespmem:$0x1D880] =	vst v63  }
0x208: {  	_ =	swait.ge [sflag:s21], $0x1000  }
0x209: {  	[sflag:s21] =	ssyncset.done $0x0  }
0x20a: {  	[sflag:s21] =	ssyncadd.s32 $0xFFFFF000  }
0x20b: {  	_ =	swait.ge [sflag:s28], $0x1000  }
0x20c: {  	[sflag:s28] =	ssyncset.done $0x0  }
0x20d: {  	[sflag:s28] =	ssyncadd.s32 $0xFFFFF000  }
0x20e: {  	_ =	swait.ge [sflag:s4], $0x2000  }
0x20f: {  	[sflag:s4] =	ssyncset.done $0x0  }
0x210: {  	s25 =	simm.s32 $0x0;
	[sflag:s4] =	ssyncadd.s32 $0xFFFFE000  }
0x211: {  	v0 =	vld [tilespmem:s25+$0xB970]  }
0x212: {  	v1 =	vld [tilespmem:s25+$0xB880]  }
0x213: {  	v2 =	vld [tilespmem:s25+$0xB890]  }
0x214: {  	v3 =	vld [tilespmem:s25+$0xB8A0]  }
0x215: {  	v4 =	vld [tilespmem:s25+$0xB8B0]  }
0x216: {  	v5 =	vld [tilespmem:s25+$0xB8C0]  }
0x217: {  	v6 =	vld [tilespmem:s25+$0xB8D0]  }
0x218: {  	v7 =	vld [tilespmem:s25+$0xB8E0]  }
0x219: {  	v8 =	vld [tilespmem:s25+$0xB8F0]  }
0x21a: {  	v9 =	vld [tilespmem:s25+$0xB900]  }
0x21b: {  	v10 =	vld [tilespmem:s25+$0xB910]  }
0x21c: {  	v11 =	vld [tilespmem:s25+$0xB920]  }
0x21d: {  	v12 =	vld [tilespmem:s25+$0xB930]  }
0x21e: {  	v13 =	vld [tilespmem:s25+$0xB940]  }
0x21f: {  	v14 =	vld [tilespmem:s25+$0xB950]  }
0x220: {  	[tilespmem:s25+$0x19970] =	vst.add.f32.msk $0xffff, v0  }
0x221: {  	v0 =	vld [tilespmem:s25+$0xB960]  }
0x222: {  	[tilespmem:s25+$0x19880] =	vst.add.f32.msk $0xffff, v1  }
0x223: {  	[tilespmem:s25+$0x19890] =	vst.add.f32.msk $0xffff, v2  }
0x224: {  	[tilespmem:s25+$0x198A0] =	vst.add.f32.msk $0xffff, v3  }
0x225: {  	[tilespmem:s25+$0x198B0] =	vst.add.f32.msk $0xffff, v4  }
0x226: {  	[tilespmem:s25+$0x198C0] =	vst.add.f32.msk $0xffff, v5  }
0x227: {  	[tilespmem:s25+$0x198D0] =	vst.add.f32.msk $0xffff, v6  }
0x228: {  	[tilespmem:s25+$0x198E0] =	vst.add.f32.msk $0xffff, v7  }
0x229: {  	[tilespmem:s25+$0x198F0] =	vst.add.f32.msk $0xffff, v8  }
0x22a: {  	[tilespmem:s25+$0x19900] =	vst.add.f32.msk $0xffff, v9  }
0x22b: {  	[tilespmem:s25+$0x19910] =	vst.add.f32.msk $0xffff, v10  }
0x22c: {  	[tilespmem:s25+$0x19920] =	vst.add.f32.msk $0xffff, v11  }
0x22d: {  	[tilespmem:s25+$0x19930] =	vst.add.f32.msk $0xffff, v12  }
0x22e: {  	[tilespmem:s25+$0x19940] =	vst.add.f32.msk $0xffff, v13  }
0x22f: {  	s9 =	simm.s32 $0x0;
	s10 =	simm.s32 $0x400;
	[tilespmem:s25+$0x19950] =	vst.add.f32.msk $0xffff, v14  }
.LBB2_13:
0x230: {  	s9 =	sadd.s32 $0x2, s9;
	[tilespmem:s25+$0x19960] =	vst.add.f32.msk $0xffff, v0;
	s25 =	sshra.s32 s10, $0x2  }
0x231: {  	v0 =	vld [tilespmem:s25+$0xB970];
	p1 =	slt.u32 s9, $0x3E  }
0x232: {  	v1 =	vld [tilespmem:s25+$0xB880]  }
0x233: {  	v2 =	vld [tilespmem:s25+$0xB890]  }
0x234: {  	v3 =	vld [tilespmem:s25+$0xB8A0]  }
0x235: {  	v4 =	vld [tilespmem:s25+$0xB8B0]  }
0x236: {  	[tilespmem:s25+$0x19970] =	vst.add.f32.msk $0xffff, v0  }
0x237: {  	v5 =	vld [tilespmem:s25+$0xB8C0]  }
0x238: {  	v6 =	vld [tilespmem:s25+$0xB8D0]  }
0x239: {  	v7 =	vld [tilespmem:s25+$0xB8E0]  }
0x23a: {  	v8 =	vld [tilespmem:s25+$0xB8F0]  }
0x23b: {  	v9 =	vld [tilespmem:s25+$0xB900]  }
0x23c: {  	v10 =	vld [tilespmem:s25+$0xB910]  }
0x23d: {  	v11 =	vld [tilespmem:s25+$0xB920]  }
0x23e: {  	v12 =	vld [tilespmem:s25+$0xB930]  }
0x23f: {  	v13 =	vld [tilespmem:s25+$0xB940]  }
0x240: {  	v14 =	vld [tilespmem:s25+$0xB950]  }
0x241: {  	v0 =	vld [tilespmem:s25+$0xB960]  }
0x242: {  	[tilespmem:s25+$0x19880] =	vst.add.f32.msk $0xffff, v1  }
0x243: {  	[tilespmem:s25+$0x19890] =	vst.add.f32.msk $0xffff, v2  }
0x244: {  	[tilespmem:s25+$0x198A0] =	vst.add.f32.msk $0xffff, v3  }
0x245: {  	[tilespmem:s25+$0x198B0] =	vst.add.f32.msk $0xffff, v4  }
0x246: {  	[tilespmem:s25+$0x198C0] =	vst.add.f32.msk $0xffff, v5  }
0x247: {  	[tilespmem:s25+$0x198D0] =	vst.add.f32.msk $0xffff, v6  }
0x248: {  	[tilespmem:s25+$0x198E0] =	vst.add.f32.msk $0xffff, v7  }
0x249: {  	[tilespmem:s25+$0x198F0] =	vst.add.f32.msk $0xffff, v8  }
0x24a: {  	[tilespmem:s25+$0x19900] =	vst.add.f32.msk $0xffff, v9  }
.Ltmp7:
0x24b: {  	[tilespmem:s25+$0x19910] =	vst.add.f32.msk $0xffff, v10;
	(pc) =	sbr.rel @p1 .LBB2_13-.Ltmp7, $4  }
0x24c: {  	[tilespmem:s25+$0x19920] =	vst.add.f32.msk $0xffff, v11  }
0x24d: {  	[tilespmem:s25+$0x19930] =	vst.add.f32.msk $0xffff, v12  }
0x24e: {  	[tilespmem:s25+$0x19940] =	vst.add.f32.msk $0xffff, v13  }
0x24f: {  	s10 =	sadd.s32 $0x400, s10;
	[tilespmem:s25+$0x19950] =	vst.add.f32.msk $0xffff, v14  }
0x250: {  	s9 =	sshll.u32 s24, $0xA  }
0x251: {  	[tilespmem:s25+$0x19960] =	vst.add.f32.msk $0xffff, v0;
	s25 =	simm.s32 $0x19880;
	s9 =	sadd.s32 s9, s12  }
0x252: {  	[hbm4b:s9+s5] =	stream.linear.scatter [tilespmem:s25], [sflag:$0x14], $0x2000, $0x38;
	[tilespmem:$0x1D880] =	vst v63  }
0x253: {  	s9 =	simm.s32 @!p0 $0x12  }
0x254: {  	_ =	swait.ge @!p0 [sflag:s9], $0x2000  }
0x255: {  	s10 =	simm.s32 @!p0 $0x20;
	[sflag:s9] =	ssyncset.done @!p0 $0x0  }
0x256: {  	s11 =	simm.s32 @!p0 $0x7880;
	[sflag:s9] =	ssyncadd.s32 @!p0 $0xFFFFE000;
	s9 =	sadd.s32 @!p0 $0x280, s8  }
0x257: {  	[tilespmem:s11], [sflag:$0x4] =	stream.indirect.gather @!p0 [hbm4b:s1+s10], $0x80, s9, s10, $0xb8;
	[tilespmem:$0x1D880] =	vst v63  }
0x258: {  	s9 =	sadd.s32 @!p0 s6, s9  }
0x259: {  	s24 =	simm.s32 @!p0 $0x8880;
	s11 =	sadd.s32 @!p0 $0x2A0, s8;
	s9 =	sshll.u32 @!p0 s9, $0x4  }
0x25a: {  	[tilespmem:s24], [sflag:$0x19] =	stream.indirect.gather @!p0 [hbm4b:s1+s10], $0x80, s11, s10, $0xb8;
	[tilespmem:$0x1D880] =	vst v63  }
0x25b: {  	s9 =	sadd.s32 @!p0 s2, s9;
	s10 =	simm.s32 @!p0 $0x0;
	s11 =	simm.s32 @!p0 $0x15880  }
0x25c: {  	[tilespmem:s11], [sflag:$0xB] =	stream.linear.gather @!p0 [hbm4b:s9+s10], $0x2000, $0x38;
	[tilespmem:$0x1D880] =	vst v63  }
0x25d: {  	_ =	swait.ge [sflag:s14], $0x1000  }
0x25e: {  	[sflag:s14] =	ssyncset.done $0x0  }
0x25f: {  	[sflag:s14] =	ssyncadd.s32 $0xFFFFF000  }
0x260: {  	_ =	swait.ge [sflag:s15], $0x1000  }
0x261: {  	[sflag:s15] =	ssyncset.done $0x0  }
0x262: {  	[sflag:s15] =	ssyncadd.s32 $0xFFFFF000  }
0x263: {  	_ =	swait.ge [sflag:s16], $0x2000  }
0x264: {  	[sflag:s16] =	ssyncset.done $0x0  }
0x265: {  	s24 =	simm.s32 $0x0;
	[sflag:s16] =	ssyncadd.s32 $0xFFFFE000  }
0x266: {  	v0 =	vld [tilespmem:s24+$0xD970]  }
0x267: {  	v1 =	vld [tilespmem:s24+$0xD880]  }
0x268: {  	v2 =	vld [tilespmem:s24+$0xD890]  }
0x269: {  	v3 =	vld [tilespmem:s24+$0xD8A0]  }
0x26a: {  	v4 =	vld [tilespmem:s24+$0xD8B0]  }
0x26b: {  	v5 =	vld [tilespmem:s24+$0xD8C0]  }
0x26c: {  	v6 =	vld [tilespmem:s24+$0xD8D0]  }
0x26d: {  	v7 =	vld [tilespmem:s24+$0xD8E0]  }
0x26e: {  	v8 =	vld [tilespmem:s24+$0xD8F0]  }
0x26f: {  	v9 =	vld [tilespmem:s24+$0xD900]  }
0x270: {  	v10 =	vld [tilespmem:s24+$0xD910]  }
0x271: {  	v11 =	vld [tilespmem:s24+$0xD920]  }
0x272: {  	v12 =	vld [tilespmem:s24+$0xD930]  }
0x273: {  	v13 =	vld [tilespmem:s24+$0xD940]  }
0x274: {  	v14 =	vld [tilespmem:s24+$0xD950]  }
0x275: {  	[tilespmem:s24+$0x1B970] =	vst.add.f32.msk $0xffff, v0  }
0x276: {  	v0 =	vld [tilespmem:s24+$0xD960]  }
0x277: {  	[tilespmem:s24+$0x1B880] =	vst.add.f32.msk $0xffff, v1  }
0x278: {  	[tilespmem:s24+$0x1B890] =	vst.add.f32.msk $0xffff, v2  }
0x279: {  	[tilespmem:s24+$0x1B8A0] =	vst.add.f32.msk $0xffff, v3  }
0x27a: {  	[tilespmem:s24+$0x1B8B0] =	vst.add.f32.msk $0xffff, v4  }
0x27b: {  	[tilespmem:s24+$0x1B8C0] =	vst.add.f32.msk $0xffff, v5  }
0x27c: {  	[tilespmem:s24+$0x1B8D0] =	vst.add.f32.msk $0xffff, v6  }
0x27d: {  	[tilespmem:s24+$0x1B8E0] =	vst.add.f32.msk $0xffff, v7  }
0x27e: {  	[tilespmem:s24+$0x1B8F0] =	vst.add.f32.msk $0xffff, v8  }
0x27f: {  	[tilespmem:s24+$0x1B900] =	vst.add.f32.msk $0xffff, v9  }
0x280: {  	[tilespmem:s24+$0x1B910] =	vst.add.f32.msk $0xffff, v10  }
0x281: {  	[tilespmem:s24+$0x1B920] =	vst.add.f32.msk $0xffff, v11  }
0x282: {  	[tilespmem:s24+$0x1B930] =	vst.add.f32.msk $0xffff, v12  }
0x283: {  	[tilespmem:s24+$0x1B940] =	vst.add.f32.msk $0xffff, v13  }
0x284: {  	s9 =	simm.s32 $0x0;
	s10 =	simm.s32 $0x400;
	[tilespmem:s24+$0x1B950] =	vst.add.f32.msk $0xffff, v14  }
.LBB2_15:
0x285: {  	s9 =	sadd.s32 $0x2, s9;
	[tilespmem:s24+$0x1B960] =	vst.add.f32.msk $0xffff, v0;
	s24 =	sshra.s32 s10, $0x2  }
0x286: {  	v0 =	vld [tilespmem:s24+$0xD970];
	p1 =	slt.u32 s9, $0x3E  }
0x287: {  	v1 =	vld [tilespmem:s24+$0xD880]  }
0x288: {  	v2 =	vld [tilespmem:s24+$0xD890]  }
0x289: {  	v3 =	vld [tilespmem:s24+$0xD8A0]  }
0x28a: {  	v4 =	vld [tilespmem:s24+$0xD8B0]  }
0x28b: {  	[tilespmem:s24+$0x1B970] =	vst.add.f32.msk $0xffff, v0  }
0x28c: {  	v5 =	vld [tilespmem:s24+$0xD8C0]  }
0x28d: {  	v6 =	vld [tilespmem:s24+$0xD8D0]  }
0x28e: {  	v7 =	vld [tilespmem:s24+$0xD8E0]  }
0x28f: {  	v8 =	vld [tilespmem:s24+$0xD8F0]  }
0x290: {  	v9 =	vld [tilespmem:s24+$0xD900]  }
0x291: {  	v10 =	vld [tilespmem:s24+$0xD910]  }
0x292: {  	v11 =	vld [tilespmem:s24+$0xD920]  }
0x293: {  	v12 =	vld [tilespmem:s24+$0xD930]  }
0x294: {  	v13 =	vld [tilespmem:s24+$0xD940]  }
0x295: {  	v14 =	vld [tilespmem:s24+$0xD950]  }
0x296: {  	v0 =	vld [tilespmem:s24+$0xD960]  }
0x297: {  	[tilespmem:s24+$0x1B880] =	vst.add.f32.msk $0xffff, v1  }
0x298: {  	[tilespmem:s24+$0x1B890] =	vst.add.f32.msk $0xffff, v2  }
0x299: {  	[tilespmem:s24+$0x1B8A0] =	vst.add.f32.msk $0xffff, v3  }
0x29a: {  	[tilespmem:s24+$0x1B8B0] =	vst.add.f32.msk $0xffff, v4  }
0x29b: {  	[tilespmem:s24+$0x1B8C0] =	vst.add.f32.msk $0xffff, v5  }
0x29c: {  	[tilespmem:s24+$0x1B8D0] =	vst.add.f32.msk $0xffff, v6  }
0x29d: {  	[tilespmem:s24+$0x1B8E0] =	vst.add.f32.msk $0xffff, v7  }
0x29e: {  	[tilespmem:s24+$0x1B8F0] =	vst.add.f32.msk $0xffff, v8  }
0x29f: {  	[tilespmem:s24+$0x1B900] =	vst.add.f32.msk $0xffff, v9  }
.Ltmp8:
0x2a0: {  	[tilespmem:s24+$0x1B910] =	vst.add.f32.msk $0xffff, v10;
	(pc) =	sbr.rel @p1 .LBB2_15-.Ltmp8, $4  }
0x2a1: {  	[tilespmem:s24+$0x1B920] =	vst.add.f32.msk $0xffff, v11  }
0x2a2: {  	[tilespmem:s24+$0x1B930] =	vst.add.f32.msk $0xffff, v12  }
0x2a3: {  	[tilespmem:s24+$0x1B940] =	vst.add.f32.msk $0xffff, v13  }
0x2a4: {  	s10 =	sadd.s32 $0x400, s10;
	[tilespmem:s24+$0x1B950] =	vst.add.f32.msk $0xffff, v14  }
.Ltmp9:
0x2a5: {  	(pc) =	sbr.rel @p0 .LBB2_18-.Ltmp9, $4  }
0x2a6: {  	_ = 	snop  }
0x2a7: {  	s7 =	sshll.u32 s7, $0xA  }
0x2a8: {  	[tilespmem:s24+$0x1B960] =	vst.add.f32.msk $0xffff, v0;
	s9 =	simm.s32 $0x1B880;
	s11 =	smov.u32 s19;
	s7 =	sadd.s32 s7, s12  }
0x2a9: {  	[hbm4b:s7+s5] =	stream.linear.scatter [tilespmem:s9], [sflag:$0x15], $0x2000, $0x38;
	[tilespmem:$0x1D880] =	vst v63  }
0x2aa: {  	_ =	swait.ge [sflag:s17], $0x2000  }
0x2ab: {  	[sflag:s17] =	ssyncset.done $0x0  }
0x2ac: {  	s7 =	sadd.s32 $0x2C0, s8;
	s9 =	simm.s32 $0x9880;
	[sflag:s17] =	ssyncadd.s32 $0xFFFFE000  }
0x2ad: {  	[tilespmem:s9], [sflag:$0x5] =	stream.indirect.gather [hbm4b:s1+s20], $0x80, s7, s20, $0xb8;
	[tilespmem:$0x1D880] =	vst v63  }
.Ltmp10:
0x2ae: {  	s7 =	sadd.s32 s6, s7;
	(pc) =	sbr.rel .LBB2_2-.Ltmp10, $4  }
0x2af: {  	s19 =	sadd.s32 $0x2E0, s8;
	s24 =	simm.s32 $0xA880;
	s7 =	sshll.u32 s7, $0x4  }
0x2b0: {  	[tilespmem:s24], [sflag:$0x1A] =	stream.indirect.gather [hbm4b:s1+s20], $0x80, s19, s20, $0xb8;
	[tilespmem:$0x1D880] =	vst v63  }
0x2b1: {  	s22 =	sadd.s32 $0x1, s22;
	s7 =	sadd.s32 s2, s7  }
0x2b2: {  	[tilespmem:s26], [sflag:$0xC] =	stream.linear.gather [hbm4b:s7+s5], $0x2000, $0x38;
	[tilespmem:$0x1D880] =	vst v63  }
.LBB2_19:
0x2b3: {  	_ =	sfence.sel $0x180000  }
0x2b4: {  	[bflag:$0x0] =	sbarrier.arrive $0xFFFF  }
0x2b5: {  	_ =	strace $0x90000047  }
0x2b6: {  	s0 =	stileid.u32;
	[bflag:$0x2] =	sbarrier.arrive $0xFFFF  }
0x2b7: {  	p0 =	sne.s32 s0, $0x0;
	s0 =	rddreg [dreg:$0x4]  }
0x2b8: {  	s0 =	sadd.s32 @!p0 $0x100000, s0  }
0x2b9: {  	[sflag:s0] =	ssyncadd.tile.s32 @!p0 $0x1;
	_ =	shalt  }
.Lfunc_end2:
_tile_overlayer_lowered:
.L_overlay_start_2:
0x2ba: {  	(tag) =	ssettag $0x2  }
0x2bb: {  	s0 =	rddreg [dreg:$0x0];
	s2 =	stileid.u32  }
0x2bc: {  	s1 =	rddreg [dreg:$0x1];
	p0 =	sne.s32 s2, $0x0  }
0x2bd: {  	s3 =	rddreg [dreg:$0x2];
	[bflag:$0x3] =	sbarrier.arrive $0xFFFF;
	s2 =	simm.s32 @!p0 $0x1C1D  }
0x2be: {  	[timem:s3], [sflag:s2] =	dma.local @!p0 [hbm:s0], s1  }
0x2bf: {  	s0 =	simm.s32 @!p0 $0x1D  }
0x2c0: {  	_ =	swait.ge @!p0 [sflag:s0], s1  }
0x2c1: {  	s1 =	ssub.s32 @!p0 $0x0, s1;
	[sflag:s0] =	ssyncset.done @!p0 $0x0  }
0x2c2: {  	[sflag:s0] =	ssyncadd.s32 @!p0 s1  }
0x2c3: {  	[bflag:$0x3] =	sbarrier.arrive $0xFFFF  }
0x2c4: {  	_ =	shalt  }

</sc_bundles>
